<compile_context>
chip_gen: v7x
topology: tpu7x:2x2x1
jax: 0.10.2.dev20260603
libtpu: 0.0.44.dev20260713+nightly
codegen_flags: <defaults>
</compile_context>

<pallas_src>
import functools

import jax
import jax.numpy as jnp
from jax import lax
from jax.experimental import pallas as pl
from jax.experimental.pallas import tpu as pltpu
from jax.experimental.pallas import tpu_sc as plsc


def _sc_gather_pool(idx_flat, table_padded, B, S, D, NC, NS):
    NW = NC * NS
    bpw = B // NW
    rows_pw = bpw * S
    S0 = 104
    S1 = S - S0
    NG = D // 16
    DP = table_padded.shape[1]

    mesh = plsc.VectorSubcoreMesh(
        core_axis_name="c", subcore_axis_name="s",
        num_cores=NC, num_subcores=NS)

    @functools.partial(
        pl.kernel,
        out_type=(jax.ShapeDtypeStruct((B * S, D), jnp.float32),
                  jax.ShapeDtypeStruct((B, D), jnp.float32)),
        mesh=mesh,
        compiler_params=pltpu.CompilerParams(
            use_tc_tiling_on_sc=True, disable_semaphore_checks=True),
        scratch_types=(
            pltpu.VMEM((rows_pw,), jnp.int32),
            pltpu.VMEM((2, S, DP), jnp.float32),
            pltpu.VMEM((2, S0, D), jnp.float32),
            pltpu.VMEM((bpw, D), jnp.float32),
            pltpu.SemaphoreType.DMA,
            pltpu.SemaphoreType.DMA,
            pltpu.SemaphoreType.DMA,
            pltpu.SemaphoreType.DMA,
        ),
    )
    def body(idx_hbm, tab_hbm, tok_hbm, sum_hbm, idx_v, rows_v, stg_v,
             acc_v, g0, g1, o0, o1):
        gsem = (g0, g1)
        osem = (o0, o1)
        wid = lax.axis_index("s") * NC + lax.axis_index("c")
        row0 = pl.multiple_of(wid * rows_pw, 8)
        pltpu.sync_copy(idx_hbm.at[pl.ds(row0, rows_pw)], idx_v)

        def issue_gather(k, ph):
            off = pl.multiple_of(k * S, 8)
            pltpu.async_copy(tab_hbm.at[idx_v.at[pl.ds(off, S0)]],
                             rows_v.at[ph, pl.ds(0, S0)], gsem[ph])
            off2 = pl.multiple_of(k * S + S0, 8)
            pltpu.async_copy(tab_hbm.at[idx_v.at[pl.ds(off2, S1)]],
                             rows_v.at[ph, pl.ds(S0, S1)], gsem[ph])

        def wait_gather(ph):
            pltpu.make_async_copy(tab_hbm.at[pl.ds(0, S)],
                                  rows_v.at[ph], gsem[ph]).wait()

        def repack_half(ph, q, base, n, carry):
            buf = rows_v.at[ph]
            stg = stg_v.at[q]

            def sbody(s, c):
                out = []
                for g in range(NG):
                    v = buf[base + s, pl.ds(g * 16, 16)]
                    stg[s, pl.ds(g * 16, 16)] = v
                    out.append(c[g] + v)
                return tuple(out)

            return lax.fori_loop(0, n, sbody, carry, unroll=2)

        def issue_out(k, q, base, n):
            pltpu.async_copy(
                stg_v.at[q, pl.ds(0, n)],
                tok_hbm.at[pl.ds(row0 + k * S + base, n)], osem[q])

        def wait_out(q, n):
            pltpu.make_async_copy(stg_v.at[q, pl.ds(0, n)],
                                  tok_hbm.at[pl.ds(0, n)], osem[q]).wait()

        def do_batch(k, ph, first_k, last_k):
            wait_gather(ph)
            if not last_k:
                issue_gather(k + 1, 1 - ph)
            zero = jnp.zeros((16,), jnp.float32)
            if not first_k:
                wait_out(0, S0)
            c = repack_half(ph, 0, 0, S0, (zero,) * NG)
            issue_out(k, 0, 0, S0)
            if not first_k:
                wait_out(1, S1)
            c = repack_half(ph, 1, S0, S1, c)
            issue_out(k, 1, S0, S1)
            for g in range(NG):
                acc_v[k, pl.ds(g * 16, 16)] = c[g]

        issue_gather(0, 0)
        do_batch(0, 0, True, False)

        @pl.loop(0, (bpw - 2) // 2)
        def _(r):
            k = 1 + 2 * r
            do_batch(k, 1, False, False)
            do_batch(k + 1, 0, False, False)

        do_batch(bpw - 1, 1, False, True)

        wait_out(0, S0)
        wait_out(1, S1)
        pltpu.sync_copy(
            acc_v, sum_hbm.at[pl.ds(pl.multiple_of(wid * bpw, 8), bpw)])

    return body(idx_flat, table_padded)


def _proj_body(inv_s, s_ref, w_ref, b_ref, o_ref):
    x = s_ref[...] * inv_s
    o_ref[...] = lax.dot_general(
        x, w_ref[...], (((1,), (1,)), ((), ())),
        preferred_element_type=jnp.float32) + b_ref[...]


def _prep_body(D, tabT_ref, o_ref):
    o_ref[:, :D] = jnp.transpose(tabT_ref[...], (1, 0))


def _prep_table(embed_table, V, D):
    VB = 8192
    grid = (V + VB - 1) // VB
    return pl.pallas_call(
        functools.partial(_prep_body, D),
        grid=(grid,),
        in_specs=[pl.BlockSpec((D, VB), lambda j: (0, j))],
        out_specs=pl.BlockSpec((VB, 128), lambda j: (j, 0)),
        out_shape=jax.ShapeDtypeStruct((V, 128), jnp.float32),
    )(embed_table.T)


def kernel(input_ids, embed_table, W, b):
    B, S = input_ids.shape
    V, D = embed_table.shape
    idx = input_ids.reshape(B * S).astype(jnp.int32)
    try:
        info = plsc.get_sparse_core_info()
        NC, NS = info.num_cores, info.num_subcores
    except Exception:
        NC, NS = 2, 16

    table_padded = _prep_table(embed_table, V, D)
    tok_flat, sums = _sc_gather_pool(idx, table_padded, B, S, D, NC, NS)

    pooled = pl.pallas_call(
        functools.partial(_proj_body, 1.0 / S),
        out_shape=jax.ShapeDtypeStruct((B, D), jnp.float32),
    )(sums, W, b.reshape(1, D))

    return tok_flat.reshape(B, S, D), pooled

# --- scband reference (transcript-rebuilt; emitter-appended) ---
"""Pipeline reference for scband-simple-text-encoder-28398323761930 (READ-ONLY COPY).

The authoritative reference and input builder live on the scoring server;
editing this copy changes nothing except your own understanding.
"""

import jax, jax.numpy as jnp
import numpy as np

VOCAB = 1000000
TEXT_DIM = 64
POOLED_DIM = 64
BATCH = 4096
SEQ = 200

def setup_inputs(seed: int = 0) -> dict:
    key = jax.random.key(seed)
    k1, k2, k3, k4 = jax.random.split(key, 4)
    input_ids = jax.random.randint(k1, (BATCH, SEQ), 0, VOCAB, dtype=jnp.int64 if jax.config.jax_enable_x64 else jnp.int32)
    embed_table = jax.random.normal(k2, (VOCAB, TEXT_DIM), dtype=jnp.float32) * 0.02
    W = jax.random.normal(k3, (POOLED_DIM, TEXT_DIM), dtype=jnp.float32) * (1.0 / np.sqrt(TEXT_DIM))
    b = jax.random.normal(k4, (POOLED_DIM,), dtype=jnp.float32) * 0.01
    return {"input_ids": input_ids, "embed_table": embed_table, "W": W, "b": b}

def reference(input_ids, embed_table, W, b):
    # tok = self.embed(input_ids)
    tok = jnp.take(embed_table, input_ids, axis=0)  # [B, S, D]
    # pooled = tok.mean(dim=1)
    pooled = tok.mean(axis=1)  # [B, D]
    # pooled = self.pooled_proj(pooled)  (torch Linear: x @ W.T + b)
    pooled = pooled @ W.T + b  # [B, pooled_dim]
    return (tok, pooled)

if __name__ == "__main__":
    import jax
    _d = setup_inputs()
    print(jax.jit(kernel)(*tuple(_d.values())))

</pallas_src>

<mosaic_0001>
#map = affine_map<(d0, d1) -> (0)>
#map1 = affine_map<(d0, d1) -> (0, 0)>
module attributes {stable_mosaic.version = 14 : i64} {
  func.func @body(%arg0: i32, %arg1: i32, %arg2: memref<819200xi32, #tpu.memory_space<hbm>>, %arg3: memref<1000000x128xf32, #tpu.memory_space<hbm>>, %arg4: memref<819200x64xf32, #tpu.memory_space<hbm>>, %arg5: memref<4096x64xf32, #tpu.memory_space<hbm>>, %arg6: memref<25600xi32, #tpu.memory_space<vmem>>, %arg7: memref<2x200x128xf32, #tpu.memory_space<vmem>>, %arg8: memref<2x104x64xf32, #tpu.memory_space<vmem>>, %arg9: memref<128x64xf32, #tpu.memory_space<vmem>>, %arg10: memref<!tpu.dma_semaphore, #tpu.memory_space<semaphore_mem>>, %arg11: memref<!tpu.dma_semaphore, #tpu.memory_space<semaphore_mem>>, %arg12: memref<!tpu.dma_semaphore, #tpu.memory_space<semaphore_mem>>, %arg13: memref<!tpu.dma_semaphore, #tpu.memory_space<semaphore_mem>>) attributes {dimension_semantics = [#tpu.dimension_semantics<core_parallel>, #tpu.dimension_semantics<subcore_parallel>], iteration_bounds = array<i64: 2, 16>, scalar_prefetch = 0 : i64, scratch_operands = 8 : i64, tpu.core_type = #tpu.core_type<sc_vector_subcore>, window_params = [{transform_indices = #map}, {transform_indices = #map1}, {transform_indices = #map1}, {transform_indices = #map1}]} {
    %mul3A = arith.constant 2 : i32
    %mul3A_0 = arith.muli %arg1, %mul3A : i32
    %add3A = arith.addi %mul3A_0, %arg0 : i32
    %mul3A_1 = arith.constant 25600 : i32
    %mul3A_2 = arith.muli %add3A, %mul3A_1 : i32
    %multiple_of3A = tpu.assume_multiple %mul3A_2, 8 : i32
    "tpu.region"() ({
      %run_scoped3A = tpu.sem_alloc : memref<!tpu.dma_semaphore, #tpu.memory_space<semaphore_mem>>
      %dma_start3A_292 = tpu.memref_slice %arg2[%multiple_of3A] : memref<819200xi32, #tpu.memory_space<hbm>> -> memref<25600xi32, #tpu.memory_space<hbm>>
      %dma_start3A_293 = tpu.memref_slice %arg2[%multiple_of3A] : memref<819200xi32, #tpu.memory_space<hbm>> -> memref<25600xi32, #tpu.memory_space<hbm>>
      tpu.enqueue_dma source(%dma_start3A_293 : memref<25600xi32, #tpu.memory_space<hbm>>) target(%arg6 : memref<25600xi32, #tpu.memory_space<vmem>>) target_semaphore(%run_scoped3A : memref<!tpu.dma_semaphore, #tpu.memory_space<semaphore_mem>>)
      %dma_wait3A_294 = tpu.memref_slice %arg2[%multiple_of3A] : memref<819200xi32, #tpu.memory_space<hbm>> -> memref<25600xi32, #tpu.memory_space<hbm>>
      %dma_wait3A_295 = tpu.memref_slice %arg2[%multiple_of3A] : memref<819200xi32, #tpu.memory_space<hbm>> -> memref<25600xi32, #tpu.memory_space<hbm>>
      tpu.wait_dma2 semaphore(%run_scoped3A : memref<!tpu.dma_semaphore, #tpu.memory_space<semaphore_mem>>) src(%dma_wait3A_295 : memref<25600xi32, #tpu.memory_space<hbm>>) dst(%arg6 : memref<25600xi32, #tpu.memory_space<vmem>>)
      tpu.yield
    }) : () -> ()
    %multiple_of3A_3 = arith.constant 0 : i32
    %multiple_of3A_4 = tpu.assume_multiple %multiple_of3A_3, 8 : i32
    %dma_start3A = arith.constant 0 : i32
    %dma_start3A_5 = arith.constant 0 : i32
    %dma_start3A_6 = arith.constant 0 : i32
    %dma_start3A_7 = tpu.memref_slice %arg7[%dma_start3A, %dma_start3A_5, %dma_start3A_6] : memref<2x200x128xf32, #tpu.memory_space<vmem>> -> memref<1x104x128xf32, #tpu.memory_space<vmem>>
    %dma_start3A_8 = tpu.memref_squeeze %dma_start3A_7 : memref<1x104x128xf32, #tpu.memory_space<vmem>> -> memref<104x128xf32, #tpu.memory_space<vmem>>
    %dma_start3A_9 = tpu.memref_slice %arg6[%multiple_of3A_4] : memref<25600xi32, #tpu.memory_space<vmem>> -> memref<104xi32, #tpu.memory_space<vmem>>
    %dma_start3A_10 = arith.constant 0 : i32
    %dma_start3A_11 = arith.constant 0 : i32
    %dma_start3A_12 = tpu.memref_slice %arg3[%dma_start3A_10, %dma_start3A_11] : memref<1000000x128xf32, #tpu.memory_space<hbm>> -> memref<1000000x128xf32, #tpu.memory_space<hbm>>
    tpu.enqueue_indirect_dma source(%dma_start3A_12 : memref<1000000x128xf32, #tpu.memory_space<hbm>>) target(%dma_start3A_8 : memref<104x128xf32, #tpu.memory_space<vmem>>) offsets(%dma_start3A_9 : memref<104xi32, #tpu.memory_space<vmem>>) semaphore(%arg10 : memref<!tpu.dma_semaphore, #tpu.memory_space<semaphore_mem>>)
    %multiple_of3A_13 = arith.constant 104 : i32
    %multiple_of3A_14 = tpu.assume_multiple %multiple_of3A_13, 8 : i32
    %dma_start3A_15 = arith.constant 0 : i32
    %dma_start3A_16 = arith.constant 104 : i32
    %dma_start3A_17 = arith.constant 0 : i32
    %dma_start3A_18 = tpu.memref_slice %arg7[%dma_start3A_15, %dma_start3A_16, %dma_start3A_17] : memref<2x200x128xf32, #tpu.memory_space<vmem>> -> memref<1x96x128xf32, #tpu.memory_space<vmem>>
    %dma_start3A_19 = tpu.memref_squeeze %dma_start3A_18 : memref<1x96x128xf32, #tpu.memory_space<vmem>> -> memref<96x128xf32, #tpu.memory_space<vmem>>
    %dma_start3A_20 = tpu.memref_slice %arg6[%multiple_of3A_14] : memref<25600xi32, #tpu.memory_space<vmem>> -> memref<96xi32, #tpu.memory_space<vmem>>
    %dma_start3A_21 = arith.constant 0 : i32
    %dma_start3A_22 = arith.constant 0 : i32
    %dma_start3A_23 = tpu.memref_slice %arg3[%dma_start3A_21, %dma_start3A_22] : memref<1000000x128xf32, #tpu.memory_space<hbm>> -> memref<1000000x128xf32, #tpu.memory_space<hbm>>
    tpu.enqueue_indirect_dma source(%dma_start3A_23 : memref<1000000x128xf32, #tpu.memory_space<hbm>>) target(%dma_start3A_19 : memref<96x128xf32, #tpu.memory_space<vmem>>) offsets(%dma_start3A_20 : memref<96xi32, #tpu.memory_space<vmem>>) semaphore(%arg10 : memref<!tpu.dma_semaphore, #tpu.memory_space<semaphore_mem>>)
    %dma_wait3A = arith.constant 0 : i32
    %dma_wait3A_24 = arith.constant 0 : i32
    %dma_wait3A_25 = arith.constant 0 : i32
    %dma_wait3A_26 = tpu.memref_slice %arg7[%dma_wait3A, %dma_wait3A_24, %dma_wait3A_25] : memref<2x200x128xf32, #tpu.memory_space<vmem>> -> memref<1x200x128xf32, #tpu.memory_space<vmem>>
    %dma_wait3A_27 = tpu.memref_squeeze %dma_wait3A_26 : memref<1x200x128xf32, #tpu.memory_space<vmem>> -> memref<200x128xf32, #tpu.memory_space<vmem>>
    %dma_wait3A_28 = arith.constant 0 : i32
    %dma_wait3A_29 = arith.constant 0 : i32
    %dma_wait3A_30 = tpu.memref_slice %arg3[%dma_wait3A_28, %dma_wait3A_29] : memref<1000000x128xf32, #tpu.memory_space<hbm>> -> memref<200x128xf32, #tpu.memory_space<hbm>>
    %dma_wait3A_31 = arith.constant 0 : i32
    %dma_wait3A_32 = arith.constant 0 : i32
    %dma_wait3A_33 = tpu.memref_slice %arg7[%dma_wait3A, %dma_wait3A_31, %dma_wait3A_32] : memref<2x200x128xf32, #tpu.memory_space<vmem>> -> memref<1x200x128xf32, #tpu.memory_space<vmem>>
    %dma_wait3A_34 = tpu.memref_squeeze %dma_wait3A_33 : memref<1x200x128xf32, #tpu.memory_space<vmem>> -> memref<200x128xf32, #tpu.memory_space<vmem>>
    %dma_wait3A_35 = arith.constant 0 : i32
    %dma_wait3A_36 = arith.constant 0 : i32
    %dma_wait3A_37 = tpu.memref_slice %arg3[%dma_wait3A_35, %dma_wait3A_36] : memref<1000000x128xf32, #tpu.memory_space<hbm>> -> memref<200x128xf32, #tpu.memory_space<hbm>>
    tpu.wait_dma2 semaphore(%arg10 : memref<!tpu.dma_semaphore, #tpu.memory_space<semaphore_mem>>) src(%dma_wait3A_37 : memref<200x128xf32, #tpu.memory_space<hbm>>) dst(%dma_wait3A_34 : memref<200x128xf32, #tpu.memory_space<vmem>>)
    %multiple_of3A_38 = arith.constant 200 : i32
    %multiple_of3A_39 = tpu.assume_multiple %multiple_of3A_38, 8 : i32
    %dma_start3A_40 = arith.constant 1 : i32
    %dma_start3A_41 = arith.constant 0 : i32
    %dma_start3A_42 = arith.constant 0 : i32
    %dma_start3A_43 = tpu.memref_slice %arg7[%dma_start3A_40, %dma_start3A_41, %dma_start3A_42] : memref<2x200x128xf32, #tpu.memory_space<vmem>> -> memref<1x104x128xf32, #tpu.memory_space<vmem>>
    %dma_start3A_44 = tpu.memref_squeeze %dma_start3A_43 : memref<1x104x128xf32, #tpu.memory_space<vmem>> -> memref<104x128xf32, #tpu.memory_space<vmem>>
    %dma_start3A_45 = tpu.memref_slice %arg6[%multiple_of3A_39] : memref<25600xi32, #tpu.memory_space<vmem>> -> memref<104xi32, #tpu.memory_space<vmem>>
    %dma_start3A_46 = arith.constant 0 : i32
    %dma_start3A_47 = arith.constant 0 : i32
    %dma_start3A_48 = tpu.memref_slice %arg3[%dma_start3A_46, %dma_start3A_47] : memref<1000000x128xf32, #tpu.memory_space<hbm>> -> memref<1000000x128xf32, #tpu.memory_space<hbm>>
    tpu.enqueue_indirect_dma source(%dma_start3A_48 : memref<1000000x128xf32, #tpu.memory_space<hbm>>) target(%dma_start3A_44 : memref<104x128xf32, #tpu.memory_space<vmem>>) offsets(%dma_start3A_45 : memref<104xi32, #tpu.memory_space<vmem>>) semaphore(%arg11 : memref<!tpu.dma_semaphore, #tpu.memory_space<semaphore_mem>>)
    %multiple_of3A_49 = arith.constant 304 : i32
    %multiple_of3A_50 = tpu.assume_multiple %multiple_of3A_49, 8 : i32
    %dma_start3A_51 = arith.constant 1 : i32
    %dma_start3A_52 = arith.constant 104 : i32
    %dma_start3A_53 = arith.constant 0 : i32
    %dma_start3A_54 = tpu.memref_slice %arg7[%dma_start3A_51, %dma_start3A_52, %dma_start3A_53] : memref<2x200x128xf32, #tpu.memory_space<vmem>> -> memref<1x96x128xf32, #tpu.memory_space<vmem>>
    %dma_start3A_55 = tpu.memref_squeeze %dma_start3A_54 : memref<1x96x128xf32, #tpu.memory_space<vmem>> -> memref<96x128xf32, #tpu.memory_space<vmem>>
    %dma_start3A_56 = tpu.memref_slice %arg6[%multiple_of3A_50] : memref<25600xi32, #tpu.memory_space<vmem>> -> memref<96xi32, #tpu.memory_space<vmem>>
    %dma_start3A_57 = arith.constant 0 : i32
    %dma_start3A_58 = arith.constant 0 : i32
    %dma_start3A_59 = tpu.memref_slice %arg3[%dma_start3A_57, %dma_start3A_58] : memref<1000000x128xf32, #tpu.memory_space<hbm>> -> memref<1000000x128xf32, #tpu.memory_space<hbm>>
    tpu.enqueue_indirect_dma source(%dma_start3A_59 : memref<1000000x128xf32, #tpu.memory_space<hbm>>) target(%dma_start3A_55 : memref<96x128xf32, #tpu.memory_space<vmem>>) offsets(%dma_start3A_56 : memref<96xi32, #tpu.memory_space<vmem>>) semaphore(%arg11 : memref<!tpu.dma_semaphore, #tpu.memory_space<semaphore_mem>>)
    %broadcast_in_dim3A = arith.constant 0.000000e+00 : f32
    %broadcast_in_dim3A_60 = vector.broadcast %broadcast_in_dim3A : f32 to vector<16xf32>
    %scan3A = arith.constant 0 : i32
    %scan3A_61 = arith.constant 0 : i32
    %scan3A_62 = arith.constant 0 : i32
    %scan3A_63 = arith.constant 104 : i32
    %scan3A_64 = arith.addi %scan3A_62, %scan3A_63 : i32
    %scan3A_65 = arith.constant 2 : i32
    %scan3A_66:4 = scf.for %scan3A_292 = %scan3A_62 to %scan3A_64 step %scan3A_65 iter_args(%scan3A_293 = %broadcast_in_dim3A_60, %scan3A_294 = %broadcast_in_dim3A_60, %scan3A_295 = %broadcast_in_dim3A_60, %scan3A_296 = %broadcast_in_dim3A_60) -> (vector<16xf32>, vector<16xf32>, vector<16xf32>, vector<16xf32>)  : i32 {
      %add3A_297 = arith.constant 0 : i32
      %add3A_298 = arith.addi %add3A_297, %scan3A_292 : i32
      %get3A = arith.constant 0 : i32
      %get3A_299 = arith.constant 0 : i32
      %get3A_300 = tpu.memref_slice %arg7[%scan3A, %get3A, %get3A_299] : memref<2x200x128xf32, #tpu.memory_space<vmem>> -> memref<1x200x128xf32, #tpu.memory_space<vmem>>
      %get3A_301 = tpu.memref_squeeze %get3A_300 : memref<1x200x128xf32, #tpu.memory_space<vmem>> -> memref<200x128xf32, #tpu.memory_space<vmem>>
      %get3A_302 = arith.index_cast %add3A_298 : i32 to index
      %get3A_303 = arith.constant 0 : index
      %get3A_304 = tpu.vector_load %get3A_301[%get3A_302, %get3A_303] {strides = array<i32>} : memref<200x128xf32, #tpu.memory_space<vmem>>, vector<1x16xf32>,
      %get3A_305 = vector.shape_cast %get3A_304 : vector<1x16xf32> to vector<16xf32>
      %swap3A_306 = arith.constant 0 : i32
      %swap3A_307 = arith.constant 0 : i32
      %swap3A_308 = tpu.memref_slice %arg8[%scan3A_61, %swap3A_306, %swap3A_307] : memref<2x104x64xf32, #tpu.memory_space<vmem>> -> memref<1x104x64xf32, #tpu.memory_space<vmem>>
      %swap3A_309 = tpu.memref_squeeze %swap3A_308 : memref<1x104x64xf32, #tpu.memory_space<vmem>> -> memref<104x64xf32, #tpu.memory_space<vmem>>
      %swap3A_310 = arith.index_cast %scan3A_292 : i32 to index
      %swap3A_311 = arith.constant 0 : index
      %swap3A_312 = tpu.vector_load %swap3A_309[%swap3A_310, %swap3A_311] {strides = array<i32>} : memref<104x64xf32, #tpu.memory_space<vmem>>, vector<1x16xf32>,
      %swap3A_313 = vector.shape_cast %swap3A_312 : vector<1x16xf32> to vector<16xf32>
      %swap3A_314 = vector.shape_cast %get3A_305 : vector<16xf32> to vector<1x16xf32>
      tpu.vector_store %swap3A_309[%swap3A_310, %swap3A_311], %swap3A_314 {strides = array<i32>} : memref<104x64xf32, #tpu.memory_space<vmem>>, vector<1x16xf32>,
      %add3A_315 = arith.addf %scan3A_293, %get3A_305 : vector<16xf32>
      %add3A_316 = arith.constant 0 : i32
      %add3A_317 = arith.addi %add3A_316, %scan3A_292 : i32
      %get3A_318 = arith.constant 0 : i32
      %get3A_319 = arith.constant 0 : i32
      %get3A_320 = tpu.memref_slice %arg7[%scan3A, %get3A_318, %get3A_319] : memref<2x200x128xf32, #tpu.memory_space<vmem>> -> memref<1x200x128xf32, #tpu.memory_space<vmem>>
      %get3A_321 = tpu.memref_squeeze %get3A_320 : memref<1x200x128xf32, #tpu.memory_space<vmem>> -> memref<200x128xf32, #tpu.memory_space<vmem>>
      %get3A_322 = arith.index_cast %add3A_317 : i32 to index
      %get3A_323 = arith.constant 16 : index
      %get3A_324 = tpu.vector_load %get3A_321[%get3A_322, %get3A_323] {strides = array<i32>} : memref<200x128xf32, #tpu.memory_space<vmem>>, vector<1x16xf32>,
      %get3A_325 = vector.shape_cast %get3A_324 : vector<1x16xf32> to vector<16xf32>
      %swap3A_326 = arith.constant 0 : i32
      %swap3A_327 = arith.constant 0 : i32
      %swap3A_328 = tpu.memref_slice %arg8[%scan3A_61, %swap3A_326, %swap3A_327] : memref<2x104x64xf32, #tpu.memory_space<vmem>> -> memref<1x104x64xf32, #tpu.memory_space<vmem>>
      %swap3A_329 = tpu.memref_squeeze %swap3A_328 : memref<1x104x64xf32, #tpu.memory_space<vmem>> -> memref<104x64xf32, #tpu.memory_space<vmem>>
      %swap3A_330 = arith.index_cast %scan3A_292 : i32 to index
      %swap3A_331 = arith.constant 16 : index
      %swap3A_332 = tpu.vector_load %swap3A_329[%swap3A_330, %swap3A_331] {strides = array<i32>} : memref<104x64xf32, #tpu.memory_space<vmem>>, vector<1x16xf32>,
      %swap3A_333 = vector.shape_cast %swap3A_332 : vector<1x16xf32> to vector<16xf32>
      %swap3A_334 = vector.shape_cast %get3A_325 : vector<16xf32> to vector<1x16xf32>
      tpu.vector_store %swap3A_329[%swap3A_330, %swap3A_331], %swap3A_334 {strides = array<i32>} : memref<104x64xf32, #tpu.memory_space<vmem>>, vector<1x16xf32>,
      %add3A_335 = arith.addf %scan3A_294, %get3A_325 : vector<16xf32>
      %add3A_336 = arith.constant 0 : i32
      %add3A_337 = arith.addi %add3A_336, %scan3A_292 : i32
      %get3A_338 = arith.constant 0 : i32
      %get3A_339 = arith.constant 0 : i32
      %get3A_340 = tpu.memref_slice %arg7[%scan3A, %get3A_338, %get3A_339] : memref<2x200x128xf32, #tpu.memory_space<vmem>> -> memref<1x200x128xf32, #tpu.memory_space<vmem>>
      %get3A_341 = tpu.memref_squeeze %get3A_340 : memref<1x200x128xf32, #tpu.memory_space<vmem>> -> memref<200x128xf32, #tpu.memory_space<vmem>>
      %get3A_342 = arith.index_cast %add3A_337 : i32 to index
      %get3A_343 = arith.constant 32 : index
      %get3A_344 = tpu.vector_load %get3A_341[%get3A_342, %get3A_343] {strides = array<i32>} : memref<200x128xf32, #tpu.memory_space<vmem>>, vector<1x16xf32>,
      %get3A_345 = vector.shape_cast %get3A_344 : vector<1x16xf32> to vector<16xf32>
      %swap3A_346 = arith.constant 0 : i32
      %swap3A_347 = arith.constant 0 : i32
      %swap3A_348 = tpu.memref_slice %arg8[%scan3A_61, %swap3A_346, %swap3A_347] : memref<2x104x64xf32, #tpu.memory_space<vmem>> -> memref<1x104x64xf32, #tpu.memory_space<vmem>>
      %swap3A_349 = tpu.memref_squeeze %swap3A_348 : memref<1x104x64xf32, #tpu.memory_space<vmem>> -> memref<104x64xf32, #tpu.memory_space<vmem>>
      %swap3A_350 = arith.index_cast %scan3A_292 : i32 to index
      %swap3A_351 = arith.constant 32 : index
      %swap3A_352 = tpu.vector_load %swap3A_349[%swap3A_350, %swap3A_351] {strides = array<i32>} : memref<104x64xf32, #tpu.memory_space<vmem>>, vector<1x16xf32>,
      %swap3A_353 = vector.shape_cast %swap3A_352 : vector<1x16xf32> to vector<16xf32>
      %swap3A_354 = vector.shape_cast %get3A_345 : vector<16xf32> to vector<1x16xf32>
      tpu.vector_store %swap3A_349[%swap3A_350, %swap3A_351], %swap3A_354 {strides = array<i32>} : memref<104x64xf32, #tpu.memory_space<vmem>>, vector<1x16xf32>,
      %add3A_355 = arith.addf %scan3A_295, %get3A_345 : vector<16xf32>
      %add3A_356 = arith.constant 0 : i32
      %add3A_357 = arith.addi %add3A_356, %scan3A_292 : i32
      %get3A_358 = arith.constant 0 : i32
      %get3A_359 = arith.constant 0 : i32
      %get3A_360 = tpu.memref_slice %arg7[%scan3A, %get3A_358, %get3A_359] : memref<2x200x128xf32, #tpu.memory_space<vmem>> -> memref<1x200x128xf32, #tpu.memory_space<vmem>>
      %get3A_361 = tpu.memref_squeeze %get3A_360 : memref<1x200x128xf32, #tpu.memory_space<vmem>> -> memref<200x128xf32, #tpu.memory_space<vmem>>
      %get3A_362 = arith.index_cast %add3A_357 : i32 to index
      %get3A_363 = arith.constant 48 : index
      %get3A_364 = tpu.vector_load %get3A_361[%get3A_362, %get3A_363] {strides = array<i32>} : memref<200x128xf32, #tpu.memory_space<vmem>>, vector<1x16xf32>,
      %get3A_365 = vector.shape_cast %get3A_364 : vector<1x16xf32> to vector<16xf32>
      %swap3A_366 = arith.constant 0 : i32
      %swap3A_367 = arith.constant 0 : i32
      %swap3A_368 = tpu.memref_slice %arg8[%scan3A_61, %swap3A_366, %swap3A_367] : memref<2x104x64xf32, #tpu.memory_space<vmem>> -> memref<1x104x64xf32, #tpu.memory_space<vmem>>
      %swap3A_369 = tpu.memref_squeeze %swap3A_368 : memref<1x104x64xf32, #tpu.memory_space<vmem>> -> memref<104x64xf32, #tpu.memory_space<vmem>>
      %swap3A_370 = arith.index_cast %scan3A_292 : i32 to index
      %swap3A_371 = arith.constant 48 : index
      %swap3A_372 = tpu.vector_load %swap3A_369[%swap3A_370, %swap3A_371] {strides = array<i32>} : memref<104x64xf32, #tpu.memory_space<vmem>>, vector<1x16xf32>,
      %swap3A_373 = vector.shape_cast %swap3A_372 : vector<1x16xf32> to vector<16xf32>
      %swap3A_374 = vector.shape_cast %get3A_365 : vector<16xf32> to vector<1x16xf32>
      tpu.vector_store %swap3A_369[%swap3A_370, %swap3A_371], %swap3A_374 {strides = array<i32>} : memref<104x64xf32, #tpu.memory_space<vmem>>, vector<1x16xf32>,
      %add3A_375 = arith.addf %scan3A_296, %get3A_365 : vector<16xf32>
      %scan3A_376 = arith.constant 1 : i32
      %scan3A_377 = arith.addi %scan3A_292, %scan3A_376 : i32
      %add3A_378 = arith.constant 0 : i32
      %add3A_379 = arith.addi %add3A_378, %scan3A_377 : i32
      %get3A_380 = arith.constant 0 : i32
      %get3A_381 = arith.constant 0 : i32
      %get3A_382 = tpu.memref_slice %arg7[%scan3A, %get3A_380, %get3A_381] : memref<2x200x128xf32, #tpu.memory_space<vmem>> -> memref<1x200x128xf32, #tpu.memory_space<vmem>>
      %get3A_383 = tpu.memref_squeeze %get3A_382 : memref<1x200x128xf32, #tpu.memory_space<vmem>> -> memref<200x128xf32, #tpu.memory_space<vmem>>
      %get3A_384 = arith.index_cast %add3A_379 : i32 to index
      %get3A_385 = arith.constant 0 : index
      %get3A_386 = tpu.vector_load %get3A_383[%get3A_384, %get3A_385] {strides = array<i32>} : memref<200x128xf32, #tpu.memory_space<vmem>>, vector<1x16xf32>,
      %get3A_387 = vector.shape_cast %get3A_386 : vector<1x16xf32> to vector<16xf32>
      %swap3A_388 = arith.constant 0 : i32
      %swap3A_389 = arith.constant 0 : i32
      %swap3A_390 = tpu.memref_slice %arg8[%scan3A_61, %swap3A_388, %swap3A_389] : memref<2x104x64xf32, #tpu.memory_space<vmem>> -> memref<1x104x64xf32, #tpu.memory_space<vmem>>
      %swap3A_391 = tpu.memref_squeeze %swap3A_390 : memref<1x104x64xf32, #tpu.memory_space<vmem>> -> memref<104x64xf32, #tpu.memory_space<vmem>>
      %swap3A_392 = arith.index_cast %scan3A_377 : i32 to index
      %swap3A_393 = arith.constant 0 : index
      %swap3A_394 = tpu.vector_load %swap3A_391[%swap3A_392, %swap3A_393] {strides = array<i32>} : memref<104x64xf32, #tpu.memory_space<vmem>>, vector<1x16xf32>,
      %swap3A_395 = vector.shape_cast %swap3A_394 : vector<1x16xf32> to vector<16xf32>
      %swap3A_396 = vector.shape_cast %get3A_387 : vector<16xf32> to vector<1x16xf32>
      tpu.vector_store %swap3A_391[%swap3A_392, %swap3A_393], %swap3A_396 {strides = array<i32>} : memref<104x64xf32, #tpu.memory_space<vmem>>, vector<1x16xf32>,
      %add3A_397 = arith.addf %add3A_315, %get3A_387 : vector<16xf32>
      %add3A_398 = arith.constant 0 : i32
      %add3A_399 = arith.addi %add3A_398, %scan3A_377 : i32
      %get3A_400 = arith.constant 0 : i32
      %get3A_401 = arith.constant 0 : i32
      %get3A_402 = tpu.memref_slice %arg7[%scan3A, %get3A_400, %get3A_401] : memref<2x200x128xf32, #tpu.memory_space<vmem>> -> memref<1x200x128xf32, #tpu.memory_space<vmem>>
      %get3A_403 = tpu.memref_squeeze %get3A_402 : memref<1x200x128xf32, #tpu.memory_space<vmem>> -> memref<200x128xf32, #tpu.memory_space<vmem>>
      %get3A_404 = arith.index_cast %add3A_399 : i32 to index
      %get3A_405 = arith.constant 16 : index
      %get3A_406 = tpu.vector_load %get3A_403[%get3A_404, %get3A_405] {strides = array<i32>} : memref<200x128xf32, #tpu.memory_space<vmem>>, vector<1x16xf32>,
      %get3A_407 = vector.shape_cast %get3A_406 : vector<1x16xf32> to vector<16xf32>
      %swap3A_408 = arith.constant 0 : i32
      %swap3A_409 = arith.constant 0 : i32
      %swap3A_410 = tpu.memref_slice %arg8[%scan3A_61, %swap3A_408, %swap3A_409] : memref<2x104x64xf32, #tpu.memory_space<vmem>> -> memref<1x104x64xf32, #tpu.memory_space<vmem>>
      %swap3A_411 = tpu.memref_squeeze %swap3A_410 : memref<1x104x64xf32, #tpu.memory_space<vmem>> -> memref<104x64xf32, #tpu.memory_space<vmem>>
      %swap3A_412 = arith.index_cast %scan3A_377 : i32 to index
      %swap3A_413 = arith.constant 16 : index
      %swap3A_414 = tpu.vector_load %swap3A_411[%swap3A_412, %swap3A_413] {strides = array<i32>} : memref<104x64xf32, #tpu.memory_space<vmem>>, vector<1x16xf32>,
      %swap3A_415 = vector.shape_cast %swap3A_414 : vector<1x16xf32> to vector<16xf32>
      %swap3A_416 = vector.shape_cast %get3A_407 : vector<16xf32> to vector<1x16xf32>
      tpu.vector_store %swap3A_411[%swap3A_412, %swap3A_413], %swap3A_416 {strides = array<i32>} : memref<104x64xf32, #tpu.memory_space<vmem>>, vector<1x16xf32>,
      %add3A_417 = arith.addf %add3A_335, %get3A_407 : vector<16xf32>
      %add3A_418 = arith.constant 0 : i32
      %add3A_419 = arith.addi %add3A_418, %scan3A_377 : i32
      %get3A_420 = arith.constant 0 : i32
      %get3A_421 = arith.constant 0 : i32
      %get3A_422 = tpu.memref_slice %arg7[%scan3A, %get3A_420, %get3A_421] : memref<2x200x128xf32, #tpu.memory_space<vmem>> -> memref<1x200x128xf32, #tpu.memory_space<vmem>>
      %get3A_423 = tpu.memref_squeeze %get3A_422 : memref<1x200x128xf32, #tpu.memory_space<vmem>> -> memref<200x128xf32, #tpu.memory_space<vmem>>
      %get3A_424 = arith.index_cast %add3A_419 : i32 to index
      %get3A_425 = arith.constant 32 : index
      %get3A_426 = tpu.vector_load %get3A_423[%get3A_424, %get3A_425] {strides = array<i32>} : memref<200x128xf32, #tpu.memory_space<vmem>>, vector<1x16xf32>,
      %get3A_427 = vector.shape_cast %get3A_426 : vector<1x16xf32> to vector<16xf32>
      %swap3A_428 = arith.constant 0 : i32
      %swap3A_429 = arith.constant 0 : i32
      %swap3A_430 = tpu.memref_slice %arg8[%scan3A_61, %swap3A_428, %swap3A_429] : memref<2x104x64xf32, #tpu.memory_space<vmem>> -> memref<1x104x64xf32, #tpu.memory_space<vmem>>
      %swap3A_431 = tpu.memref_squeeze %swap3A_430 : memref<1x104x64xf32, #tpu.memory_space<vmem>> -> memref<104x64xf32, #tpu.memory_space<vmem>>
      %swap3A_432 = arith.index_cast %scan3A_377 : i32 to index
      %swap3A_433 = arith.constant 32 : index
      %swap3A_434 = tpu.vector_load %swap3A_431[%swap3A_432, %swap3A_433] {strides = array<i32>} : memref<104x64xf32, #tpu.memory_space<vmem>>, vector<1x16xf32>,
      %swap3A_435 = vector.shape_cast %swap3A_434 : vector<1x16xf32> to vector<16xf32>
      %swap3A_436 = vector.shape_cast %get3A_427 : vector<16xf32> to vector<1x16xf32>
      tpu.vector_store %swap3A_431[%swap3A_432, %swap3A_433], %swap3A_436 {strides = array<i32>} : memref<104x64xf32, #tpu.memory_space<vmem>>, vector<1x16xf32>,
      %add3A_437 = arith.addf %add3A_355, %get3A_427 : vector<16xf32>
      %add3A_438 = arith.constant 0 : i32
      %add3A_439 = arith.addi %add3A_438, %scan3A_377 : i32
      %get3A_440 = arith.constant 0 : i32
      %get3A_441 = arith.constant 0 : i32
      %get3A_442 = tpu.memref_slice %arg7[%scan3A, %get3A_440, %get3A_441] : memref<2x200x128xf32, #tpu.memory_space<vmem>> -> memref<1x200x128xf32, #tpu.memory_space<vmem>>
      %get3A_443 = tpu.memref_squeeze %get3A_442 : memref<1x200x128xf32, #tpu.memory_space<vmem>> -> memref<200x128xf32, #tpu.memory_space<vmem>>
      %get3A_444 = arith.index_cast %add3A_439 : i32 to index
      %get3A_445 = arith.constant 48 : index
      %get3A_446 = tpu.vector_load %get3A_443[%get3A_444, %get3A_445] {strides = array<i32>} : memref<200x128xf32, #tpu.memory_space<vmem>>, vector<1x16xf32>,
      %get3A_447 = vector.shape_cast %get3A_446 : vector<1x16xf32> to vector<16xf32>
      %swap3A_448 = arith.constant 0 : i32
      %swap3A_449 = arith.constant 0 : i32
      %swap3A_450 = tpu.memref_slice %arg8[%scan3A_61, %swap3A_448, %swap3A_449] : memref<2x104x64xf32, #tpu.memory_space<vmem>> -> memref<1x104x64xf32, #tpu.memory_space<vmem>>
      %swap3A_451 = tpu.memref_squeeze %swap3A_450 : memref<1x104x64xf32, #tpu.memory_space<vmem>> -> memref<104x64xf32, #tpu.memory_space<vmem>>
      %swap3A_452 = arith.index_cast %scan3A_377 : i32 to index
      %swap3A_453 = arith.constant 48 : index
      %swap3A_454 = tpu.vector_load %swap3A_451[%swap3A_452, %swap3A_453] {strides = array<i32>} : memref<104x64xf32, #tpu.memory_space<vmem>>, vector<1x16xf32>,
      %swap3A_455 = vector.shape_cast %swap3A_454 : vector<1x16xf32> to vector<16xf32>
      %swap3A_456 = vector.shape_cast %get3A_447 : vector<16xf32> to vector<1x16xf32>
      tpu.vector_store %swap3A_451[%swap3A_452, %swap3A_453], %swap3A_456 {strides = array<i32>} : memref<104x64xf32, #tpu.memory_space<vmem>>, vector<1x16xf32>,
      %add3A_457 = arith.addf %add3A_375, %get3A_447 : vector<16xf32>
      scf.yield %add3A_397, %add3A_417, %add3A_437, %add3A_457 : vector<16xf32>, vector<16xf32>, vector<16xf32>, vector<16xf32>
    }
    %scan3A_67 = arith.constant 104 : i32
    %add3A_68 = arith.constant 0 : i32
    %add3A_69 = arith.addi %multiple_of3A, %add3A_68 : i32
    %add3A_70 = arith.constant 0 : i32
    %add3A_71 = arith.addi %add3A_69, %add3A_70 : i32
    %dma_start3A_72 = arith.constant 0 : i32
    %dma_start3A_73 = arith.constant 0 : i32
    %dma_start3A_74 = arith.constant 0 : i32
    %dma_start3A_75 = tpu.memref_slice %arg8[%dma_start3A_72, %dma_start3A_73, %dma_start3A_74] : memref<2x104x64xf32, #tpu.memory_space<vmem>> -> memref<1x104x64xf32, #tpu.memory_space<vmem>>
    %dma_start3A_76 = tpu.memref_squeeze %dma_start3A_75 : memref<1x104x64xf32, #tpu.memory_space<vmem>> -> memref<104x64xf32, #tpu.memory_space<vmem>>
    %dma_start3A_77 = arith.constant 0 : i32
    %dma_start3A_78 = tpu.memref_slice %arg4[%add3A_71, %dma_start3A_77] : memref<819200x64xf32, #tpu.memory_space<hbm>> -> memref<104x64xf32, #tpu.memory_space<hbm>>
    %dma_start3A_79 = arith.constant 0 : i32
    %dma_start3A_80 = tpu.memref_slice %arg4[%add3A_71, %dma_start3A_79] : memref<819200x64xf32, #tpu.memory_space<hbm>> -> memref<104x64xf32, #tpu.memory_space<hbm>>
    %dma_start3A_81 = arith.constant 0 : i32
    %dma_start3A_82 = arith.constant 0 : i32
    %dma_start3A_83 = tpu.memref_slice %arg8[%dma_start3A_72, %dma_start3A_81, %dma_start3A_82] : memref<2x104x64xf32, #tpu.memory_space<vmem>> -> memref<1x104x64xf32, #tpu.memory_space<vmem>>
    %dma_start3A_84 = tpu.memref_squeeze %dma_start3A_83 : memref<1x104x64xf32, #tpu.memory_space<vmem>> -> memref<104x64xf32, #tpu.memory_space<vmem>>
    tpu.enqueue_dma source(%dma_start3A_84 : memref<104x64xf32, #tpu.memory_space<vmem>>) target(%dma_start3A_80 : memref<104x64xf32, #tpu.memory_space<hbm>>) target_semaphore(%arg12 : memref<!tpu.dma_semaphore, #tpu.memory_space<semaphore_mem>>)
    %scan3A_85 = arith.constant 0 : i32
    %scan3A_86 = arith.constant 1 : i32
    %scan3A_87 = arith.constant 0 : i32
    %scan3A_88 = arith.constant 96 : i32
    %scan3A_89 = arith.addi %scan3A_87, %scan3A_88 : i32
    %scan3A_90 = arith.constant 2 : i32
    %scan3A_91:4 = scf.for %scan3A_292 = %scan3A_87 to %scan3A_89 step %scan3A_90 iter_args(%scan3A_293 = %scan3A_66#0, %scan3A_294 = %scan3A_66#1, %scan3A_295 = %scan3A_66#2, %scan3A_296 = %scan3A_66#3) -> (vector<16xf32>, vector<16xf32>, vector<16xf32>, vector<16xf32>)  : i32 {
      %add3A_297 = arith.constant 104 : i32
      %add3A_298 = arith.addi %add3A_297, %scan3A_292 : i32
      %get3A = arith.constant 0 : i32
      %get3A_299 = arith.constant 0 : i32
      %get3A_300 = tpu.memref_slice %arg7[%scan3A_85, %get3A, %get3A_299] : memref<2x200x128xf32, #tpu.memory_space<vmem>> -> memref<1x200x128xf32, #tpu.memory_space<vmem>>
      %get3A_301 = tpu.memref_squeeze %get3A_300 : memref<1x200x128xf32, #tpu.memory_space<vmem>> -> memref<200x128xf32, #tpu.memory_space<vmem>>
      %get3A_302 = arith.index_cast %add3A_298 : i32 to index
      %get3A_303 = arith.constant 0 : index
      %get3A_304 = tpu.vector_load %get3A_301[%get3A_302, %get3A_303] {strides = array<i32>} : memref<200x128xf32, #tpu.memory_space<vmem>>, vector<1x16xf32>,
      %get3A_305 = vector.shape_cast %get3A_304 : vector<1x16xf32> to vector<16xf32>
      %swap3A_306 = arith.constant 0 : i32
      %swap3A_307 = arith.constant 0 : i32
      %swap3A_308 = tpu.memref_slice %arg8[%scan3A_86, %swap3A_306, %swap3A_307] : memref<2x104x64xf32, #tpu.memory_space<vmem>> -> memref<1x104x64xf32, #tpu.memory_space<vmem>>
      %swap3A_309 = tpu.memref_squeeze %swap3A_308 : memref<1x104x64xf32, #tpu.memory_space<vmem>> -> memref<104x64xf32, #tpu.memory_space<vmem>>
      %swap3A_310 = arith.index_cast %scan3A_292 : i32 to index
      %swap3A_311 = arith.constant 0 : index
      %swap3A_312 = tpu.vector_load %swap3A_309[%swap3A_310, %swap3A_311] {strides = array<i32>} : memref<104x64xf32, #tpu.memory_space<vmem>>, vector<1x16xf32>,
      %swap3A_313 = vector.shape_cast %swap3A_312 : vector<1x16xf32> to vector<16xf32>
      %swap3A_314 = vector.shape_cast %get3A_305 : vector<16xf32> to vector<1x16xf32>
      tpu.vector_store %swap3A_309[%swap3A_310, %swap3A_311], %swap3A_314 {strides = array<i32>} : memref<104x64xf32, #tpu.memory_space<vmem>>, vector<1x16xf32>,
      %add3A_315 = arith.addf %scan3A_293, %get3A_305 : vector<16xf32>
      %add3A_316 = arith.constant 104 : i32
      %add3A_317 = arith.addi %add3A_316, %scan3A_292 : i32
      %get3A_318 = arith.constant 0 : i32
      %get3A_319 = arith.constant 0 : i32
      %get3A_320 = tpu.memref_slice %arg7[%scan3A_85, %get3A_318, %get3A_319] : memref<2x200x128xf32, #tpu.memory_space<vmem>> -> memref<1x200x128xf32, #tpu.memory_space<vmem>>
      %get3A_321 = tpu.memref_squeeze %get3A_320 : memref<1x200x128xf32, #tpu.memory_space<vmem>> -> memref<200x128xf32, #tpu.memory_space<vmem>>
      %get3A_322 = arith.index_cast %add3A_317 : i32 to index
      %get3A_323 = arith.constant 16 : index
      %get3A_324 = tpu.vector_load %get3A_321[%get3A_322, %get3A_323] {strides = array<i32>} : memref<200x128xf32, #tpu.memory_space<vmem>>, vector<1x16xf32>,
      %get3A_325 = vector.shape_cast %get3A_324 : vector<1x16xf32> to vector<16xf32>
      %swap3A_326 = arith.constant 0 : i32
      %swap3A_327 = arith.constant 0 : i32
      %swap3A_328 = tpu.memref_slice %arg8[%scan3A_86, %swap3A_326, %swap3A_327] : memref<2x104x64xf32, #tpu.memory_space<vmem>> -> memref<1x104x64xf32, #tpu.memory_space<vmem>>
      %swap3A_329 = tpu.memref_squeeze %swap3A_328 : memref<1x104x64xf32, #tpu.memory_space<vmem>> -> memref<104x64xf32, #tpu.memory_space<vmem>>
      %swap3A_330 = arith.index_cast %scan3A_292 : i32 to index
      %swap3A_331 = arith.constant 16 : index
      %swap3A_332 = tpu.vector_load %swap3A_329[%swap3A_330, %swap3A_331] {strides = array<i32>} : memref<104x64xf32, #tpu.memory_space<vmem>>, vector<1x16xf32>,
      %swap3A_333 = vector.shape_cast %swap3A_332 : vector<1x16xf32> to vector<16xf32>
      %swap3A_334 = vector.shape_cast %get3A_325 : vector<16xf32> to vector<1x16xf32>
      tpu.vector_store %swap3A_329[%swap3A_330, %swap3A_331], %swap3A_334 {strides = array<i32>} : memref<104x64xf32, #tpu.memory_space<vmem>>, vector<1x16xf32>,
      %add3A_335 = arith.addf %scan3A_294, %get3A_325 : vector<16xf32>
      %add3A_336 = arith.constant 104 : i32
      %add3A_337 = arith.addi %add3A_336, %scan3A_292 : i32
      %get3A_338 = arith.constant 0 : i32
      %get3A_339 = arith.constant 0 : i32
      %get3A_340 = tpu.memref_slice %arg7[%scan3A_85, %get3A_338, %get3A_339] : memref<2x200x128xf32, #tpu.memory_space<vmem>> -> memref<1x200x128xf32, #tpu.memory_space<vmem>>
      %get3A_341 = tpu.memref_squeeze %get3A_340 : memref<1x200x128xf32, #tpu.memory_space<vmem>> -> memref<200x128xf32, #tpu.memory_space<vmem>>
      %get3A_342 = arith.index_cast %add3A_337 : i32 to index
      %get3A_343 = arith.constant 32 : index
      %get3A_344 = tpu.vector_load %get3A_341[%get3A_342, %get3A_343] {strides = array<i32>} : memref<200x128xf32, #tpu.memory_space<vmem>>, vector<1x16xf32>,
      %get3A_345 = vector.shape_cast %get3A_344 : vector<1x16xf32> to vector<16xf32>
      %swap3A_346 = arith.constant 0 : i32
      %swap3A_347 = arith.constant 0 : i32
      %swap3A_348 = tpu.memref_slice %arg8[%scan3A_86, %swap3A_346, %swap3A_347] : memref<2x104x64xf32, #tpu.memory_space<vmem>> -> memref<1x104x64xf32, #tpu.memory_space<vmem>>
      %swap3A_349 = tpu.memref_squeeze %swap3A_348 : memref<1x104x64xf32, #tpu.memory_space<vmem>> -> memref<104x64xf32, #tpu.memory_space<vmem>>
      %swap3A_350 = arith.index_cast %scan3A_292 : i32 to index
      %swap3A_351 = arith.constant 32 : index
      %swap3A_352 = tpu.vector_load %swap3A_349[%swap3A_350, %swap3A_351] {strides = array<i32>} : memref<104x64xf32, #tpu.memory_space<vmem>>, vector<1x16xf32>,
      %swap3A_353 = vector.shape_cast %swap3A_352 : vector<1x16xf32> to vector<16xf32>
      %swap3A_354 = vector.shape_cast %get3A_345 : vector<16xf32> to vector<1x16xf32>
      tpu.vector_store %swap3A_349[%swap3A_350, %swap3A_351], %swap3A_354 {strides = array<i32>} : memref<104x64xf32, #tpu.memory_space<vmem>>, vector<1x16xf32>,
      %add3A_355 = arith.addf %scan3A_295, %get3A_345 : vector<16xf32>
      %add3A_356 = arith.constant 104 : i32
      %add3A_357 = arith.addi %add3A_356, %scan3A_292 : i32
      %get3A_358 = arith.constant 0 : i32
      %get3A_359 = arith.constant 0 : i32
      %get3A_360 = tpu.memref_slice %arg7[%scan3A_85, %get3A_358, %get3A_359] : memref<2x200x128xf32, #tpu.memory_space<vmem>> -> memref<1x200x128xf32, #tpu.memory_space<vmem>>
      %get3A_361 = tpu.memref_squeeze %get3A_360 : memref<1x200x128xf32, #tpu.memory_space<vmem>> -> memref<200x128xf32, #tpu.memory_space<vmem>>
      %get3A_362 = arith.index_cast %add3A_357 : i32 to index
      %get3A_363 = arith.constant 48 : index
      %get3A_364 = tpu.vector_load %get3A_361[%get3A_362, %get3A_363] {strides = array<i32>} : memref<200x128xf32, #tpu.memory_space<vmem>>, vector<1x16xf32>,
      %get3A_365 = vector.shape_cast %get3A_364 : vector<1x16xf32> to vector<16xf32>
      %swap3A_366 = arith.constant 0 : i32
      %swap3A_367 = arith.constant 0 : i32
      %swap3A_368 = tpu.memref_slice %arg8[%scan3A_86, %swap3A_366, %swap3A_367] : memref<2x104x64xf32, #tpu.memory_space<vmem>> -> memref<1x104x64xf32, #tpu.memory_space<vmem>>
      %swap3A_369 = tpu.memref_squeeze %swap3A_368 : memref<1x104x64xf32, #tpu.memory_space<vmem>> -> memref<104x64xf32, #tpu.memory_space<vmem>>
      %swap3A_370 = arith.index_cast %scan3A_292 : i32 to index
      %swap3A_371 = arith.constant 48 : index
      %swap3A_372 = tpu.vector_load %swap3A_369[%swap3A_370, %swap3A_371] {strides = array<i32>} : memref<104x64xf32, #tpu.memory_space<vmem>>, vector<1x16xf32>,
      %swap3A_373 = vector.shape_cast %swap3A_372 : vector<1x16xf32> to vector<16xf32>
      %swap3A_374 = vector.shape_cast %get3A_365 : vector<16xf32> to vector<1x16xf32>
      tpu.vector_store %swap3A_369[%swap3A_370, %swap3A_371], %swap3A_374 {strides = array<i32>} : memref<104x64xf32, #tpu.memory_space<vmem>>, vector<1x16xf32>,
      %add3A_375 = arith.addf %scan3A_296, %get3A_365 : vector<16xf32>
      %scan3A_376 = arith.constant 1 : i32
      %scan3A_377 = arith.addi %scan3A_292, %scan3A_376 : i32
      %add3A_378 = arith.constant 104 : i32
      %add3A_379 = arith.addi %add3A_378, %scan3A_377 : i32
      %get3A_380 = arith.constant 0 : i32
      %get3A_381 = arith.constant 0 : i32
      %get3A_382 = tpu.memref_slice %arg7[%scan3A_85, %get3A_380, %get3A_381] : memref<2x200x128xf32, #tpu.memory_space<vmem>> -> memref<1x200x128xf32, #tpu.memory_space<vmem>>
      %get3A_383 = tpu.memref_squeeze %get3A_382 : memref<1x200x128xf32, #tpu.memory_space<vmem>> -> memref<200x128xf32, #tpu.memory_space<vmem>>
      %get3A_384 = arith.index_cast %add3A_379 : i32 to index
      %get3A_385 = arith.constant 0 : index
      %get3A_386 = tpu.vector_load %get3A_383[%get3A_384, %get3A_385] {strides = array<i32>} : memref<200x128xf32, #tpu.memory_space<vmem>>, vector<1x16xf32>,
      %get3A_387 = vector.shape_cast %get3A_386 : vector<1x16xf32> to vector<16xf32>
      %swap3A_388 = arith.constant 0 : i32
      %swap3A_389 = arith.constant 0 : i32
      %swap3A_390 = tpu.memref_slice %arg8[%scan3A_86, %swap3A_388, %swap3A_389] : memref<2x104x64xf32, #tpu.memory_space<vmem>> -> memref<1x104x64xf32, #tpu.memory_space<vmem>>
      %swap3A_391 = tpu.memref_squeeze %swap3A_390 : memref<1x104x64xf32, #tpu.memory_space<vmem>> -> memref<104x64xf32, #tpu.memory_space<vmem>>
      %swap3A_392 = arith.index_cast %scan3A_377 : i32 to index
      %swap3A_393 = arith.constant 0 : index
      %swap3A_394 = tpu.vector_load %swap3A_391[%swap3A_392, %swap3A_393] {strides = array<i32>} : memref<104x64xf32, #tpu.memory_space<vmem>>, vector<1x16xf32>,
      %swap3A_395 = vector.shape_cast %swap3A_394 : vector<1x16xf32> to vector<16xf32>
      %swap3A_396 = vector.shape_cast %get3A_387 : vector<16xf32> to vector<1x16xf32>
      tpu.vector_store %swap3A_391[%swap3A_392, %swap3A_393], %swap3A_396 {strides = array<i32>} : memref<104x64xf32, #tpu.memory_space<vmem>>, vector<1x16xf32>,
      %add3A_397 = arith.addf %add3A_315, %get3A_387 : vector<16xf32>
      %add3A_398 = arith.constant 104 : i32
      %add3A_399 = arith.addi %add3A_398, %scan3A_377 : i32
      %get3A_400 = arith.constant 0 : i32
      %get3A_401 = arith.constant 0 : i32
      %get3A_402 = tpu.memref_slice %arg7[%scan3A_85, %get3A_400, %get3A_401] : memref<2x200x128xf32, #tpu.memory_space<vmem>> -> memref<1x200x128xf32, #tpu.memory_space<vmem>>
      %get3A_403 = tpu.memref_squeeze %get3A_402 : memref<1x200x128xf32, #tpu.memory_space<vmem>> -> memref<200x128xf32, #tpu.memory_space<vmem>>
      %get3A_404 = arith.index_cast %add3A_399 : i32 to index
      %get3A_405 = arith.constant 16 : index
      %get3A_406 = tpu.vector_load %get3A_403[%get3A_404, %get3A_405] {strides = array<i32>} : memref<200x128xf32, #tpu.memory_space<vmem>>, vector<1x16xf32>,
      %get3A_407 = vector.shape_cast %get3A_406 : vector<1x16xf32> to vector<16xf32>
      %swap3A_408 = arith.constant 0 : i32
      %swap3A_409 = arith.constant 0 : i32
      %swap3A_410 = tpu.memref_slice %arg8[%scan3A_86, %swap3A_408, %swap3A_409] : memref<2x104x64xf32, #tpu.memory_space<vmem>> -> memref<1x104x64xf32, #tpu.memory_space<vmem>>
      %swap3A_411 = tpu.memref_squeeze %swap3A_410 : memref<1x104x64xf32, #tpu.memory_space<vmem>> -> memref<104x64xf32, #tpu.memory_space<vmem>>
      %swap3A_412 = arith.index_cast %scan3A_377 : i32 to index
      %swap3A_413 = arith.constant 16 : index
      %swap3A_414 = tpu.vector_load %swap3A_411[%swap3A_412, %swap3A_413] {strides = array<i32>} : memref<104x64xf32, #tpu.memory_space<vmem>>, vector<1x16xf32>,
      %swap3A_415 = vector.shape_cast %swap3A_414 : vector<1x16xf32> to vector<16xf32>
      %swap3A_416 = vector.shape_cast %get3A_407 : vector<16xf32> to vector<1x16xf32>
      tpu.vector_store %swap3A_411[%swap3A_412, %swap3A_413], %swap3A_416 {strides = array<i32>} : memref<104x64xf32, #tpu.memory_space<vmem>>, vector<1x16xf32>,
      %add3A_417 = arith.addf %add3A_335, %get3A_407 : vector<16xf32>
      %add3A_418 = arith.constant 104 : i32
      %add3A_419 = arith.addi %add3A_418, %scan3A_377 : i32
      %get3A_420 = arith.constant 0 : i32
      %get3A_421 = arith.constant 0 : i32
      %get3A_422 = tpu.memref_slice %arg7[%scan3A_85, %get3A_420, %get3A_421] : memref<2x200x128xf32, #tpu.memory_space<vmem>> -> memref<1x200x128xf32, #tpu.memory_space<vmem>>
      %get3A_423 = tpu.memref_squeeze %get3A_422 : memref<1x200x128xf32, #tpu.memory_space<vmem>> -> memref<200x128xf32, #tpu.memory_space<vmem>>
      %get3A_424 = arith.index_cast %add3A_419 : i32 to index
      %get3A_425 = arith.constant 32 : index
      %get3A_426 = tpu.vector_load %get3A_423[%get3A_424, %get3A_425] {strides = array<i32>} : memref<200x128xf32, #tpu.memory_space<vmem>>, vector<1x16xf32>,
      %get3A_427 = vector.shape_cast %get3A_426 : vector<1x16xf32> to vector<16xf32>
      %swap3A_428 = arith.constant 0 : i32
      %swap3A_429 = arith.constant 0 : i32
      %swap3A_430 = tpu.memref_slice %arg8[%scan3A_86, %swap3A_428, %swap3A_429] : memref<2x104x64xf32, #tpu.memory_space<vmem>> -> memref<1x104x64xf32, #tpu.memory_space<vmem>>
      %swap3A_431 = tpu.memref_squeeze %swap3A_430 : memref<1x104x64xf32, #tpu.memory_space<vmem>> -> memref<104x64xf32, #tpu.memory_space<vmem>>
      %swap3A_432 = arith.index_cast %scan3A_377 : i32 to index
      %swap3A_433 = arith.constant 32 : index
      %swap3A_434 = tpu.vector_load %swap3A_431[%swap3A_432, %swap3A_433] {strides = array<i32>} : memref<104x64xf32, #tpu.memory_space<vmem>>, vector<1x16xf32>,
      %swap3A_435 = vector.shape_cast %swap3A_434 : vector<1x16xf32> to vector<16xf32>
      %swap3A_436 = vector.shape_cast %get3A_427 : vector<16xf32> to vector<1x16xf32>
      tpu.vector_store %swap3A_431[%swap3A_432, %swap3A_433], %swap3A_436 {strides = array<i32>} : memref<104x64xf32, #tpu.memory_space<vmem>>, vector<1x16xf32>,
      %add3A_437 = arith.addf %add3A_355, %get3A_427 : vector<16xf32>
      %add3A_438 = arith.constant 104 : i32
      %add3A_439 = arith.addi %add3A_438, %scan3A_377 : i32
      %get3A_440 = arith.constant 0 : i32
      %get3A_441 = arith.constant 0 : i32
      %get3A_442 = tpu.memref_slice %arg7[%scan3A_85, %get3A_440, %get3A_441] : memref<2x200x128xf32, #tpu.memory_space<vmem>> -> memref<1x200x128xf32, #tpu.memory_space<vmem>>
      %get3A_443 = tpu.memref_squeeze %get3A_442 : memref<1x200x128xf32, #tpu.memory_space<vmem>> -> memref<200x128xf32, #tpu.memory_space<vmem>>
      %get3A_444 = arith.index_cast %add3A_439 : i32 to index
      %get3A_445 = arith.constant 48 : index
      %get3A_446 = tpu.vector_load %get3A_443[%get3A_444, %get3A_445] {strides = array<i32>} : memref<200x128xf32, #tpu.memory_space<vmem>>, vector<1x16xf32>,
      %get3A_447 = vector.shape_cast %get3A_446 : vector<1x16xf32> to vector<16xf32>
      %swap3A_448 = arith.constant 0 : i32
      %swap3A_449 = arith.constant 0 : i32
      %swap3A_450 = tpu.memref_slice %arg8[%scan3A_86, %swap3A_448, %swap3A_449] : memref<2x104x64xf32, #tpu.memory_space<vmem>> -> memref<1x104x64xf32, #tpu.memory_space<vmem>>
      %swap3A_451 = tpu.memref_squeeze %swap3A_450 : memref<1x104x64xf32, #tpu.memory_space<vmem>> -> memref<104x64xf32, #tpu.memory_space<vmem>>
      %swap3A_452 = arith.index_cast %scan3A_377 : i32 to index
      %swap3A_453 = arith.constant 48 : index
      %swap3A_454 = tpu.vector_load %swap3A_451[%swap3A_452, %swap3A_453] {strides = array<i32>} : memref<104x64xf32, #tpu.memory_space<vmem>>, vector<1x16xf32>,
      %swap3A_455 = vector.shape_cast %swap3A_454 : vector<1x16xf32> to vector<16xf32>
      %swap3A_456 = vector.shape_cast %get3A_447 : vector<16xf32> to vector<1x16xf32>
      tpu.vector_store %swap3A_451[%swap3A_452, %swap3A_453], %swap3A_456 {strides = array<i32>} : memref<104x64xf32, #tpu.memory_space<vmem>>, vector<1x16xf32>,
      %add3A_457 = arith.addf %add3A_375, %get3A_447 : vector<16xf32>
      scf.yield %add3A_397, %add3A_417, %add3A_437, %add3A_457 : vector<16xf32>, vector<16xf32>, vector<16xf32>, vector<16xf32>
    }
    %scan3A_92 = arith.constant 96 : i32
    %add3A_93 = arith.constant 0 : i32
    %add3A_94 = arith.addi %multiple_of3A, %add3A_93 : i32
    %add3A_95 = arith.constant 104 : i32
    %add3A_96 = arith.addi %add3A_94, %add3A_95 : i32
    %dma_start3A_97 = arith.constant 1 : i32
    %dma_start3A_98 = arith.constant 0 : i32
    %dma_start3A_99 = arith.constant 0 : i32
    %dma_start3A_100 = tpu.memref_slice %arg8[%dma_start3A_97, %dma_start3A_98, %dma_start3A_99] : memref<2x104x64xf32, #tpu.memory_space<vmem>> -> memref<1x96x64xf32, #tpu.memory_space<vmem>>
    %dma_start3A_101 = tpu.memref_squeeze %dma_start3A_100 : memref<1x96x64xf32, #tpu.memory_space<vmem>> -> memref<96x64xf32, #tpu.memory_space<vmem>>
    %dma_start3A_102 = arith.constant 0 : i32
    %dma_start3A_103 = tpu.memref_slice %arg4[%add3A_96, %dma_start3A_102] : memref<819200x64xf32, #tpu.memory_space<hbm>> -> memref<96x64xf32, #tpu.memory_space<hbm>>
    %dma_start3A_104 = arith.constant 0 : i32
    %dma_start3A_105 = tpu.memref_slice %arg4[%add3A_96, %dma_start3A_104] : memref<819200x64xf32, #tpu.memory_space<hbm>> -> memref<96x64xf32, #tpu.memory_space<hbm>>
    %dma_start3A_106 = arith.constant 0 : i32
    %dma_start3A_107 = arith.constant 0 : i32
    %dma_start3A_108 = tpu.memref_slice %arg8[%dma_start3A_97, %dma_start3A_106, %dma_start3A_107] : memref<2x104x64xf32, #tpu.memory_space<vmem>> -> memref<1x96x64xf32, #tpu.memory_space<vmem>>
    %dma_start3A_109 = tpu.memref_squeeze %dma_start3A_108 : memref<1x96x64xf32, #tpu.memory_space<vmem>> -> memref<96x64xf32, #tpu.memory_space<vmem>>
    tpu.enqueue_dma source(%dma_start3A_109 : memref<96x64xf32, #tpu.memory_space<vmem>>) target(%dma_start3A_105 : memref<96x64xf32, #tpu.memory_space<hbm>>) target_semaphore(%arg13 : memref<!tpu.dma_semaphore, #tpu.memory_space<semaphore_mem>>)
    %swap3A = arith.constant 0 : i32
    %swap3A_110 = arith.index_cast %swap3A : i32 to index
    %swap3A_111 = arith.constant 0 : index
    %swap3A_112 = tpu.vector_load %arg9[%swap3A_110, %swap3A_111] {strides = array<i32>} : memref<128x64xf32, #tpu.memory_space<vmem>>, vector<1x16xf32>,
    %swap3A_113 = vector.shape_cast %swap3A_112 : vector<1x16xf32> to vector<16xf32>
    %swap3A_114 = vector.shape_cast %scan3A_91#0 : vector<16xf32> to vector<1x16xf32>
    tpu.vector_store %arg9[%swap3A_110, %swap3A_111], %swap3A_114 {strides = array<i32>} : memref<128x64xf32, #tpu.memory_space<vmem>>, vector<1x16xf32>,
    %swap3A_115 = arith.constant 0 : i32
    %swap3A_116 = arith.index_cast %swap3A_115 : i32 to index
    %swap3A_117 = arith.constant 16 : index
    %swap3A_118 = tpu.vector_load %arg9[%swap3A_116, %swap3A_117] {strides = array<i32>} : memref<128x64xf32, #tpu.memory_space<vmem>>, vector<1x16xf32>,
    %swap3A_119 = vector.shape_cast %swap3A_118 : vector<1x16xf32> to vector<16xf32>
    %swap3A_120 = vector.shape_cast %scan3A_91#1 : vector<16xf32> to vector<1x16xf32>
    tpu.vector_store %arg9[%swap3A_116, %swap3A_117], %swap3A_120 {strides = array<i32>} : memref<128x64xf32, #tpu.memory_space<vmem>>, vector<1x16xf32>,
    %swap3A_121 = arith.constant 0 : i32
    %swap3A_122 = arith.index_cast %swap3A_121 : i32 to index
    %swap3A_123 = arith.constant 32 : index
    %swap3A_124 = tpu.vector_load %arg9[%swap3A_122, %swap3A_123] {strides = array<i32>} : memref<128x64xf32, #tpu.memory_space<vmem>>, vector<1x16xf32>,
    %swap3A_125 = vector.shape_cast %swap3A_124 : vector<1x16xf32> to vector<16xf32>
    %swap3A_126 = vector.shape_cast %scan3A_91#2 : vector<16xf32> to vector<1x16xf32>
    tpu.vector_store %arg9[%swap3A_122, %swap3A_123], %swap3A_126 {strides = array<i32>} : memref<128x64xf32, #tpu.memory_space<vmem>>, vector<1x16xf32>,
    %swap3A_127 = arith.constant 0 : i32
    %swap3A_128 = arith.index_cast %swap3A_127 : i32 to index
    %swap3A_129 = arith.constant 48 : index
    %swap3A_130 = tpu.vector_load %arg9[%swap3A_128, %swap3A_129] {strides = array<i32>} : memref<128x64xf32, #tpu.memory_space<vmem>>, vector<1x16xf32>,
    %swap3A_131 = vector.shape_cast %swap3A_130 : vector<1x16xf32> to vector<16xf32>
    %swap3A_132 = vector.shape_cast %scan3A_91#3 : vector<16xf32> to vector<1x16xf32>
    tpu.vector_store %arg9[%swap3A_128, %swap3A_129], %swap3A_132 {strides = array<i32>} : memref<128x64xf32, #tpu.memory_space<vmem>>, vector<1x16xf32>,
    %scan3A_133 = arith.constant 0 : i32
    %scan3A_134 = arith.constant 63 : i32
    %scan3A_135 = arith.addi %scan3A_133, %scan3A_134 : i32
    %scan3A_136 = arith.constant 1 : i32
    scf.for %scan3A_292 = %scan3A_133 to %scan3A_135 step %scan3A_136  : i32 {
      %mul3A_293 = arith.constant 1 : i32
      %mul3A_294 = arith.muli %scan3A_292, %mul3A_293 : i32
      %add3A_295 = arith.constant 0 : i32
      %add3A_296 = arith.addi %add3A_295, %mul3A_294 : i32
      %mul3A_297 = arith.constant 2 : i32
      %mul3A_298 = arith.muli %mul3A_297, %add3A_296 : i32
      %add3A_299 = arith.constant 1 : i32
      %add3A_300 = arith.addi %add3A_299, %mul3A_298 : i32
      %dma_wait3A_301 = arith.constant 1 : i32
      %dma_wait3A_302 = arith.constant 0 : i32
      %dma_wait3A_303 = arith.constant 0 : i32
      %dma_wait3A_304 = tpu.memref_slice %arg7[%dma_wait3A_301, %dma_wait3A_302, %dma_wait3A_303] : memref<2x200x128xf32, #tpu.memory_space<vmem>> -> memref<1x200x128xf32, #tpu.memory_space<vmem>>
      %dma_wait3A_305 = tpu.memref_squeeze %dma_wait3A_304 : memref<1x200x128xf32, #tpu.memory_space<vmem>> -> memref<200x128xf32, #tpu.memory_space<vmem>>
      %dma_wait3A_306 = arith.constant 0 : i32
      %dma_wait3A_307 = arith.constant 0 : i32
      %dma_wait3A_308 = tpu.memref_slice %arg3[%dma_wait3A_306, %dma_wait3A_307] : memref<1000000x128xf32, #tpu.memory_space<hbm>> -> memref<200x128xf32, #tpu.memory_space<hbm>>
      %dma_wait3A_309 = arith.constant 0 : i32
      %dma_wait3A_310 = arith.constant 0 : i32
      %dma_wait3A_311 = tpu.memref_slice %arg7[%dma_wait3A_301, %dma_wait3A_309, %dma_wait3A_310] : memref<2x200x128xf32, #tpu.memory_space<vmem>> -> memref<1x200x128xf32, #tpu.memory_space<vmem>>
      %dma_wait3A_312 = tpu.memref_squeeze %dma_wait3A_311 : memref<1x200x128xf32, #tpu.memory_space<vmem>> -> memref<200x128xf32, #tpu.memory_space<vmem>>
      %dma_wait3A_313 = arith.constant 0 : i32
      %dma_wait3A_314 = arith.constant 0 : i32
      %dma_wait3A_315 = tpu.memref_slice %arg3[%dma_wait3A_313, %dma_wait3A_314] : memref<1000000x128xf32, #tpu.memory_space<hbm>> -> memref<200x128xf32, #tpu.memory_space<hbm>>
      tpu.wait_dma2 semaphore(%arg11 : memref<!tpu.dma_semaphore, #tpu.memory_space<semaphore_mem>>) src(%dma_wait3A_315 : memref<200x128xf32, #tpu.memory_space<hbm>>) dst(%dma_wait3A_312 : memref<200x128xf32, #tpu.memory_space<vmem>>)
      %add3A_316 = arith.constant 1 : i32
      %add3A_317 = arith.addi %add3A_300, %add3A_316 : i32
      %mul3A_318 = arith.constant 200 : i32
      %mul3A_319 = arith.muli %add3A_317, %mul3A_318 : i32
      %multiple_of3A_320 = tpu.assume_multiple %mul3A_319, 8 : i32
      %dma_start3A_321 = arith.constant 0 : i32
      %dma_start3A_322 = arith.constant 0 : i32
      %dma_start3A_323 = arith.constant 0 : i32
      %dma_start3A_324 = tpu.memref_slice %arg7[%dma_start3A_321, %dma_start3A_322, %dma_start3A_323] : memref<2x200x128xf32, #tpu.memory_space<vmem>> -> memref<1x104x128xf32, #tpu.memory_space<vmem>>
      %dma_start3A_325 = tpu.memref_squeeze %dma_start3A_324 : memref<1x104x128xf32, #tpu.memory_space<vmem>> -> memref<104x128xf32, #tpu.memory_space<vmem>>
      %dma_start3A_326 = tpu.memref_slice %arg6[%multiple_of3A_320] : memref<25600xi32, #tpu.memory_space<vmem>> -> memref<104xi32, #tpu.memory_space<vmem>>
      %dma_start3A_327 = arith.constant 0 : i32
      %dma_start3A_328 = arith.constant 0 : i32
      %dma_start3A_329 = tpu.memref_slice %arg3[%dma_start3A_327, %dma_start3A_328] : memref<1000000x128xf32, #tpu.memory_space<hbm>> -> memref<1000000x128xf32, #tpu.memory_space<hbm>>
      tpu.enqueue_indirect_dma source(%dma_start3A_329 : memref<1000000x128xf32, #tpu.memory_space<hbm>>) target(%dma_start3A_325 : memref<104x128xf32, #tpu.memory_space<vmem>>) offsets(%dma_start3A_326 : memref<104xi32, #tpu.memory_space<vmem>>) semaphore(%arg10 : memref<!tpu.dma_semaphore, #tpu.memory_space<semaphore_mem>>)
      %mul3A_330 = arith.constant 200 : i32
      %mul3A_331 = arith.muli %add3A_317, %mul3A_330 : i32
      %add3A_332 = arith.constant 104 : i32
      %add3A_333 = arith.addi %mul3A_331, %add3A_332 : i32
      %multiple_of3A_334 = tpu.assume_multiple %add3A_333, 8 : i32
      %dma_start3A_335 = arith.constant 0 : i32
      %dma_start3A_336 = arith.constant 104 : i32
      %dma_start3A_337 = arith.constant 0 : i32
      %dma_start3A_338 = tpu.memref_slice %arg7[%dma_start3A_335, %dma_start3A_336, %dma_start3A_337] : memref<2x200x128xf32, #tpu.memory_space<vmem>> -> memref<1x96x128xf32, #tpu.memory_space<vmem>>
      %dma_start3A_339 = tpu.memref_squeeze %dma_start3A_338 : memref<1x96x128xf32, #tpu.memory_space<vmem>> -> memref<96x128xf32, #tpu.memory_space<vmem>>
      %dma_start3A_340 = tpu.memref_slice %arg6[%multiple_of3A_334] : memref<25600xi32, #tpu.memory_space<vmem>> -> memref<96xi32, #tpu.memory_space<vmem>>
      %dma_start3A_341 = arith.constant 0 : i32
      %dma_start3A_342 = arith.constant 0 : i32
      %dma_start3A_343 = tpu.memref_slice %arg3[%dma_start3A_341, %dma_start3A_342] : memref<1000000x128xf32, #tpu.memory_space<hbm>> -> memref<1000000x128xf32, #tpu.memory_space<hbm>>
      tpu.enqueue_indirect_dma source(%dma_start3A_343 : memref<1000000x128xf32, #tpu.memory_space<hbm>>) target(%dma_start3A_339 : memref<96x128xf32, #tpu.memory_space<vmem>>) offsets(%dma_start3A_340 : memref<96xi32, #tpu.memory_space<vmem>>) semaphore(%arg10 : memref<!tpu.dma_semaphore, #tpu.memory_space<semaphore_mem>>)
      %broadcast_in_dim3A_344 = arith.constant 0.000000e+00 : f32
      %broadcast_in_dim3A_345 = vector.broadcast %broadcast_in_dim3A_344 : f32 to vector<16xf32>
      %dma_wait3A_346 = arith.constant 0 : i32
      %dma_wait3A_347 = arith.constant 0 : i32
      %dma_wait3A_348 = arith.constant 0 : i32
      %dma_wait3A_349 = tpu.memref_slice %arg8[%dma_wait3A_346, %dma_wait3A_347, %dma_wait3A_348] : memref<2x104x64xf32, #tpu.memory_space<vmem>> -> memref<1x104x64xf32, #tpu.memory_space<vmem>>
      %dma_wait3A_350 = tpu.memref_squeeze %dma_wait3A_349 : memref<1x104x64xf32, #tpu.memory_space<vmem>> -> memref<104x64xf32, #tpu.memory_space<vmem>>
      %dma_wait3A_351 = arith.constant 0 : i32
      %dma_wait3A_352 = arith.constant 0 : i32
      %dma_wait3A_353 = tpu.memref_slice %arg4[%dma_wait3A_351, %dma_wait3A_352] : memref<819200x64xf32, #tpu.memory_space<hbm>> -> memref<104x64xf32, #tpu.memory_space<hbm>>
      %dma_wait3A_354 = arith.constant 0 : i32
      %dma_wait3A_355 = arith.constant 0 : i32
      %dma_wait3A_356 = tpu.memref_slice %arg4[%dma_wait3A_354, %dma_wait3A_355] : memref<819200x64xf32, #tpu.memory_space<hbm>> -> memref<104x64xf32, #tpu.memory_space<hbm>>
      %dma_wait3A_357 = arith.constant 0 : i32
      %dma_wait3A_358 = arith.constant 0 : i32
      %dma_wait3A_359 = tpu.memref_slice %arg8[%dma_wait3A_346, %dma_wait3A_357, %dma_wait3A_358] : memref<2x104x64xf32, #tpu.memory_space<vmem>> -> memref<1x104x64xf32, #tpu.memory_space<vmem>>
      %dma_wait3A_360 = tpu.memref_squeeze %dma_wait3A_359 : memref<1x104x64xf32, #tpu.memory_space<vmem>> -> memref<104x64xf32, #tpu.memory_space<vmem>>
      tpu.wait_dma2 semaphore(%arg12 : memref<!tpu.dma_semaphore, #tpu.memory_space<semaphore_mem>>) src(%dma_wait3A_360 : memref<104x64xf32, #tpu.memory_space<vmem>>) dst(%dma_wait3A_356 : memref<104x64xf32, #tpu.memory_space<hbm>>)
      %scan3A_361 = arith.constant 1 : i32
      %scan3A_362 = arith.constant 0 : i32
      %scan3A_363 = arith.constant 0 : i32
      %scan3A_364 = arith.constant 104 : i32
      %scan3A_365 = arith.addi %scan3A_363, %scan3A_364 : i32
      %scan3A_366 = arith.constant 2 : i32
      %scan3A_367:4 = scf.for %scan3A_597 = %scan3A_363 to %scan3A_365 step %scan3A_366 iter_args(%scan3A_598 = %broadcast_in_dim3A_345, %scan3A_599 = %broadcast_in_dim3A_345, %scan3A_600 = %broadcast_in_dim3A_345, %scan3A_601 = %broadcast_in_dim3A_345) -> (vector<16xf32>, vector<16xf32>, vector<16xf32>, vector<16xf32>)  : i32 {
        %add3A_602 = arith.constant 0 : i32
        %add3A_603 = arith.addi %add3A_602, %scan3A_597 : i32
        %get3A = arith.constant 0 : i32
        %get3A_604 = arith.constant 0 : i32
        %get3A_605 = tpu.memref_slice %arg7[%scan3A_361, %get3A, %get3A_604] : memref<2x200x128xf32, #tpu.memory_space<vmem>> -> memref<1x200x128xf32, #tpu.memory_space<vmem>>
        %get3A_606 = tpu.memref_squeeze %get3A_605 : memref<1x200x128xf32, #tpu.memory_space<vmem>> -> memref<200x128xf32, #tpu.memory_space<vmem>>
        %get3A_607 = arith.index_cast %add3A_603 : i32 to index
        %get3A_608 = arith.constant 0 : index
        %get3A_609 = tpu.vector_load %get3A_606[%get3A_607, %get3A_608] {strides = array<i32>} : memref<200x128xf32, #tpu.memory_space<vmem>>, vector<1x16xf32>,
        %get3A_610 = vector.shape_cast %get3A_609 : vector<1x16xf32> to vector<16xf32>
        %swap3A_611 = arith.constant 0 : i32
        %swap3A_612 = arith.constant 0 : i32
        %swap3A_613 = tpu.memref_slice %arg8[%scan3A_362, %swap3A_611, %swap3A_612] : memref<2x104x64xf32, #tpu.memory_space<vmem>> -> memref<1x104x64xf32, #tpu.memory_space<vmem>>
        %swap3A_614 = tpu.memref_squeeze %swap3A_613 : memref<1x104x64xf32, #tpu.memory_space<vmem>> -> memref<104x64xf32, #tpu.memory_space<vmem>>
        %swap3A_615 = arith.index_cast %scan3A_597 : i32 to index
        %swap3A_616 = arith.constant 0 : index
        %swap3A_617 = tpu.vector_load %swap3A_614[%swap3A_615, %swap3A_616] {strides = array<i32>} : memref<104x64xf32, #tpu.memory_space<vmem>>, vector<1x16xf32>,
        %swap3A_618 = vector.shape_cast %swap3A_617 : vector<1x16xf32> to vector<16xf32>
        %swap3A_619 = vector.shape_cast %get3A_610 : vector<16xf32> to vector<1x16xf32>
        tpu.vector_store %swap3A_614[%swap3A_615, %swap3A_616], %swap3A_619 {strides = array<i32>} : memref<104x64xf32, #tpu.memory_space<vmem>>, vector<1x16xf32>,
        %add3A_620 = arith.addf %scan3A_598, %get3A_610 : vector<16xf32>
        %add3A_621 = arith.constant 0 : i32
        %add3A_622 = arith.addi %add3A_621, %scan3A_597 : i32
        %get3A_623 = arith.constant 0 : i32
        %get3A_624 = arith.constant 0 : i32
        %get3A_625 = tpu.memref_slice %arg7[%scan3A_361, %get3A_623, %get3A_624] : memref<2x200x128xf32, #tpu.memory_space<vmem>> -> memref<1x200x128xf32, #tpu.memory_space<vmem>>
        %get3A_626 = tpu.memref_squeeze %get3A_625 : memref<1x200x128xf32, #tpu.memory_space<vmem>> -> memref<200x128xf32, #tpu.memory_space<vmem>>
        %get3A_627 = arith.index_cast %add3A_622 : i32 to index
        %get3A_628 = arith.constant 16 : index
        %get3A_629 = tpu.vector_load %get3A_626[%get3A_627, %get3A_628] {strides = array<i32>} : memref<200x128xf32, #tpu.memory_space<vmem>>, vector<1x16xf32>,
        %get3A_630 = vector.shape_cast %get3A_629 : vector<1x16xf32> to vector<16xf32>
        %swap3A_631 = arith.constant 0 : i32
        %swap3A_632 = arith.constant 0 : i32
        %swap3A_633 = tpu.memref_slice %arg8[%scan3A_362, %swap3A_631, %swap3A_632] : memref<2x104x64xf32, #tpu.memory_space<vmem>> -> memref<1x104x64xf32, #tpu.memory_space<vmem>>
        %swap3A_634 = tpu.memref_squeeze %swap3A_633 : memref<1x104x64xf32, #tpu.memory_space<vmem>> -> memref<104x64xf32, #tpu.memory_space<vmem>>
        %swap3A_635 = arith.index_cast %scan3A_597 : i32 to index
        %swap3A_636 = arith.constant 16 : index
        %swap3A_637 = tpu.vector_load %swap3A_634[%swap3A_635, %swap3A_636] {strides = array<i32>} : memref<104x64xf32, #tpu.memory_space<vmem>>, vector<1x16xf32>,
        %swap3A_638 = vector.shape_cast %swap3A_637 : vector<1x16xf32> to vector<16xf32>
        %swap3A_639 = vector.shape_cast %get3A_630 : vector<16xf32> to vector<1x16xf32>
        tpu.vector_store %swap3A_634[%swap3A_635, %swap3A_636], %swap3A_639 {strides = array<i32>} : memref<104x64xf32, #tpu.memory_space<vmem>>, vector<1x16xf32>,
        %add3A_640 = arith.addf %scan3A_599, %get3A_630 : vector<16xf32>
        %add3A_641 = arith.constant 0 : i32
        %add3A_642 = arith.addi %add3A_641, %scan3A_597 : i32
        %get3A_643 = arith.constant 0 : i32
        %get3A_644 = arith.constant 0 : i32
        %get3A_645 = tpu.memref_slice %arg7[%scan3A_361, %get3A_643, %get3A_644] : memref<2x200x128xf32, #tpu.memory_space<vmem>> -> memref<1x200x128xf32, #tpu.memory_space<vmem>>
        %get3A_646 = tpu.memref_squeeze %get3A_645 : memref<1x200x128xf32, #tpu.memory_space<vmem>> -> memref<200x128xf32, #tpu.memory_space<vmem>>
        %get3A_647 = arith.index_cast %add3A_642 : i32 to index
        %get3A_648 = arith.constant 32 : index
        %get3A_649 = tpu.vector_load %get3A_646[%get3A_647, %get3A_648] {strides = array<i32>} : memref<200x128xf32, #tpu.memory_space<vmem>>, vector<1x16xf32>,
        %get3A_650 = vector.shape_cast %get3A_649 : vector<1x16xf32> to vector<16xf32>
        %swap3A_651 = arith.constant 0 : i32
        %swap3A_652 = arith.constant 0 : i32
        %swap3A_653 = tpu.memref_slice %arg8[%scan3A_362, %swap3A_651, %swap3A_652] : memref<2x104x64xf32, #tpu.memory_space<vmem>> -> memref<1x104x64xf32, #tpu.memory_space<vmem>>
        %swap3A_654 = tpu.memref_squeeze %swap3A_653 : memref<1x104x64xf32, #tpu.memory_space<vmem>> -> memref<104x64xf32, #tpu.memory_space<vmem>>
        %swap3A_655 = arith.index_cast %scan3A_597 : i32 to index
        %swap3A_656 = arith.constant 32 : index
        %swap3A_657 = tpu.vector_load %swap3A_654[%swap3A_655, %swap3A_656] {strides = array<i32>} : memref<104x64xf32, #tpu.memory_space<vmem>>, vector<1x16xf32>,
        %swap3A_658 = vector.shape_cast %swap3A_657 : vector<1x16xf32> to vector<16xf32>
        %swap3A_659 = vector.shape_cast %get3A_650 : vector<16xf32> to vector<1x16xf32>
        tpu.vector_store %swap3A_654[%swap3A_655, %swap3A_656], %swap3A_659 {strides = array<i32>} : memref<104x64xf32, #tpu.memory_space<vmem>>, vector<1x16xf32>,
        %add3A_660 = arith.addf %scan3A_600, %get3A_650 : vector<16xf32>
        %add3A_661 = arith.constant 0 : i32
        %add3A_662 = arith.addi %add3A_661, %scan3A_597 : i32
        %get3A_663 = arith.constant 0 : i32
        %get3A_664 = arith.constant 0 : i32
        %get3A_665 = tpu.memref_slice %arg7[%scan3A_361, %get3A_663, %get3A_664] : memref<2x200x128xf32, #tpu.memory_space<vmem>> -> memref<1x200x128xf32, #tpu.memory_space<vmem>>
        %get3A_666 = tpu.memref_squeeze %get3A_665 : memref<1x200x128xf32, #tpu.memory_space<vmem>> -> memref<200x128xf32, #tpu.memory_space<vmem>>
        %get3A_667 = arith.index_cast %add3A_662 : i32 to index
        %get3A_668 = arith.constant 48 : index
        %get3A_669 = tpu.vector_load %get3A_666[%get3A_667, %get3A_668] {strides = array<i32>} : memref<200x128xf32, #tpu.memory_space<vmem>>, vector<1x16xf32>,
        %get3A_670 = vector.shape_cast %get3A_669 : vector<1x16xf32> to vector<16xf32>
        %swap3A_671 = arith.constant 0 : i32
        %swap3A_672 = arith.constant 0 : i32
        %swap3A_673 = tpu.memref_slice %arg8[%scan3A_362, %swap3A_671, %swap3A_672] : memref<2x104x64xf32, #tpu.memory_space<vmem>> -> memref<1x104x64xf32, #tpu.memory_space<vmem>>
        %swap3A_674 = tpu.memref_squeeze %swap3A_673 : memref<1x104x64xf32, #tpu.memory_space<vmem>> -> memref<104x64xf32, #tpu.memory_space<vmem>>
        %swap3A_675 = arith.index_cast %scan3A_597 : i32 to index
        %swap3A_676 = arith.constant 48 : index
        %swap3A_677 = tpu.vector_load %swap3A_674[%swap3A_675, %swap3A_676] {strides = array<i32>} : memref<104x64xf32, #tpu.memory_space<vmem>>, vector<1x16xf32>,
        %swap3A_678 = vector.shape_cast %swap3A_677 : vector<1x16xf32> to vector<16xf32>
        %swap3A_679 = vector.shape_cast %get3A_670 : vector<16xf32> to vector<1x16xf32>
        tpu.vector_store %swap3A_674[%swap3A_675, %swap3A_676], %swap3A_679 {strides = array<i32>} : memref<104x64xf32, #tpu.memory_space<vmem>>, vector<1x16xf32>,
        %add3A_680 = arith.addf %scan3A_601, %get3A_670 : vector<16xf32>
        %scan3A_681 = arith.constant 1 : i32
        %scan3A_682 = arith.addi %scan3A_597, %scan3A_681 : i32
        %add3A_683 = arith.constant 0 : i32
        %add3A_684 = arith.addi %add3A_683, %scan3A_682 : i32
        %get3A_685 = arith.constant 0 : i32
        %get3A_686 = arith.constant 0 : i32
        %get3A_687 = tpu.memref_slice %arg7[%scan3A_361, %get3A_685, %get3A_686] : memref<2x200x128xf32, #tpu.memory_space<vmem>> -> memref<1x200x128xf32, #tpu.memory_space<vmem>>
        %get3A_688 = tpu.memref_squeeze %get3A_687 : memref<1x200x128xf32, #tpu.memory_space<vmem>> -> memref<200x128xf32, #tpu.memory_space<vmem>>
        %get3A_689 = arith.index_cast %add3A_684 : i32 to index
        %get3A_690 = arith.constant 0 : index
        %get3A_691 = tpu.vector_load %get3A_688[%get3A_689, %get3A_690] {strides = array<i32>} : memref<200x128xf32, #tpu.memory_space<vmem>>, vector<1x16xf32>,
        %get3A_692 = vector.shape_cast %get3A_691 : vector<1x16xf32> to vector<16xf32>
        %swap3A_693 = arith.constant 0 : i32
        %swap3A_694 = arith.constant 0 : i32
        %swap3A_695 = tpu.memref_slice %arg8[%scan3A_362, %swap3A_693, %swap3A_694] : memref<2x104x64xf32, #tpu.memory_space<vmem>> -> memref<1x104x64xf32, #tpu.memory_space<vmem>>
        %swap3A_696 = tpu.memref_squeeze %swap3A_695 : memref<1x104x64xf32, #tpu.memory_space<vmem>> -> memref<104x64xf32, #tpu.memory_space<vmem>>
        %swap3A_697 = arith.index_cast %scan3A_682 : i32 to index
        %swap3A_698 = arith.constant 0 : index
        %swap3A_699 = tpu.vector_load %swap3A_696[%swap3A_697, %swap3A_698] {strides = array<i32>} : memref<104x64xf32, #tpu.memory_space<vmem>>, vector<1x16xf32>,
        %swap3A_700 = vector.shape_cast %swap3A_699 : vector<1x16xf32> to vector<16xf32>
        %swap3A_701 = vector.shape_cast %get3A_692 : vector<16xf32> to vector<1x16xf32>
        tpu.vector_store %swap3A_696[%swap3A_697, %swap3A_698], %swap3A_701 {strides = array<i32>} : memref<104x64xf32, #tpu.memory_space<vmem>>, vector<1x16xf32>,
        %add3A_702 = arith.addf %add3A_620, %get3A_692 : vector<16xf32>
        %add3A_703 = arith.constant 0 : i32
        %add3A_704 = arith.addi %add3A_703, %scan3A_682 : i32
        %get3A_705 = arith.constant 0 : i32
        %get3A_706 = arith.constant 0 : i32
        %get3A_707 = tpu.memref_slice %arg7[%scan3A_361, %get3A_705, %get3A_706] : memref<2x200x128xf32, #tpu.memory_space<vmem>> -> memref<1x200x128xf32, #tpu.memory_space<vmem>>
        %get3A_708 = tpu.memref_squeeze %get3A_707 : memref<1x200x128xf32, #tpu.memory_space<vmem>> -> memref<200x128xf32, #tpu.memory_space<vmem>>
        %get3A_709 = arith.index_cast %add3A_704 : i32 to index
        %get3A_710 = arith.constant 16 : index
        %get3A_711 = tpu.vector_load %get3A_708[%get3A_709, %get3A_710] {strides = array<i32>} : memref<200x128xf32, #tpu.memory_space<vmem>>, vector<1x16xf32>,
        %get3A_712 = vector.shape_cast %get3A_711 : vector<1x16xf32> to vector<16xf32>
        %swap3A_713 = arith.constant 0 : i32
        %swap3A_714 = arith.constant 0 : i32
        %swap3A_715 = tpu.memref_slice %arg8[%scan3A_362, %swap3A_713, %swap3A_714] : memref<2x104x64xf32, #tpu.memory_space<vmem>> -> memref<1x104x64xf32, #tpu.memory_space<vmem>>
        %swap3A_716 = tpu.memref_squeeze %swap3A_715 : memref<1x104x64xf32, #tpu.memory_space<vmem>> -> memref<104x64xf32, #tpu.memory_space<vmem>>
        %swap3A_717 = arith.index_cast %scan3A_682 : i32 to index
        %swap3A_718 = arith.constant 16 : index
        %swap3A_719 = tpu.vector_load %swap3A_716[%swap3A_717, %swap3A_718] {strides = array<i32>} : memref<104x64xf32, #tpu.memory_space<vmem>>, vector<1x16xf32>,
        %swap3A_720 = vector.shape_cast %swap3A_719 : vector<1x16xf32> to vector<16xf32>
        %swap3A_721 = vector.shape_cast %get3A_712 : vector<16xf32> to vector<1x16xf32>
        tpu.vector_store %swap3A_716[%swap3A_717, %swap3A_718], %swap3A_721 {strides = array<i32>} : memref<104x64xf32, #tpu.memory_space<vmem>>, vector<1x16xf32>,
        %add3A_722 = arith.addf %add3A_640, %get3A_712 : vector<16xf32>
        %add3A_723 = arith.constant 0 : i32
        %add3A_724 = arith.addi %add3A_723, %scan3A_682 : i32
        %get3A_725 = arith.constant 0 : i32
        %get3A_726 = arith.constant 0 : i32
        %get3A_727 = tpu.memref_slice %arg7[%scan3A_361, %get3A_725, %get3A_726] : memref<2x200x128xf32, #tpu.memory_space<vmem>> -> memref<1x200x128xf32, #tpu.memory_space<vmem>>
        %get3A_728 = tpu.memref_squeeze %get3A_727 : memref<1x200x128xf32, #tpu.memory_space<vmem>> -> memref<200x128xf32, #tpu.memory_space<vmem>>
        %get3A_729 = arith.index_cast %add3A_724 : i32 to index
        %get3A_730 = arith.constant 32 : index
        %get3A_731 = tpu.vector_load %get3A_728[%get3A_729, %get3A_730] {strides = array<i32>} : memref<200x128xf32, #tpu.memory_space<vmem>>, vector<1x16xf32>,
        %get3A_732 = vector.shape_cast %get3A_731 : vector<1x16xf32> to vector<16xf32>
        %swap3A_733 = arith.constant 0 : i32
        %swap3A_734 = arith.constant 0 : i32
        %swap3A_735 = tpu.memref_slice %arg8[%scan3A_362, %swap3A_733, %swap3A_734] : memref<2x104x64xf32, #tpu.memory_space<vmem>> -> memref<1x104x64xf32, #tpu.memory_space<vmem>>
        %swap3A_736 = tpu.memref_squeeze %swap3A_735 : memref<1x104x64xf32, #tpu.memory_space<vmem>> -> memref<104x64xf32, #tpu.memory_space<vmem>>
        %swap3A_737 = arith.index_cast %scan3A_682 : i32 to index
        %swap3A_738 = arith.constant 32 : index
        %swap3A_739 = tpu.vector_load %swap3A_736[%swap3A_737, %swap3A_738] {strides = array<i32>} : memref<104x64xf32, #tpu.memory_space<vmem>>, vector<1x16xf32>,
        %swap3A_740 = vector.shape_cast %swap3A_739 : vector<1x16xf32> to vector<16xf32>
        %swap3A_741 = vector.shape_cast %get3A_732 : vector<16xf32> to vector<1x16xf32>
        tpu.vector_store %swap3A_736[%swap3A_737, %swap3A_738], %swap3A_741 {strides = array<i32>} : memref<104x64xf32, #tpu.memory_space<vmem>>, vector<1x16xf32>,
        %add3A_742 = arith.addf %add3A_660, %get3A_732 : vector<16xf32>
        %add3A_743 = arith.constant 0 : i32
        %add3A_744 = arith.addi %add3A_743, %scan3A_682 : i32
        %get3A_745 = arith.constant 0 : i32
        %get3A_746 = arith.constant 0 : i32
        %get3A_747 = tpu.memref_slice %arg7[%scan3A_361, %get3A_745, %get3A_746] : memref<2x200x128xf32, #tpu.memory_space<vmem>> -> memref<1x200x128xf32, #tpu.memory_space<vmem>>
        %get3A_748 = tpu.memref_squeeze %get3A_747 : memref<1x200x128xf32, #tpu.memory_space<vmem>> -> memref<200x128xf32, #tpu.memory_space<vmem>>
        %get3A_749 = arith.index_cast %add3A_744 : i32 to index
        %get3A_750 = arith.constant 48 : index
        %get3A_751 = tpu.vector_load %get3A_748[%get3A_749, %get3A_750] {strides = array<i32>} : memref<200x128xf32, #tpu.memory_space<vmem>>, vector<1x16xf32>,
        %get3A_752 = vector.shape_cast %get3A_751 : vector<1x16xf32> to vector<16xf32>
        %swap3A_753 = arith.constant 0 : i32
        %swap3A_754 = arith.constant 0 : i32
        %swap3A_755 = tpu.memref_slice %arg8[%scan3A_362, %swap3A_753, %swap3A_754] : memref<2x104x64xf32, #tpu.memory_space<vmem>> -> memref<1x104x64xf32, #tpu.memory_space<vmem>>
        %swap3A_756 = tpu.memref_squeeze %swap3A_755 : memref<1x104x64xf32, #tpu.memory_space<vmem>> -> memref<104x64xf32, #tpu.memory_space<vmem>>
        %swap3A_757 = arith.index_cast %scan3A_682 : i32 to index
        %swap3A_758 = arith.constant 48 : index
        %swap3A_759 = tpu.vector_load %swap3A_756[%swap3A_757, %swap3A_758] {strides = array<i32>} : memref<104x64xf32, #tpu.memory_space<vmem>>, vector<1x16xf32>,
        %swap3A_760 = vector.shape_cast %swap3A_759 : vector<1x16xf32> to vector<16xf32>
        %swap3A_761 = vector.shape_cast %get3A_752 : vector<16xf32> to vector<1x16xf32>
        tpu.vector_store %swap3A_756[%swap3A_757, %swap3A_758], %swap3A_761 {strides = array<i32>} : memref<104x64xf32, #tpu.memory_space<vmem>>, vector<1x16xf32>,
        %add3A_762 = arith.addf %add3A_680, %get3A_752 : vector<16xf32>
        scf.yield %add3A_702, %add3A_722, %add3A_742, %add3A_762 : vector<16xf32>, vector<16xf32>, vector<16xf32>, vector<16xf32>
      }
      %scan3A_368 = arith.constant 104 : i32
      %mul3A_369 = arith.constant 200 : i32
      %mul3A_370 = arith.muli %add3A_300, %mul3A_369 : i32
      %add3A_371 = arith.addi %multiple_of3A, %mul3A_370 : i32
      %add3A_372 = arith.constant 0 : i32
      %add3A_373 = arith.addi %add3A_371, %add3A_372 : i32
      %dma_start3A_374 = arith.constant 0 : i32
      %dma_start3A_375 = arith.constant 0 : i32
      %dma_start3A_376 = arith.constant 0 : i32
      %dma_start3A_377 = tpu.memref_slice %arg8[%dma_start3A_374, %dma_start3A_375, %dma_start3A_376] : memref<2x104x64xf32, #tpu.memory_space<vmem>> -> memref<1x104x64xf32, #tpu.memory_space<vmem>>
      %dma_start3A_378 = tpu.memref_squeeze %dma_start3A_377 : memref<1x104x64xf32, #tpu.memory_space<vmem>> -> memref<104x64xf32, #tpu.memory_space<vmem>>
      %dma_start3A_379 = arith.constant 0 : i32
      %dma_start3A_380 = tpu.memref_slice %arg4[%add3A_373, %dma_start3A_379] : memref<819200x64xf32, #tpu.memory_space<hbm>> -> memref<104x64xf32, #tpu.memory_space<hbm>>
      %dma_start3A_381 = arith.constant 0 : i32
      %dma_start3A_382 = tpu.memref_slice %arg4[%add3A_373, %dma_start3A_381] : memref<819200x64xf32, #tpu.memory_space<hbm>> -> memref<104x64xf32, #tpu.memory_space<hbm>>
      %dma_start3A_383 = arith.constant 0 : i32
      %dma_start3A_384 = arith.constant 0 : i32
      %dma_start3A_385 = tpu.memref_slice %arg8[%dma_start3A_374, %dma_start3A_383, %dma_start3A_384] : memref<2x104x64xf32, #tpu.memory_space<vmem>> -> memref<1x104x64xf32, #tpu.memory_space<vmem>>
      %dma_start3A_386 = tpu.memref_squeeze %dma_start3A_385 : memref<1x104x64xf32, #tpu.memory_space<vmem>> -> memref<104x64xf32, #tpu.memory_space<vmem>>
      tpu.enqueue_dma source(%dma_start3A_386 : memref<104x64xf32, #tpu.memory_space<vmem>>) target(%dma_start3A_382 : memref<104x64xf32, #tpu.memory_space<hbm>>) target_semaphore(%arg12 : memref<!tpu.dma_semaphore, #tpu.memory_space<semaphore_mem>>)
      %dma_wait3A_387 = arith.constant 1 : i32
      %dma_wait3A_388 = arith.constant 0 : i32
      %dma_wait3A_389 = arith.constant 0 : i32
      %dma_wait3A_390 = tpu.memref_slice %arg8[%dma_wait3A_387, %dma_wait3A_388, %dma_wait3A_389] : memref<2x104x64xf32, #tpu.memory_space<vmem>> -> memref<1x96x64xf32, #tpu.memory_space<vmem>>
      %dma_wait3A_391 = tpu.memref_squeeze %dma_wait3A_390 : memref<1x96x64xf32, #tpu.memory_space<vmem>> -> memref<96x64xf32, #tpu.memory_space<vmem>>
      %dma_wait3A_392 = arith.constant 0 : i32
      %dma_wait3A_393 = arith.constant 0 : i32
      %dma_wait3A_394 = tpu.memref_slice %arg4[%dma_wait3A_392, %dma_wait3A_393] : memref<819200x64xf32, #tpu.memory_space<hbm>> -> memref<96x64xf32, #tpu.memory_space<hbm>>
      %dma_wait3A_395 = arith.constant 0 : i32
      %dma_wait3A_396 = arith.constant 0 : i32
      %dma_wait3A_397 = tpu.memref_slice %arg4[%dma_wait3A_395, %dma_wait3A_396] : memref<819200x64xf32, #tpu.memory_space<hbm>> -> memref<96x64xf32, #tpu.memory_space<hbm>>
      %dma_wait3A_398 = arith.constant 0 : i32
      %dma_wait3A_399 = arith.constant 0 : i32
      %dma_wait3A_400 = tpu.memref_slice %arg8[%dma_wait3A_387, %dma_wait3A_398, %dma_wait3A_399] : memref<2x104x64xf32, #tpu.memory_space<vmem>> -> memref<1x96x64xf32, #tpu.memory_space<vmem>>
      %dma_wait3A_401 = tpu.memref_squeeze %dma_wait3A_400 : memref<1x96x64xf32, #tpu.memory_space<vmem>> -> memref<96x64xf32, #tpu.memory_space<vmem>>
      tpu.wait_dma2 semaphore(%arg13 : memref<!tpu.dma_semaphore, #tpu.memory_space<semaphore_mem>>) src(%dma_wait3A_401 : memref<96x64xf32, #tpu.memory_space<vmem>>) dst(%dma_wait3A_397 : memref<96x64xf32, #tpu.memory_space<hbm>>)
      %scan3A_402 = arith.constant 1 : i32
      %scan3A_403 = arith.constant 1 : i32
      %scan3A_404 = arith.constant 0 : i32
      %scan3A_405 = arith.constant 96 : i32
      %scan3A_406 = arith.addi %scan3A_404, %scan3A_405 : i32
      %scan3A_407 = arith.constant 2 : i32
      %scan3A_408:4 = scf.for %scan3A_597 = %scan3A_404 to %scan3A_406 step %scan3A_407 iter_args(%scan3A_598 = %scan3A_367#0, %scan3A_599 = %scan3A_367#1, %scan3A_600 = %scan3A_367#2, %scan3A_601 = %scan3A_367#3) -> (vector<16xf32>, vector<16xf32>, vector<16xf32>, vector<16xf32>)  : i32 {
        %add3A_602 = arith.constant 104 : i32
        %add3A_603 = arith.addi %add3A_602, %scan3A_597 : i32
        %get3A = arith.constant 0 : i32
        %get3A_604 = arith.constant 0 : i32
        %get3A_605 = tpu.memref_slice %arg7[%scan3A_402, %get3A, %get3A_604] : memref<2x200x128xf32, #tpu.memory_space<vmem>> -> memref<1x200x128xf32, #tpu.memory_space<vmem>>
        %get3A_606 = tpu.memref_squeeze %get3A_605 : memref<1x200x128xf32, #tpu.memory_space<vmem>> -> memref<200x128xf32, #tpu.memory_space<vmem>>
        %get3A_607 = arith.index_cast %add3A_603 : i32 to index
        %get3A_608 = arith.constant 0 : index
        %get3A_609 = tpu.vector_load %get3A_606[%get3A_607, %get3A_608] {strides = array<i32>} : memref<200x128xf32, #tpu.memory_space<vmem>>, vector<1x16xf32>,
        %get3A_610 = vector.shape_cast %get3A_609 : vector<1x16xf32> to vector<16xf32>
        %swap3A_611 = arith.constant 0 : i32
        %swap3A_612 = arith.constant 0 : i32
        %swap3A_613 = tpu.memref_slice %arg8[%scan3A_403, %swap3A_611, %swap3A_612] : memref<2x104x64xf32, #tpu.memory_space<vmem>> -> memref<1x104x64xf32, #tpu.memory_space<vmem>>
        %swap3A_614 = tpu.memref_squeeze %swap3A_613 : memref<1x104x64xf32, #tpu.memory_space<vmem>> -> memref<104x64xf32, #tpu.memory_space<vmem>>
        %swap3A_615 = arith.index_cast %scan3A_597 : i32 to index
        %swap3A_616 = arith.constant 0 : index
        %swap3A_617 = tpu.vector_load %swap3A_614[%swap3A_615, %swap3A_616] {strides = array<i32>} : memref<104x64xf32, #tpu.memory_space<vmem>>, vector<1x16xf32>,
        %swap3A_618 = vector.shape_cast %swap3A_617 : vector<1x16xf32> to vector<16xf32>
        %swap3A_619 = vector.shape_cast %get3A_610 : vector<16xf32> to vector<1x16xf32>
        tpu.vector_store %swap3A_614[%swap3A_615, %swap3A_616], %swap3A_619 {strides = array<i32>} : memref<104x64xf32, #tpu.memory_space<vmem>>, vector<1x16xf32>,
        %add3A_620 = arith.addf %scan3A_598, %get3A_610 : vector<16xf32>
        %add3A_621 = arith.constant 104 : i32
        %add3A_622 = arith.addi %add3A_621, %scan3A_597 : i32
        %get3A_623 = arith.constant 0 : i32
        %get3A_624 = arith.constant 0 : i32
        %get3A_625 = tpu.memref_slice %arg7[%scan3A_402, %get3A_623, %get3A_624] : memref<2x200x128xf32, #tpu.memory_space<vmem>> -> memref<1x200x128xf32, #tpu.memory_space<vmem>>
        %get3A_626 = tpu.memref_squeeze %get3A_625 : memref<1x200x128xf32, #tpu.memory_space<vmem>> -> memref<200x128xf32, #tpu.memory_space<vmem>>
        %get3A_627 = arith.index_cast %add3A_622 : i32 to index
        %get3A_628 = arith.constant 16 : index
        %get3A_629 = tpu.vector_load %get3A_626[%get3A_627, %get3A_628] {strides = array<i32>} : memref<200x128xf32, #tpu.memory_space<vmem>>, vector<1x16xf32>,
        %get3A_630 = vector.shape_cast %get3A_629 : vector<1x16xf32> to vector<16xf32>
        %swap3A_631 = arith.constant 0 : i32
        %swap3A_632 = arith.constant 0 : i32
        %swap3A_633 = tpu.memref_slice %arg8[%scan3A_403, %swap3A_631, %swap3A_632] : memref<2x104x64xf32, #tpu.memory_space<vmem>> -> memref<1x104x64xf32, #tpu.memory_space<vmem>>
        %swap3A_634 = tpu.memref_squeeze %swap3A_633 : memref<1x104x64xf32, #tpu.memory_space<vmem>> -> memref<104x64xf32, #tpu.memory_space<vmem>>
        %swap3A_635 = arith.index_cast %scan3A_597 : i32 to index
        %swap3A_636 = arith.constant 16 : index
        %swap3A_637 = tpu.vector_load %swap3A_634[%swap3A_635, %swap3A_636] {strides = array<i32>} : memref<104x64xf32, #tpu.memory_space<vmem>>, vector<1x16xf32>,
        %swap3A_638 = vector.shape_cast %swap3A_637 : vector<1x16xf32> to vector<16xf32>
        %swap3A_639 = vector.shape_cast %get3A_630 : vector<16xf32> to vector<1x16xf32>
        tpu.vector_store %swap3A_634[%swap3A_635, %swap3A_636], %swap3A_639 {strides = array<i32>} : memref<104x64xf32, #tpu.memory_space<vmem>>, vector<1x16xf32>,
        %add3A_640 = arith.addf %scan3A_599, %get3A_630 : vector<16xf32>
        %add3A_641 = arith.constant 104 : i32
        %add3A_642 = arith.addi %add3A_641, %scan3A_597 : i32
        %get3A_643 = arith.constant 0 : i32
        %get3A_644 = arith.constant 0 : i32
        %get3A_645 = tpu.memref_slice %arg7[%scan3A_402, %get3A_643, %get3A_644] : memref<2x200x128xf32, #tpu.memory_space<vmem>> -> memref<1x200x128xf32, #tpu.memory_space<vmem>>
        %get3A_646 = tpu.memref_squeeze %get3A_645 : memref<1x200x128xf32, #tpu.memory_space<vmem>> -> memref<200x128xf32, #tpu.memory_space<vmem>>
        %get3A_647 = arith.index_cast %add3A_642 : i32 to index
        %get3A_648 = arith.constant 32 : index
        %get3A_649 = tpu.vector_load %get3A_646[%get3A_647, %get3A_648] {strides = array<i32>} : memref<200x128xf32, #tpu.memory_space<vmem>>, vector<1x16xf32>,
        %get3A_650 = vector.shape_cast %get3A_649 : vector<1x16xf32> to vector<16xf32>
        %swap3A_651 = arith.constant 0 : i32
        %swap3A_652 = arith.constant 0 : i32
        %swap3A_653 = tpu.memref_slice %arg8[%scan3A_403, %swap3A_651, %swap3A_652] : memref<2x104x64xf32, #tpu.memory_space<vmem>> -> memref<1x104x64xf32, #tpu.memory_space<vmem>>
        %swap3A_654 = tpu.memref_squeeze %swap3A_653 : memref<1x104x64xf32, #tpu.memory_space<vmem>> -> memref<104x64xf32, #tpu.memory_space<vmem>>
        %swap3A_655 = arith.index_cast %scan3A_597 : i32 to index
        %swap3A_656 = arith.constant 32 : index
        %swap3A_657 = tpu.vector_load %swap3A_654[%swap3A_655, %swap3A_656] {strides = array<i32>} : memref<104x64xf32, #tpu.memory_space<vmem>>, vector<1x16xf32>,
        %swap3A_658 = vector.shape_cast %swap3A_657 : vector<1x16xf32> to vector<16xf32>
        %swap3A_659 = vector.shape_cast %get3A_650 : vector<16xf32> to vector<1x16xf32>
        tpu.vector_store %swap3A_654[%swap3A_655, %swap3A_656], %swap3A_659 {strides = array<i32>} : memref<104x64xf32, #tpu.memory_space<vmem>>, vector<1x16xf32>,
        %add3A_660 = arith.addf %scan3A_600, %get3A_650 : vector<16xf32>
        %add3A_661 = arith.constant 104 : i32
        %add3A_662 = arith.addi %add3A_661, %scan3A_597 : i32
        %get3A_663 = arith.constant 0 : i32
        %get3A_664 = arith.constant 0 : i32
        %get3A_665 = tpu.memref_slice %arg7[%scan3A_402, %get3A_663, %get3A_664] : memref<2x200x128xf32, #tpu.memory_space<vmem>> -> memref<1x200x128xf32, #tpu.memory_space<vmem>>
        %get3A_666 = tpu.memref_squeeze %get3A_665 : memref<1x200x128xf32, #tpu.memory_space<vmem>> -> memref<200x128xf32, #tpu.memory_space<vmem>>
        %get3A_667 = arith.index_cast %add3A_662 : i32 to index
        %get3A_668 = arith.constant 48 : index
        %get3A_669 = tpu.vector_load %get3A_666[%get3A_667, %get3A_668] {strides = array<i32>} : memref<200x128xf32, #tpu.memory_space<vmem>>, vector<1x16xf32>,
        %get3A_670 = vector.shape_cast %get3A_669 : vector<1x16xf32> to vector<16xf32>
        %swap3A_671 = arith.constant 0 : i32
        %swap3A_672 = arith.constant 0 : i32
        %swap3A_673 = tpu.memref_slice %arg8[%scan3A_403, %swap3A_671, %swap3A_672] : memref<2x104x64xf32, #tpu.memory_space<vmem>> -> memref<1x104x64xf32, #tpu.memory_space<vmem>>
        %swap3A_674 = tpu.memref_squeeze %swap3A_673 : memref<1x104x64xf32, #tpu.memory_space<vmem>> -> memref<104x64xf32, #tpu.memory_space<vmem>>
        %swap3A_675 = arith.index_cast %scan3A_597 : i32 to index
        %swap3A_676 = arith.constant 48 : index
        %swap3A_677 = tpu.vector_load %swap3A_674[%swap3A_675, %swap3A_676] {strides = array<i32>} : memref<104x64xf32, #tpu.memory_space<vmem>>, vector<1x16xf32>,
        %swap3A_678 = vector.shape_cast %swap3A_677 : vector<1x16xf32> to vector<16xf32>
        %swap3A_679 = vector.shape_cast %get3A_670 : vector<16xf32> to vector<1x16xf32>
        tpu.vector_store %swap3A_674[%swap3A_675, %swap3A_676], %swap3A_679 {strides = array<i32>} : memref<104x64xf32, #tpu.memory_space<vmem>>, vector<1x16xf32>,
        %add3A_680 = arith.addf %scan3A_601, %get3A_670 : vector<16xf32>
        %scan3A_681 = arith.constant 1 : i32
        %scan3A_682 = arith.addi %scan3A_597, %scan3A_681 : i32
        %add3A_683 = arith.constant 104 : i32
        %add3A_684 = arith.addi %add3A_683, %scan3A_682 : i32
        %get3A_685 = arith.constant 0 : i32
        %get3A_686 = arith.constant 0 : i32
        %get3A_687 = tpu.memref_slice %arg7[%scan3A_402, %get3A_685, %get3A_686] : memref<2x200x128xf32, #tpu.memory_space<vmem>> -> memref<1x200x128xf32, #tpu.memory_space<vmem>>
        %get3A_688 = tpu.memref_squeeze %get3A_687 : memref<1x200x128xf32, #tpu.memory_space<vmem>> -> memref<200x128xf32, #tpu.memory_space<vmem>>
        %get3A_689 = arith.index_cast %add3A_684 : i32 to index
        %get3A_690 = arith.constant 0 : index
        %get3A_691 = tpu.vector_load %get3A_688[%get3A_689, %get3A_690] {strides = array<i32>} : memref<200x128xf32, #tpu.memory_space<vmem>>, vector<1x16xf32>,
        %get3A_692 = vector.shape_cast %get3A_691 : vector<1x16xf32> to vector<16xf32>
        %swap3A_693 = arith.constant 0 : i32
        %swap3A_694 = arith.constant 0 : i32
        %swap3A_695 = tpu.memref_slice %arg8[%scan3A_403, %swap3A_693, %swap3A_694] : memref<2x104x64xf32, #tpu.memory_space<vmem>> -> memref<1x104x64xf32, #tpu.memory_space<vmem>>
        %swap3A_696 = tpu.memref_squeeze %swap3A_695 : memref<1x104x64xf32, #tpu.memory_space<vmem>> -> memref<104x64xf32, #tpu.memory_space<vmem>>
        %swap3A_697 = arith.index_cast %scan3A_682 : i32 to index
        %swap3A_698 = arith.constant 0 : index
        %swap3A_699 = tpu.vector_load %swap3A_696[%swap3A_697, %swap3A_698] {strides = array<i32>} : memref<104x64xf32, #tpu.memory_space<vmem>>, vector<1x16xf32>,
        %swap3A_700 = vector.shape_cast %swap3A_699 : vector<1x16xf32> to vector<16xf32>
        %swap3A_701 = vector.shape_cast %get3A_692 : vector<16xf32> to vector<1x16xf32>
        tpu.vector_store %swap3A_696[%swap3A_697, %swap3A_698], %swap3A_701 {strides = array<i32>} : memref<104x64xf32, #tpu.memory_space<vmem>>, vector<1x16xf32>,
        %add3A_702 = arith.addf %add3A_620, %get3A_692 : vector<16xf32>
        %add3A_703 = arith.constant 104 : i32
        %add3A_704 = arith.addi %add3A_703, %scan3A_682 : i32
        %get3A_705 = arith.constant 0 : i32
        %get3A_706 = arith.constant 0 : i32
        %get3A_707 = tpu.memref_slice %arg7[%scan3A_402, %get3A_705, %get3A_706] : memref<2x200x128xf32, #tpu.memory_space<vmem>> -> memref<1x200x128xf32, #tpu.memory_space<vmem>>
        %get3A_708 = tpu.memref_squeeze %get3A_707 : memref<1x200x128xf32, #tpu.memory_space<vmem>> -> memref<200x128xf32, #tpu.memory_space<vmem>>
        %get3A_709 = arith.index_cast %add3A_704 : i32 to index
        %get3A_710 = arith.constant 16 : index
        %get3A_711 = tpu.vector_load %get3A_708[%get3A_709, %get3A_710] {strides = array<i32>} : memref<200x128xf32, #tpu.memory_space<vmem>>, vector<1x16xf32>,
        %get3A_712 = vector.shape_cast %get3A_711 : vector<1x16xf32> to vector<16xf32>
        %swap3A_713 = arith.constant 0 : i32
        %swap3A_714 = arith.constant 0 : i32
        %swap3A_715 = tpu.memref_slice %arg8[%scan3A_403, %swap3A_713, %swap3A_714] : memref<2x104x64xf32, #tpu.memory_space<vmem>> -> memref<1x104x64xf32, #tpu.memory_space<vmem>>
        %swap3A_716 = tpu.memref_squeeze %swap3A_715 : memref<1x104x64xf32, #tpu.memory_space<vmem>> -> memref<104x64xf32, #tpu.memory_space<vmem>>
        %swap3A_717 = arith.index_cast %scan3A_682 : i32 to index
        %swap3A_718 = arith.constant 16 : index
        %swap3A_719 = tpu.vector_load %swap3A_716[%swap3A_717, %swap3A_718] {strides = array<i32>} : memref<104x64xf32, #tpu.memory_space<vmem>>, vector<1x16xf32>,
        %swap3A_720 = vector.shape_cast %swap3A_719 : vector<1x16xf32> to vector<16xf32>
        %swap3A_721 = vector.shape_cast %get3A_712 : vector<16xf32> to vector<1x16xf32>
        tpu.vector_store %swap3A_716[%swap3A_717, %swap3A_718], %swap3A_721 {strides = array<i32>} : memref<104x64xf32, #tpu.memory_space<vmem>>, vector<1x16xf32>,
        %add3A_722 = arith.addf %add3A_640, %get3A_712 : vector<16xf32>
        %add3A_723 = arith.constant 104 : i32
        %add3A_724 = arith.addi %add3A_723, %scan3A_682 : i32
        %get3A_725 = arith.constant 0 : i32
        %get3A_726 = arith.constant 0 : i32
        %get3A_727 = tpu.memref_slice %arg7[%scan3A_402, %get3A_725, %get3A_726] : memref<2x200x128xf32, #tpu.memory_space<vmem>> -> memref<1x200x128xf32, #tpu.memory_space<vmem>>
        %get3A_728 = tpu.memref_squeeze %get3A_727 : memref<1x200x128xf32, #tpu.memory_space<vmem>> -> memref<200x128xf32, #tpu.memory_space<vmem>>
        %get3A_729 = arith.index_cast %add3A_724 : i32 to index
        %get3A_730 = arith.constant 32 : index
        %get3A_731 = tpu.vector_load %get3A_728[%get3A_729, %get3A_730] {strides = array<i32>} : memref<200x128xf32, #tpu.memory_space<vmem>>, vector<1x16xf32>,
        %get3A_732 = vector.shape_cast %get3A_731 : vector<1x16xf32> to vector<16xf32>
        %swap3A_733 = arith.constant 0 : i32
        %swap3A_734 = arith.constant 0 : i32
        %swap3A_735 = tpu.memref_slice %arg8[%scan3A_403, %swap3A_733, %swap3A_734] : memref<2x104x64xf32, #tpu.memory_space<vmem>> -> memref<1x104x64xf32, #tpu.memory_space<vmem>>
        %swap3A_736 = tpu.memref_squeeze %swap3A_735 : memref<1x104x64xf32, #tpu.memory_space<vmem>> -> memref<104x64xf32, #tpu.memory_space<vmem>>
        %swap3A_737 = arith.index_cast %scan3A_682 : i32 to index
        %swap3A_738 = arith.constant 32 : index
        %swap3A_739 = tpu.vector_load %swap3A_736[%swap3A_737, %swap3A_738] {strides = array<i32>} : memref<104x64xf32, #tpu.memory_space<vmem>>, vector<1x16xf32>,
        %swap3A_740 = vector.shape_cast %swap3A_739 : vector<1x16xf32> to vector<16xf32>
        %swap3A_741 = vector.shape_cast %get3A_732 : vector<16xf32> to vector<1x16xf32>
        tpu.vector_store %swap3A_736[%swap3A_737, %swap3A_738], %swap3A_741 {strides = array<i32>} : memref<104x64xf32, #tpu.memory_space<vmem>>, vector<1x16xf32>,
        %add3A_742 = arith.addf %add3A_660, %get3A_732 : vector<16xf32>
        %add3A_743 = arith.constant 104 : i32
        %add3A_744 = arith.addi %add3A_743, %scan3A_682 : i32
        %get3A_745 = arith.constant 0 : i32
        %get3A_746 = arith.constant 0 : i32
        %get3A_747 = tpu.memref_slice %arg7[%scan3A_402, %get3A_745, %get3A_746] : memref<2x200x128xf32, #tpu.memory_space<vmem>> -> memref<1x200x128xf32, #tpu.memory_space<vmem>>
        %get3A_748 = tpu.memref_squeeze %get3A_747 : memref<1x200x128xf32, #tpu.memory_space<vmem>> -> memref<200x128xf32, #tpu.memory_space<vmem>>
        %get3A_749 = arith.index_cast %add3A_744 : i32 to index
        %get3A_750 = arith.constant 48 : index
        %get3A_751 = tpu.vector_load %get3A_748[%get3A_749, %get3A_750] {strides = array<i32>} : memref<200x128xf32, #tpu.memory_space<vmem>>, vector<1x16xf32>,
        %get3A_752 = vector.shape_cast %get3A_751 : vector<1x16xf32> to vector<16xf32>
        %swap3A_753 = arith.constant 0 : i32
        %swap3A_754 = arith.constant 0 : i32
        %swap3A_755 = tpu.memref_slice %arg8[%scan3A_403, %swap3A_753, %swap3A_754] : memref<2x104x64xf32, #tpu.memory_space<vmem>> -> memref<1x104x64xf32, #tpu.memory_space<vmem>>
        %swap3A_756 = tpu.memref_squeeze %swap3A_755 : memref<1x104x64xf32, #tpu.memory_space<vmem>> -> memref<104x64xf32, #tpu.memory_space<vmem>>
        %swap3A_757 = arith.index_cast %scan3A_682 : i32 to index
        %swap3A_758 = arith.constant 48 : index
        %swap3A_759 = tpu.vector_load %swap3A_756[%swap3A_757, %swap3A_758] {strides = array<i32>} : memref<104x64xf32, #tpu.memory_space<vmem>>, vector<1x16xf32>,
        %swap3A_760 = vector.shape_cast %swap3A_759 : vector<1x16xf32> to vector<16xf32>
        %swap3A_761 = vector.shape_cast %get3A_752 : vector<16xf32> to vector<1x16xf32>
        tpu.vector_store %swap3A_756[%swap3A_757, %swap3A_758], %swap3A_761 {strides = array<i32>} : memref<104x64xf32, #tpu.memory_space<vmem>>, vector<1x16xf32>,
        %add3A_762 = arith.addf %add3A_680, %get3A_752 : vector<16xf32>
        scf.yield %add3A_702, %add3A_722, %add3A_742, %add3A_762 : vector<16xf32>, vector<16xf32>, vector<16xf32>, vector<16xf32>
      }
      %scan3A_409 = arith.constant 96 : i32
      %mul3A_410 = arith.constant 200 : i32
      %mul3A_411 = arith.muli %add3A_300, %mul3A_410 : i32
      %add3A_412 = arith.addi %multiple_of3A, %mul3A_411 : i32
      %add3A_413 = arith.constant 104 : i32
      %add3A_414 = arith.addi %add3A_412, %add3A_413 : i32
      %dma_start3A_415 = arith.constant 1 : i32
      %dma_start3A_416 = arith.constant 0 : i32
      %dma_start3A_417 = arith.constant 0 : i32
      %dma_start3A_418 = tpu.memref_slice %arg8[%dma_start3A_415, %dma_start3A_416, %dma_start3A_417] : memref<2x104x64xf32, #tpu.memory_space<vmem>> -> memref<1x96x64xf32, #tpu.memory_space<vmem>>
      %dma_start3A_419 = tpu.memref_squeeze %dma_start3A_418 : memref<1x96x64xf32, #tpu.memory_space<vmem>> -> memref<96x64xf32, #tpu.memory_space<vmem>>
      %dma_start3A_420 = arith.constant 0 : i32
      %dma_start3A_421 = tpu.memref_slice %arg4[%add3A_414, %dma_start3A_420] : memref<819200x64xf32, #tpu.memory_space<hbm>> -> memref<96x64xf32, #tpu.memory_space<hbm>>
      %dma_start3A_422 = arith.constant 0 : i32
      %dma_start3A_423 = tpu.memref_slice %arg4[%add3A_414, %dma_start3A_422] : memref<819200x64xf32, #tpu.memory_space<hbm>> -> memref<96x64xf32, #tpu.memory_space<hbm>>
      %dma_start3A_424 = arith.constant 0 : i32
      %dma_start3A_425 = arith.constant 0 : i32
      %dma_start3A_426 = tpu.memref_slice %arg8[%dma_start3A_415, %dma_start3A_424, %dma_start3A_425] : memref<2x104x64xf32, #tpu.memory_space<vmem>> -> memref<1x96x64xf32, #tpu.memory_space<vmem>>
      %dma_start3A_427 = tpu.memref_squeeze %dma_start3A_426 : memref<1x96x64xf32, #tpu.memory_space<vmem>> -> memref<96x64xf32, #tpu.memory_space<vmem>>
      tpu.enqueue_dma source(%dma_start3A_427 : memref<96x64xf32, #tpu.memory_space<vmem>>) target(%dma_start3A_423 : memref<96x64xf32, #tpu.memory_space<hbm>>) target_semaphore(%arg13 : memref<!tpu.dma_semaphore, #tpu.memory_space<semaphore_mem>>)
      %swap3A_428 = arith.index_cast %add3A_300 : i32 to index
      %swap3A_429 = arith.constant 0 : index
      %swap3A_430 = tpu.vector_load %arg9[%swap3A_428, %swap3A_429] {strides = array<i32>} : memref<128x64xf32, #tpu.memory_space<vmem>>, vector<1x16xf32>,
      %swap3A_431 = vector.shape_cast %swap3A_430 : vector<1x16xf32> to vector<16xf32>
      %swap3A_432 = vector.shape_cast %scan3A_408#0 : vector<16xf32> to vector<1x16xf32>
      tpu.vector_store %arg9[%swap3A_428, %swap3A_429], %swap3A_432 {strides = array<i32>} : memref<128x64xf32, #tpu.memory_space<vmem>>, vector<1x16xf32>,
      %swap3A_433 = arith.index_cast %add3A_300 : i32 to index
      %swap3A_434 = arith.constant 16 : index
      %swap3A_435 = tpu.vector_load %arg9[%swap3A_433, %swap3A_434] {strides = array<i32>} : memref<128x64xf32, #tpu.memory_space<vmem>>, vector<1x16xf32>,
      %swap3A_436 = vector.shape_cast %swap3A_435 : vector<1x16xf32> to vector<16xf32>
      %swap3A_437 = vector.shape_cast %scan3A_408#1 : vector<16xf32> to vector<1x16xf32>
      tpu.vector_store %arg9[%swap3A_433, %swap3A_434], %swap3A_437 {strides = array<i32>} : memref<128x64xf32, #tpu.memory_space<vmem>>, vector<1x16xf32>,
      %swap3A_438 = arith.index_cast %add3A_300 : i32 to index
      %swap3A_439 = arith.constant 32 : index
      %swap3A_440 = tpu.vector_load %arg9[%swap3A_438, %swap3A_439] {strides = array<i32>} : memref<128x64xf32, #tpu.memory_space<vmem>>, vector<1x16xf32>,
      %swap3A_441 = vector.shape_cast %swap3A_440 : vector<1x16xf32> to vector<16xf32>
      %swap3A_442 = vector.shape_cast %scan3A_408#2 : vector<16xf32> to vector<1x16xf32>
      tpu.vector_store %arg9[%swap3A_438, %swap3A_439], %swap3A_442 {strides = array<i32>} : memref<128x64xf32, #tpu.memory_space<vmem>>, vector<1x16xf32>,
      %swap3A_443 = arith.index_cast %add3A_300 : i32 to index
      %swap3A_444 = arith.constant 48 : index
      %swap3A_445 = tpu.vector_load %arg9[%swap3A_443, %swap3A_444] {strides = array<i32>} : memref<128x64xf32, #tpu.memory_space<vmem>>, vector<1x16xf32>,
      %swap3A_446 = vector.shape_cast %swap3A_445 : vector<1x16xf32> to vector<16xf32>
      %swap3A_447 = vector.shape_cast %scan3A_408#3 : vector<16xf32> to vector<1x16xf32>
      tpu.vector_store %arg9[%swap3A_443, %swap3A_444], %swap3A_447 {strides = array<i32>} : memref<128x64xf32, #tpu.memory_space<vmem>>, vector<1x16xf32>,
      %add3A_448 = arith.constant 1 : i32
      %add3A_449 = arith.addi %add3A_300, %add3A_448 : i32
      %dma_wait3A_450 = arith.constant 0 : i32
      %dma_wait3A_451 = arith.constant 0 : i32
      %dma_wait3A_452 = arith.constant 0 : i32
      %dma_wait3A_453 = tpu.memref_slice %arg7[%dma_wait3A_450, %dma_wait3A_451, %dma_wait3A_452] : memref<2x200x128xf32, #tpu.memory_space<vmem>> -> memref<1x200x128xf32, #tpu.memory_space<vmem>>
      %dma_wait3A_454 = tpu.memref_squeeze %dma_wait3A_453 : memref<1x200x128xf32, #tpu.memory_space<vmem>> -> memref<200x128xf32, #tpu.memory_space<vmem>>
      %dma_wait3A_455 = arith.constant 0 : i32
      %dma_wait3A_456 = arith.constant 0 : i32
      %dma_wait3A_457 = tpu.memref_slice %arg3[%dma_wait3A_455, %dma_wait3A_456] : memref<1000000x128xf32, #tpu.memory_space<hbm>> -> memref<200x128xf32, #tpu.memory_space<hbm>>
      %dma_wait3A_458 = arith.constant 0 : i32
      %dma_wait3A_459 = arith.constant 0 : i32
      %dma_wait3A_460 = tpu.memref_slice %arg7[%dma_wait3A_450, %dma_wait3A_458, %dma_wait3A_459] : memref<2x200x128xf32, #tpu.memory_space<vmem>> -> memref<1x200x128xf32, #tpu.memory_space<vmem>>
      %dma_wait3A_461 = tpu.memref_squeeze %dma_wait3A_460 : memref<1x200x128xf32, #tpu.memory_space<vmem>> -> memref<200x128xf32, #tpu.memory_space<vmem>>
      %dma_wait3A_462 = arith.constant 0 : i32
      %dma_wait3A_463 = arith.constant 0 : i32
      %dma_wait3A_464 = tpu.memref_slice %arg3[%dma_wait3A_462, %dma_wait3A_463] : memref<1000000x128xf32, #tpu.memory_space<hbm>> -> memref<200x128xf32, #tpu.memory_space<hbm>>
      tpu.wait_dma2 semaphore(%arg10 : memref<!tpu.dma_semaphore, #tpu.memory_space<semaphore_mem>>) src(%dma_wait3A_464 : memref<200x128xf32, #tpu.memory_space<hbm>>) dst(%dma_wait3A_461 : memref<200x128xf32, #tpu.memory_space<vmem>>)
      %add3A_465 = arith.constant 1 : i32
      %add3A_466 = arith.addi %add3A_449, %add3A_465 : i32
      %mul3A_467 = arith.constant 200 : i32
      %mul3A_468 = arith.muli %add3A_466, %mul3A_467 : i32
      %multiple_of3A_469 = tpu.assume_multiple %mul3A_468, 8 : i32
      %dma_start3A_470 = arith.constant 1 : i32
      %dma_start3A_471 = arith.constant 0 : i32
      %dma_start3A_472 = arith.constant 0 : i32
      %dma_start3A_473 = tpu.memref_slice %arg7[%dma_start3A_470, %dma_start3A_471, %dma_start3A_472] : memref<2x200x128xf32, #tpu.memory_space<vmem>> -> memref<1x104x128xf32, #tpu.memory_space<vmem>>
      %dma_start3A_474 = tpu.memref_squeeze %dma_start3A_473 : memref<1x104x128xf32, #tpu.memory_space<vmem>> -> memref<104x128xf32, #tpu.memory_space<vmem>>
      %dma_start3A_475 = tpu.memref_slice %arg6[%multiple_of3A_469] : memref<25600xi32, #tpu.memory_space<vmem>> -> memref<104xi32, #tpu.memory_space<vmem>>
      %dma_start3A_476 = arith.constant 0 : i32
      %dma_start3A_477 = arith.constant 0 : i32
      %dma_start3A_478 = tpu.memref_slice %arg3[%dma_start3A_476, %dma_start3A_477] : memref<1000000x128xf32, #tpu.memory_space<hbm>> -> memref<1000000x128xf32, #tpu.memory_space<hbm>>
      tpu.enqueue_indirect_dma source(%dma_start3A_478 : memref<1000000x128xf32, #tpu.memory_space<hbm>>) target(%dma_start3A_474 : memref<104x128xf32, #tpu.memory_space<vmem>>) offsets(%dma_start3A_475 : memref<104xi32, #tpu.memory_space<vmem>>) semaphore(%arg11 : memref<!tpu.dma_semaphore, #tpu.memory_space<semaphore_mem>>)
      %mul3A_479 = arith.constant 200 : i32
      %mul3A_480 = arith.muli %add3A_466, %mul3A_479 : i32
      %add3A_481 = arith.constant 104 : i32
      %add3A_482 = arith.addi %mul3A_480, %add3A_481 : i32
      %multiple_of3A_483 = tpu.assume_multiple %add3A_482, 8 : i32
      %dma_start3A_484 = arith.constant 1 : i32
      %dma_start3A_485 = arith.constant 104 : i32
      %dma_start3A_486 = arith.constant 0 : i32
      %dma_start3A_487 = tpu.memref_slice %arg7[%dma_start3A_484, %dma_start3A_485, %dma_start3A_486] : memref<2x200x128xf32, #tpu.memory_space<vmem>> -> memref<1x96x128xf32, #tpu.memory_space<vmem>>
      %dma_start3A_488 = tpu.memref_squeeze %dma_start3A_487 : memref<1x96x128xf32, #tpu.memory_space<vmem>> -> memref<96x128xf32, #tpu.memory_space<vmem>>
      %dma_start3A_489 = tpu.memref_slice %arg6[%multiple_of3A_483] : memref<25600xi32, #tpu.memory_space<vmem>> -> memref<96xi32, #tpu.memory_space<vmem>>
      %dma_start3A_490 = arith.constant 0 : i32
      %dma_start3A_491 = arith.constant 0 : i32
      %dma_start3A_492 = tpu.memref_slice %arg3[%dma_start3A_490, %dma_start3A_491] : memref<1000000x128xf32, #tpu.memory_space<hbm>> -> memref<1000000x128xf32, #tpu.memory_space<hbm>>
      tpu.enqueue_indirect_dma source(%dma_start3A_492 : memref<1000000x128xf32, #tpu.memory_space<hbm>>) target(%dma_start3A_488 : memref<96x128xf32, #tpu.memory_space<vmem>>) offsets(%dma_start3A_489 : memref<96xi32, #tpu.memory_space<vmem>>) semaphore(%arg11 : memref<!tpu.dma_semaphore, #tpu.memory_space<semaphore_mem>>)
      %broadcast_in_dim3A_493 = arith.constant 0.000000e+00 : f32
      %broadcast_in_dim3A_494 = vector.broadcast %broadcast_in_dim3A_493 : f32 to vector<16xf32>
      %dma_wait3A_495 = arith.constant 0 : i32
      %dma_wait3A_496 = arith.constant 0 : i32
      %dma_wait3A_497 = arith.constant 0 : i32
      %dma_wait3A_498 = tpu.memref_slice %arg8[%dma_wait3A_495, %dma_wait3A_496, %dma_wait3A_497] : memref<2x104x64xf32, #tpu.memory_space<vmem>> -> memref<1x104x64xf32, #tpu.memory_space<vmem>>
      %dma_wait3A_499 = tpu.memref_squeeze %dma_wait3A_498 : memref<1x104x64xf32, #tpu.memory_space<vmem>> -> memref<104x64xf32, #tpu.memory_space<vmem>>
      %dma_wait3A_500 = arith.constant 0 : i32
      %dma_wait3A_501 = arith.constant 0 : i32
      %dma_wait3A_502 = tpu.memref_slice %arg4[%dma_wait3A_500, %dma_wait3A_501] : memref<819200x64xf32, #tpu.memory_space<hbm>> -> memref<104x64xf32, #tpu.memory_space<hbm>>
      %dma_wait3A_503 = arith.constant 0 : i32
      %dma_wait3A_504 = arith.constant 0 : i32
      %dma_wait3A_505 = tpu.memref_slice %arg4[%dma_wait3A_503, %dma_wait3A_504] : memref<819200x64xf32, #tpu.memory_space<hbm>> -> memref<104x64xf32, #tpu.memory_space<hbm>>
      %dma_wait3A_506 = arith.constant 0 : i32
      %dma_wait3A_507 = arith.constant 0 : i32
      %dma_wait3A_508 = tpu.memref_slice %arg8[%dma_wait3A_495, %dma_wait3A_506, %dma_wait3A_507] : memref<2x104x64xf32, #tpu.memory_space<vmem>> -> memref<1x104x64xf32, #tpu.memory_space<vmem>>
      %dma_wait3A_509 = tpu.memref_squeeze %dma_wait3A_508 : memref<1x104x64xf32, #tpu.memory_space<vmem>> -> memref<104x64xf32, #tpu.memory_space<vmem>>
      tpu.wait_dma2 semaphore(%arg12 : memref<!tpu.dma_semaphore, #tpu.memory_space<semaphore_mem>>) src(%dma_wait3A_509 : memref<104x64xf32, #tpu.memory_space<vmem>>) dst(%dma_wait3A_505 : memref<104x64xf32, #tpu.memory_space<hbm>>)
      %scan3A_510 = arith.constant 0 : i32
      %scan3A_511 = arith.constant 0 : i32
      %scan3A_512 = arith.constant 0 : i32
      %scan3A_513 = arith.constant 104 : i32
      %scan3A_514 = arith.addi %scan3A_512, %scan3A_513 : i32
      %scan3A_515 = arith.constant 2 : i32
      %scan3A_516:4 = scf.for %scan3A_597 = %scan3A_512 to %scan3A_514 step %scan3A_515 iter_args(%scan3A_598 = %broadcast_in_dim3A_494, %scan3A_599 = %broadcast_in_dim3A_494, %scan3A_600 = %broadcast_in_dim3A_494, %scan3A_601 = %broadcast_in_dim3A_494) -> (vector<16xf32>, vector<16xf32>, vector<16xf32>, vector<16xf32>)  : i32 {
        %add3A_602 = arith.constant 0 : i32
        %add3A_603 = arith.addi %add3A_602, %scan3A_597 : i32
        %get3A = arith.constant 0 : i32
        %get3A_604 = arith.constant 0 : i32
        %get3A_605 = tpu.memref_slice %arg7[%scan3A_510, %get3A, %get3A_604] : memref<2x200x128xf32, #tpu.memory_space<vmem>> -> memref<1x200x128xf32, #tpu.memory_space<vmem>>
        %get3A_606 = tpu.memref_squeeze %get3A_605 : memref<1x200x128xf32, #tpu.memory_space<vmem>> -> memref<200x128xf32, #tpu.memory_space<vmem>>
        %get3A_607 = arith.index_cast %add3A_603 : i32 to index
        %get3A_608 = arith.constant 0 : index
        %get3A_609 = tpu.vector_load %get3A_606[%get3A_607, %get3A_608] {strides = array<i32>} : memref<200x128xf32, #tpu.memory_space<vmem>>, vector<1x16xf32>,
        %get3A_610 = vector.shape_cast %get3A_609 : vector<1x16xf32> to vector<16xf32>
        %swap3A_611 = arith.constant 0 : i32
        %swap3A_612 = arith.constant 0 : i32
        %swap3A_613 = tpu.memref_slice %arg8[%scan3A_511, %swap3A_611, %swap3A_612] : memref<2x104x64xf32, #tpu.memory_space<vmem>> -> memref<1x104x64xf32, #tpu.memory_space<vmem>>
        %swap3A_614 = tpu.memref_squeeze %swap3A_613 : memref<1x104x64xf32, #tpu.memory_space<vmem>> -> memref<104x64xf32, #tpu.memory_space<vmem>>
        %swap3A_615 = arith.index_cast %scan3A_597 : i32 to index
        %swap3A_616 = arith.constant 0 : index
        %swap3A_617 = tpu.vector_load %swap3A_614[%swap3A_615, %swap3A_616] {strides = array<i32>} : memref<104x64xf32, #tpu.memory_space<vmem>>, vector<1x16xf32>,
        %swap3A_618 = vector.shape_cast %swap3A_617 : vector<1x16xf32> to vector<16xf32>
        %swap3A_619 = vector.shape_cast %get3A_610 : vector<16xf32> to vector<1x16xf32>
        tpu.vector_store %swap3A_614[%swap3A_615, %swap3A_616], %swap3A_619 {strides = array<i32>} : memref<104x64xf32, #tpu.memory_space<vmem>>, vector<1x16xf32>,
        %add3A_620 = arith.addf %scan3A_598, %get3A_610 : vector<16xf32>
        %add3A_621 = arith.constant 0 : i32
        %add3A_622 = arith.addi %add3A_621, %scan3A_597 : i32
        %get3A_623 = arith.constant 0 : i32
        %get3A_624 = arith.constant 0 : i32
        %get3A_625 = tpu.memref_slice %arg7[%scan3A_510, %get3A_623, %get3A_624] : memref<2x200x128xf32, #tpu.memory_space<vmem>> -> memref<1x200x128xf32, #tpu.memory_space<vmem>>
        %get3A_626 = tpu.memref_squeeze %get3A_625 : memref<1x200x128xf32, #tpu.memory_space<vmem>> -> memref<200x128xf32, #tpu.memory_space<vmem>>
        %get3A_627 = arith.index_cast %add3A_622 : i32 to index
        %get3A_628 = arith.constant 16 : index
        %get3A_629 = tpu.vector_load %get3A_626[%get3A_627, %get3A_628] {strides = array<i32>} : memref<200x128xf32, #tpu.memory_space<vmem>>, vector<1x16xf32>,
        %get3A_630 = vector.shape_cast %get3A_629 : vector<1x16xf32> to vector<16xf32>
        %swap3A_631 = arith.constant 0 : i32
        %swap3A_632 = arith.constant 0 : i32
        %swap3A_633 = tpu.memref_slice %arg8[%scan3A_511, %swap3A_631, %swap3A_632] : memref<2x104x64xf32, #tpu.memory_space<vmem>> -> memref<1x104x64xf32, #tpu.memory_space<vmem>>
        %swap3A_634 = tpu.memref_squeeze %swap3A_633 : memref<1x104x64xf32, #tpu.memory_space<vmem>> -> memref<104x64xf32, #tpu.memory_space<vmem>>
        %swap3A_635 = arith.index_cast %scan3A_597 : i32 to index
        %swap3A_636 = arith.constant 16 : index
        %swap3A_637 = tpu.vector_load %swap3A_634[%swap3A_635, %swap3A_636] {strides = array<i32>} : memref<104x64xf32, #tpu.memory_space<vmem>>, vector<1x16xf32>,
        %swap3A_638 = vector.shape_cast %swap3A_637 : vector<1x16xf32> to vector<16xf32>
        %swap3A_639 = vector.shape_cast %get3A_630 : vector<16xf32> to vector<1x16xf32>
        tpu.vector_store %swap3A_634[%swap3A_635, %swap3A_636], %swap3A_639 {strides = array<i32>} : memref<104x64xf32, #tpu.memory_space<vmem>>, vector<1x16xf32>,
        %add3A_640 = arith.addf %scan3A_599, %get3A_630 : vector<16xf32>
        %add3A_641 = arith.constant 0 : i32
        %add3A_642 = arith.addi %add3A_641, %scan3A_597 : i32
        %get3A_643 = arith.constant 0 : i32
        %get3A_644 = arith.constant 0 : i32
        %get3A_645 = tpu.memref_slice %arg7[%scan3A_510, %get3A_643, %get3A_644] : memref<2x200x128xf32, #tpu.memory_space<vmem>> -> memref<1x200x128xf32, #tpu.memory_space<vmem>>
        %get3A_646 = tpu.memref_squeeze %get3A_645 : memref<1x200x128xf32, #tpu.memory_space<vmem>> -> memref<200x128xf32, #tpu.memory_space<vmem>>
        %get3A_647 = arith.index_cast %add3A_642 : i32 to index
        %get3A_648 = arith.constant 32 : index
        %get3A_649 = tpu.vector_load %get3A_646[%get3A_647, %get3A_648] {strides = array<i32>} : memref<200x128xf32, #tpu.memory_space<vmem>>, vector<1x16xf32>,
        %get3A_650 = vector.shape_cast %get3A_649 : vector<1x16xf32> to vector<16xf32>
        %swap3A_651 = arith.constant 0 : i32
        %swap3A_652 = arith.constant 0 : i32
        %swap3A_653 = tpu.memref_slice %arg8[%scan3A_511, %swap3A_651, %swap3A_652] : memref<2x104x64xf32, #tpu.memory_space<vmem>> -> memref<1x104x64xf32, #tpu.memory_space<vmem>>
        %swap3A_654 = tpu.memref_squeeze %swap3A_653 : memref<1x104x64xf32, #tpu.memory_space<vmem>> -> memref<104x64xf32, #tpu.memory_space<vmem>>
        %swap3A_655 = arith.index_cast %scan3A_597 : i32 to index
        %swap3A_656 = arith.constant 32 : index
        %swap3A_657 = tpu.vector_load %swap3A_654[%swap3A_655, %swap3A_656] {strides = array<i32>} : memref<104x64xf32, #tpu.memory_space<vmem>>, vector<1x16xf32>,
        %swap3A_658 = vector.shape_cast %swap3A_657 : vector<1x16xf32> to vector<16xf32>
        %swap3A_659 = vector.shape_cast %get3A_650 : vector<16xf32> to vector<1x16xf32>
        tpu.vector_store %swap3A_654[%swap3A_655, %swap3A_656], %swap3A_659 {strides = array<i32>} : memref<104x64xf32, #tpu.memory_space<vmem>>, vector<1x16xf32>,
        %add3A_660 = arith.addf %scan3A_600, %get3A_650 : vector<16xf32>
        %add3A_661 = arith.constant 0 : i32
        %add3A_662 = arith.addi %add3A_661, %scan3A_597 : i32
        %get3A_663 = arith.constant 0 : i32
        %get3A_664 = arith.constant 0 : i32
        %get3A_665 = tpu.memref_slice %arg7[%scan3A_510, %get3A_663, %get3A_664] : memref<2x200x128xf32, #tpu.memory_space<vmem>> -> memref<1x200x128xf32, #tpu.memory_space<vmem>>
        %get3A_666 = tpu.memref_squeeze %get3A_665 : memref<1x200x128xf32, #tpu.memory_space<vmem>> -> memref<200x128xf32, #tpu.memory_space<vmem>>
        %get3A_667 = arith.index_cast %add3A_662 : i32 to index
        %get3A_668 = arith.constant 48 : index
        %get3A_669 = tpu.vector_load %get3A_666[%get3A_667, %get3A_668] {strides = array<i32>} : memref<200x128xf32, #tpu.memory_space<vmem>>, vector<1x16xf32>,
        %get3A_670 = vector.shape_cast %get3A_669 : vector<1x16xf32> to vector<16xf32>
        %swap3A_671 = arith.constant 0 : i32
        %swap3A_672 = arith.constant 0 : i32
        %swap3A_673 = tpu.memref_slice %arg8[%scan3A_511, %swap3A_671, %swap3A_672] : memref<2x104x64xf32, #tpu.memory_space<vmem>> -> memref<1x104x64xf32, #tpu.memory_space<vmem>>
        %swap3A_674 = tpu.memref_squeeze %swap3A_673 : memref<1x104x64xf32, #tpu.memory_space<vmem>> -> memref<104x64xf32, #tpu.memory_space<vmem>>
        %swap3A_675 = arith.index_cast %scan3A_597 : i32 to index
        %swap3A_676 = arith.constant 48 : index
        %swap3A_677 = tpu.vector_load %swap3A_674[%swap3A_675, %swap3A_676] {strides = array<i32>} : memref<104x64xf32, #tpu.memory_space<vmem>>, vector<1x16xf32>,
        %swap3A_678 = vector.shape_cast %swap3A_677 : vector<1x16xf32> to vector<16xf32>
        %swap3A_679 = vector.shape_cast %get3A_670 : vector<16xf32> to vector<1x16xf32>
        tpu.vector_store %swap3A_674[%swap3A_675, %swap3A_676], %swap3A_679 {strides = array<i32>} : memref<104x64xf32, #tpu.memory_space<vmem>>, vector<1x16xf32>,
        %add3A_680 = arith.addf %scan3A_601, %get3A_670 : vector<16xf32>
        %scan3A_681 = arith.constant 1 : i32
        %scan3A_682 = arith.addi %scan3A_597, %scan3A_681 : i32
        %add3A_683 = arith.constant 0 : i32
        %add3A_684 = arith.addi %add3A_683, %scan3A_682 : i32
        %get3A_685 = arith.constant 0 : i32
        %get3A_686 = arith.constant 0 : i32
        %get3A_687 = tpu.memref_slice %arg7[%scan3A_510, %get3A_685, %get3A_686] : memref<2x200x128xf32, #tpu.memory_space<vmem>> -> memref<1x200x128xf32, #tpu.memory_space<vmem>>
        %get3A_688 = tpu.memref_squeeze %get3A_687 : memref<1x200x128xf32, #tpu.memory_space<vmem>> -> memref<200x128xf32, #tpu.memory_space<vmem>>
        %get3A_689 = arith.index_cast %add3A_684 : i32 to index
        %get3A_690 = arith.constant 0 : index
        %get3A_691 = tpu.vector_load %get3A_688[%get3A_689, %get3A_690] {strides = array<i32>} : memref<200x128xf32, #tpu.memory_space<vmem>>, vector<1x16xf32>,
        %get3A_692 = vector.shape_cast %get3A_691 : vector<1x16xf32> to vector<16xf32>
        %swap3A_693 = arith.constant 0 : i32
        %swap3A_694 = arith.constant 0 : i32
        %swap3A_695 = tpu.memref_slice %arg8[%scan3A_511, %swap3A_693, %swap3A_694] : memref<2x104x64xf32, #tpu.memory_space<vmem>> -> memref<1x104x64xf32, #tpu.memory_space<vmem>>
        %swap3A_696 = tpu.memref_squeeze %swap3A_695 : memref<1x104x64xf32, #tpu.memory_space<vmem>> -> memref<104x64xf32, #tpu.memory_space<vmem>>
        %swap3A_697 = arith.index_cast %scan3A_682 : i32 to index
        %swap3A_698 = arith.constant 0 : index
        %swap3A_699 = tpu.vector_load %swap3A_696[%swap3A_697, %swap3A_698] {strides = array<i32>} : memref<104x64xf32, #tpu.memory_space<vmem>>, vector<1x16xf32>,
        %swap3A_700 = vector.shape_cast %swap3A_699 : vector<1x16xf32> to vector<16xf32>
        %swap3A_701 = vector.shape_cast %get3A_692 : vector<16xf32> to vector<1x16xf32>
        tpu.vector_store %swap3A_696[%swap3A_697, %swap3A_698], %swap3A_701 {strides = array<i32>} : memref<104x64xf32, #tpu.memory_space<vmem>>, vector<1x16xf32>,
        %add3A_702 = arith.addf %add3A_620, %get3A_692 : vector<16xf32>
        %add3A_703 = arith.constant 0 : i32
        %add3A_704 = arith.addi %add3A_703, %scan3A_682 : i32
        %get3A_705 = arith.constant 0 : i32
        %get3A_706 = arith.constant 0 : i32
        %get3A_707 = tpu.memref_slice %arg7[%scan3A_510, %get3A_705, %get3A_706] : memref<2x200x128xf32, #tpu.memory_space<vmem>> -> memref<1x200x128xf32, #tpu.memory_space<vmem>>
        %get3A_708 = tpu.memref_squeeze %get3A_707 : memref<1x200x128xf32, #tpu.memory_space<vmem>> -> memref<200x128xf32, #tpu.memory_space<vmem>>
        %get3A_709 = arith.index_cast %add3A_704 : i32 to index
        %get3A_710 = arith.constant 16 : index
        %get3A_711 = tpu.vector_load %get3A_708[%get3A_709, %get3A_710] {strides = array<i32>} : memref<200x128xf32, #tpu.memory_space<vmem>>, vector<1x16xf32>,
        %get3A_712 = vector.shape_cast %get3A_711 : vector<1x16xf32> to vector<16xf32>
        %swap3A_713 = arith.constant 0 : i32
        %swap3A_714 = arith.constant 0 : i32
        %swap3A_715 = tpu.memref_slice %arg8[%scan3A_511, %swap3A_713, %swap3A_714] : memref<2x104x64xf32, #tpu.memory_space<vmem>> -> memref<1x104x64xf32, #tpu.memory_space<vmem>>
        %swap3A_716 = tpu.memref_squeeze %swap3A_715 : memref<1x104x64xf32, #tpu.memory_space<vmem>> -> memref<104x64xf32, #tpu.memory_space<vmem>>
        %swap3A_717 = arith.index_cast %scan3A_682 : i32 to index
        %swap3A_718 = arith.constant 16 : index
        %swap3A_719 = tpu.vector_load %swap3A_716[%swap3A_717, %swap3A_718] {strides = array<i32>} : memref<104x64xf32, #tpu.memory_space<vmem>>, vector<1x16xf32>,
        %swap3A_720 = vector.shape_cast %swap3A_719 : vector<1x16xf32> to vector<16xf32>
        %swap3A_721 = vector.shape_cast %get3A_712 : vector<16xf32> to vector<1x16xf32>
        tpu.vector_store %swap3A_716[%swap3A_717, %swap3A_718], %swap3A_721 {strides = array<i32>} : memref<104x64xf32, #tpu.memory_space<vmem>>, vector<1x16xf32>,
        %add3A_722 = arith.addf %add3A_640, %get3A_712 : vector<16xf32>
        %add3A_723 = arith.constant 0 : i32
        %add3A_724 = arith.addi %add3A_723, %scan3A_682 : i32
        %get3A_725 = arith.constant 0 : i32
        %get3A_726 = arith.constant 0 : i32
        %get3A_727 = tpu.memref_slice %arg7[%scan3A_510, %get3A_725, %get3A_726] : memref<2x200x128xf32, #tpu.memory_space<vmem>> -> memref<1x200x128xf32, #tpu.memory_space<vmem>>
        %get3A_728 = tpu.memref_squeeze %get3A_727 : memref<1x200x128xf32, #tpu.memory_space<vmem>> -> memref<200x128xf32, #tpu.memory_space<vmem>>
        %get3A_729 = arith.index_cast %add3A_724 : i32 to index
        %get3A_730 = arith.constant 32 : index
        %get3A_731 = tpu.vector_load %get3A_728[%get3A_729, %get3A_730] {strides = array<i32>} : memref<200x128xf32, #tpu.memory_space<vmem>>, vector<1x16xf32>,
        %get3A_732 = vector.shape_cast %get3A_731 : vector<1x16xf32> to vector<16xf32>
        %swap3A_733 = arith.constant 0 : i32
        %swap3A_734 = arith.constant 0 : i32
        %swap3A_735 = tpu.memref_slice %arg8[%scan3A_511, %swap3A_733, %swap3A_734] : memref<2x104x64xf32, #tpu.memory_space<vmem>> -> memref<1x104x64xf32, #tpu.memory_space<vmem>>
        %swap3A_736 = tpu.memref_squeeze %swap3A_735 : memref<1x104x64xf32, #tpu.memory_space<vmem>> -> memref<104x64xf32, #tpu.memory_space<vmem>>
        %swap3A_737 = arith.index_cast %scan3A_682 : i32 to index
        %swap3A_738 = arith.constant 32 : index
        %swap3A_739 = tpu.vector_load %swap3A_736[%swap3A_737, %swap3A_738] {strides = array<i32>} : memref<104x64xf32, #tpu.memory_space<vmem>>, vector<1x16xf32>,
        %swap3A_740 = vector.shape_cast %swap3A_739 : vector<1x16xf32> to vector<16xf32>
        %swap3A_741 = vector.shape_cast %get3A_732 : vector<16xf32> to vector<1x16xf32>
        tpu.vector_store %swap3A_736[%swap3A_737, %swap3A_738], %swap3A_741 {strides = array<i32>} : memref<104x64xf32, #tpu.memory_space<vmem>>, vector<1x16xf32>,
        %add3A_742 = arith.addf %add3A_660, %get3A_732 : vector<16xf32>
        %add3A_743 = arith.constant 0 : i32
        %add3A_744 = arith.addi %add3A_743, %scan3A_682 : i32
        %get3A_745 = arith.constant 0 : i32
        %get3A_746 = arith.constant 0 : i32
        %get3A_747 = tpu.memref_slice %arg7[%scan3A_510, %get3A_745, %get3A_746] : memref<2x200x128xf32, #tpu.memory_space<vmem>> -> memref<1x200x128xf32, #tpu.memory_space<vmem>>
        %get3A_748 = tpu.memref_squeeze %get3A_747 : memref<1x200x128xf32, #tpu.memory_space<vmem>> -> memref<200x128xf32, #tpu.memory_space<vmem>>
        %get3A_749 = arith.index_cast %add3A_744 : i32 to index
        %get3A_750 = arith.constant 48 : index
        %get3A_751 = tpu.vector_load %get3A_748[%get3A_749, %get3A_750] {strides = array<i32>} : memref<200x128xf32, #tpu.memory_space<vmem>>, vector<1x16xf32>,
        %get3A_752 = vector.shape_cast %get3A_751 : vector<1x16xf32> to vector<16xf32>
        %swap3A_753 = arith.constant 0 : i32
        %swap3A_754 = arith.constant 0 : i32
        %swap3A_755 = tpu.memref_slice %arg8[%scan3A_511, %swap3A_753, %swap3A_754] : memref<2x104x64xf32, #tpu.memory_space<vmem>> -> memref<1x104x64xf32, #tpu.memory_space<vmem>>
        %swap3A_756 = tpu.memref_squeeze %swap3A_755 : memref<1x104x64xf32, #tpu.memory_space<vmem>> -> memref<104x64xf32, #tpu.memory_space<vmem>>
        %swap3A_757 = arith.index_cast %scan3A_682 : i32 to index
        %swap3A_758 = arith.constant 48 : index
        %swap3A_759 = tpu.vector_load %swap3A_756[%swap3A_757, %swap3A_758] {strides = array<i32>} : memref<104x64xf32, #tpu.memory_space<vmem>>, vector<1x16xf32>,
        %swap3A_760 = vector.shape_cast %swap3A_759 : vector<1x16xf32> to vector<16xf32>
        %swap3A_761 = vector.shape_cast %get3A_752 : vector<16xf32> to vector<1x16xf32>
        tpu.vector_store %swap3A_756[%swap3A_757, %swap3A_758], %swap3A_761 {strides = array<i32>} : memref<104x64xf32, #tpu.memory_space<vmem>>, vector<1x16xf32>,
        %add3A_762 = arith.addf %add3A_680, %get3A_752 : vector<16xf32>
        scf.yield %add3A_702, %add3A_722, %add3A_742, %add3A_762 : vector<16xf32>, vector<16xf32>, vector<16xf32>, vector<16xf32>
      }
      %scan3A_517 = arith.constant 104 : i32
      %mul3A_518 = arith.constant 200 : i32
      %mul3A_519 = arith.muli %add3A_449, %mul3A_518 : i32
      %add3A_520 = arith.addi %multiple_of3A, %mul3A_519 : i32
      %add3A_521 = arith.constant 0 : i32
      %add3A_522 = arith.addi %add3A_520, %add3A_521 : i32
      %dma_start3A_523 = arith.constant 0 : i32
      %dma_start3A_524 = arith.constant 0 : i32
      %dma_start3A_525 = arith.constant 0 : i32
      %dma_start3A_526 = tpu.memref_slice %arg8[%dma_start3A_523, %dma_start3A_524, %dma_start3A_525] : memref<2x104x64xf32, #tpu.memory_space<vmem>> -> memref<1x104x64xf32, #tpu.memory_space<vmem>>
      %dma_start3A_527 = tpu.memref_squeeze %dma_start3A_526 : memref<1x104x64xf32, #tpu.memory_space<vmem>> -> memref<104x64xf32, #tpu.memory_space<vmem>>
      %dma_start3A_528 = arith.constant 0 : i32
      %dma_start3A_529 = tpu.memref_slice %arg4[%add3A_522, %dma_start3A_528] : memref<819200x64xf32, #tpu.memory_space<hbm>> -> memref<104x64xf32, #tpu.memory_space<hbm>>
      %dma_start3A_530 = arith.constant 0 : i32
      %dma_start3A_531 = tpu.memref_slice %arg4[%add3A_522, %dma_start3A_530] : memref<819200x64xf32, #tpu.memory_space<hbm>> -> memref<104x64xf32, #tpu.memory_space<hbm>>
      %dma_start3A_532 = arith.constant 0 : i32
      %dma_start3A_533 = arith.constant 0 : i32
      %dma_start3A_534 = tpu.memref_slice %arg8[%dma_start3A_523, %dma_start3A_532, %dma_start3A_533] : memref<2x104x64xf32, #tpu.memory_space<vmem>> -> memref<1x104x64xf32, #tpu.memory_space<vmem>>
      %dma_start3A_535 = tpu.memref_squeeze %dma_start3A_534 : memref<1x104x64xf32, #tpu.memory_space<vmem>> -> memref<104x64xf32, #tpu.memory_space<vmem>>
      tpu.enqueue_dma source(%dma_start3A_535 : memref<104x64xf32, #tpu.memory_space<vmem>>) target(%dma_start3A_531 : memref<104x64xf32, #tpu.memory_space<hbm>>) target_semaphore(%arg12 : memref<!tpu.dma_semaphore, #tpu.memory_space<semaphore_mem>>)
      %dma_wait3A_536 = arith.constant 1 : i32
      %dma_wait3A_537 = arith.constant 0 : i32
      %dma_wait3A_538 = arith.constant 0 : i32
      %dma_wait3A_539 = tpu.memref_slice %arg8[%dma_wait3A_536, %dma_wait3A_537, %dma_wait3A_538] : memref<2x104x64xf32, #tpu.memory_space<vmem>> -> memref<1x96x64xf32, #tpu.memory_space<vmem>>
      %dma_wait3A_540 = tpu.memref_squeeze %dma_wait3A_539 : memref<1x96x64xf32, #tpu.memory_space<vmem>> -> memref<96x64xf32, #tpu.memory_space<vmem>>
      %dma_wait3A_541 = arith.constant 0 : i32
      %dma_wait3A_542 = arith.constant 0 : i32
      %dma_wait3A_543 = tpu.memref_slice %arg4[%dma_wait3A_541, %dma_wait3A_542] : memref<819200x64xf32, #tpu.memory_space<hbm>> -> memref<96x64xf32, #tpu.memory_space<hbm>>
      %dma_wait3A_544 = arith.constant 0 : i32
      %dma_wait3A_545 = arith.constant 0 : i32
      %dma_wait3A_546 = tpu.memref_slice %arg4[%dma_wait3A_544, %dma_wait3A_545] : memref<819200x64xf32, #tpu.memory_space<hbm>> -> memref<96x64xf32, #tpu.memory_space<hbm>>
      %dma_wait3A_547 = arith.constant 0 : i32
      %dma_wait3A_548 = arith.constant 0 : i32
      %dma_wait3A_549 = tpu.memref_slice %arg8[%dma_wait3A_536, %dma_wait3A_547, %dma_wait3A_548] : memref<2x104x64xf32, #tpu.memory_space<vmem>> -> memref<1x96x64xf32, #tpu.memory_space<vmem>>
      %dma_wait3A_550 = tpu.memref_squeeze %dma_wait3A_549 : memref<1x96x64xf32, #tpu.memory_space<vmem>> -> memref<96x64xf32, #tpu.memory_space<vmem>>
      tpu.wait_dma2 semaphore(%arg13 : memref<!tpu.dma_semaphore, #tpu.memory_space<semaphore_mem>>) src(%dma_wait3A_550 : memref<96x64xf32, #tpu.memory_space<vmem>>) dst(%dma_wait3A_546 : memref<96x64xf32, #tpu.memory_space<hbm>>)
      %scan3A_551 = arith.constant 0 : i32
      %scan3A_552 = arith.constant 1 : i32
      %scan3A_553 = arith.constant 0 : i32
      %scan3A_554 = arith.constant 96 : i32
      %scan3A_555 = arith.addi %scan3A_553, %scan3A_554 : i32
      %scan3A_556 = arith.constant 2 : i32
      %scan3A_557:4 = scf.for %scan3A_597 = %scan3A_553 to %scan3A_555 step %scan3A_556 iter_args(%scan3A_598 = %scan3A_516#0, %scan3A_599 = %scan3A_516#1, %scan3A_600 = %scan3A_516#2, %scan3A_601 = %scan3A_516#3) -> (vector<16xf32>, vector<16xf32>, vector<16xf32>, vector<16xf32>)  : i32 {
        %add3A_602 = arith.constant 104 : i32
        %add3A_603 = arith.addi %add3A_602, %scan3A_597 : i32
        %get3A = arith.constant 0 : i32
        %get3A_604 = arith.constant 0 : i32
        %get3A_605 = tpu.memref_slice %arg7[%scan3A_551, %get3A, %get3A_604] : memref<2x200x128xf32, #tpu.memory_space<vmem>> -> memref<1x200x128xf32, #tpu.memory_space<vmem>>
        %get3A_606 = tpu.memref_squeeze %get3A_605 : memref<1x200x128xf32, #tpu.memory_space<vmem>> -> memref<200x128xf32, #tpu.memory_space<vmem>>
        %get3A_607 = arith.index_cast %add3A_603 : i32 to index
        %get3A_608 = arith.constant 0 : index
        %get3A_609 = tpu.vector_load %get3A_606[%get3A_607, %get3A_608] {strides = array<i32>} : memref<200x128xf32, #tpu.memory_space<vmem>>, vector<1x16xf32>,
        %get3A_610 = vector.shape_cast %get3A_609 : vector<1x16xf32> to vector<16xf32>
        %swap3A_611 = arith.constant 0 : i32
        %swap3A_612 = arith.constant 0 : i32
        %swap3A_613 = tpu.memref_slice %arg8[%scan3A_552, %swap3A_611, %swap3A_612] : memref<2x104x64xf32, #tpu.memory_space<vmem>> -> memref<1x104x64xf32, #tpu.memory_space<vmem>>
        %swap3A_614 = tpu.memref_squeeze %swap3A_613 : memref<1x104x64xf32, #tpu.memory_space<vmem>> -> memref<104x64xf32, #tpu.memory_space<vmem>>
        %swap3A_615 = arith.index_cast %scan3A_597 : i32 to index
        %swap3A_616 = arith.constant 0 : index
        %swap3A_617 = tpu.vector_load %swap3A_614[%swap3A_615, %swap3A_616] {strides = array<i32>} : memref<104x64xf32, #tpu.memory_space<vmem>>, vector<1x16xf32>,
        %swap3A_618 = vector.shape_cast %swap3A_617 : vector<1x16xf32> to vector<16xf32>
        %swap3A_619 = vector.shape_cast %get3A_610 : vector<16xf32> to vector<1x16xf32>
        tpu.vector_store %swap3A_614[%swap3A_615, %swap3A_616], %swap3A_619 {strides = array<i32>} : memref<104x64xf32, #tpu.memory_space<vmem>>, vector<1x16xf32>,
        %add3A_620 = arith.addf %scan3A_598, %get3A_610 : vector<16xf32>
        %add3A_621 = arith.constant 104 : i32
        %add3A_622 = arith.addi %add3A_621, %scan3A_597 : i32
        %get3A_623 = arith.constant 0 : i32
        %get3A_624 = arith.constant 0 : i32
        %get3A_625 = tpu.memref_slice %arg7[%scan3A_551, %get3A_623, %get3A_624] : memref<2x200x128xf32, #tpu.memory_space<vmem>> -> memref<1x200x128xf32, #tpu.memory_space<vmem>>
        %get3A_626 = tpu.memref_squeeze %get3A_625 : memref<1x200x128xf32, #tpu.memory_space<vmem>> -> memref<200x128xf32, #tpu.memory_space<vmem>>
        %get3A_627 = arith.index_cast %add3A_622 : i32 to index
        %get3A_628 = arith.constant 16 : index
        %get3A_629 = tpu.vector_load %get3A_626[%get3A_627, %get3A_628] {strides = array<i32>} : memref<200x128xf32, #tpu.memory_space<vmem>>, vector<1x16xf32>,
        %get3A_630 = vector.shape_cast %get3A_629 : vector<1x16xf32> to vector<16xf32>
        %swap3A_631 = arith.constant 0 : i32
        %swap3A_632 = arith.constant 0 : i32
        %swap3A_633 = tpu.memref_slice %arg8[%scan3A_552, %swap3A_631, %swap3A_632] : memref<2x104x64xf32, #tpu.memory_space<vmem>> -> memref<1x104x64xf32, #tpu.memory_space<vmem>>
        %swap3A_634 = tpu.memref_squeeze %swap3A_633 : memref<1x104x64xf32, #tpu.memory_space<vmem>> -> memref<104x64xf32, #tpu.memory_space<vmem>>
        %swap3A_635 = arith.index_cast %scan3A_597 : i32 to index
        %swap3A_636 = arith.constant 16 : index
        %swap3A_637 = tpu.vector_load %swap3A_634[%swap3A_635, %swap3A_636] {strides = array<i32>} : memref<104x64xf32, #tpu.memory_space<vmem>>, vector<1x16xf32>,
        %swap3A_638 = vector.shape_cast %swap3A_637 : vector<1x16xf32> to vector<16xf32>
        %swap3A_639 = vector.shape_cast %get3A_630 : vector<16xf32> to vector<1x16xf32>
        tpu.vector_store %swap3A_634[%swap3A_635, %swap3A_636], %swap3A_639 {strides = array<i32>} : memref<104x64xf32, #tpu.memory_space<vmem>>, vector<1x16xf32>,
        %add3A_640 = arith.addf %scan3A_599, %get3A_630 : vector<16xf32>
        %add3A_641 = arith.constant 104 : i32
        %add3A_642 = arith.addi %add3A_641, %scan3A_597 : i32
        %get3A_643 = arith.constant 0 : i32
        %get3A_644 = arith.constant 0 : i32
        %get3A_645 = tpu.memref_slice %arg7[%scan3A_551, %get3A_643, %get3A_644] : memref<2x200x128xf32, #tpu.memory_space<vmem>> -> memref<1x200x128xf32, #tpu.memory_space<vmem>>
        %get3A_646 = tpu.memref_squeeze %get3A_645 : memref<1x200x128xf32, #tpu.memory_space<vmem>> -> memref<200x128xf32, #tpu.memory_space<vmem>>
        %get3A_647 = arith.index_cast %add3A_642 : i32 to index
        %get3A_648 = arith.constant 32 : index
        %get3A_649 = tpu.vector_load %get3A_646[%get3A_647, %get3A_648] {strides = array<i32>} : memref<200x128xf32, #tpu.memory_space<vmem>>, vector<1x16xf32>,
        %get3A_650 = vector.shape_cast %get3A_649 : vector<1x16xf32> to vector<16xf32>
        %swap3A_651 = arith.constant 0 : i32
        %swap3A_652 = arith.constant 0 : i32
        %swap3A_653 = tpu.memref_slice %arg8[%scan3A_552, %swap3A_651, %swap3A_652] : memref<2x104x64xf32, #tpu.memory_space<vmem>> -> memref<1x104x64xf32, #tpu.memory_space<vmem>>
        %swap3A_654 = tpu.memref_squeeze %swap3A_653 : memref<1x104x64xf32, #tpu.memory_space<vmem>> -> memref<104x64xf32, #tpu.memory_space<vmem>>
        %swap3A_655 = arith.index_cast %scan3A_597 : i32 to index
        %swap3A_656 = arith.constant 32 : index
        %swap3A_657 = tpu.vector_load %swap3A_654[%swap3A_655, %swap3A_656] {strides = array<i32>} : memref<104x64xf32, #tpu.memory_space<vmem>>, vector<1x16xf32>,
        %swap3A_658 = vector.shape_cast %swap3A_657 : vector<1x16xf32> to vector<16xf32>
        %swap3A_659 = vector.shape_cast %get3A_650 : vector<16xf32> to vector<1x16xf32>
        tpu.vector_store %swap3A_654[%swap3A_655, %swap3A_656], %swap3A_659 {strides = array<i32>} : memref<104x64xf32, #tpu.memory_space<vmem>>, vector<1x16xf32>,
        %add3A_660 = arith.addf %scan3A_600, %get3A_650 : vector<16xf32>
        %add3A_661 = arith.constant 104 : i32
        %add3A_662 = arith.addi %add3A_661, %scan3A_597 : i32
        %get3A_663 = arith.constant 0 : i32
        %get3A_664 = arith.constant 0 : i32
        %get3A_665 = tpu.memref_slice %arg7[%scan3A_551, %get3A_663, %get3A_664] : memref<2x200x128xf32, #tpu.memory_space<vmem>> -> memref<1x200x128xf32, #tpu.memory_space<vmem>>
        %get3A_666 = tpu.memref_squeeze %get3A_665 : memref<1x200x128xf32, #tpu.memory_space<vmem>> -> memref<200x128xf32, #tpu.memory_space<vmem>>
        %get3A_667 = arith.index_cast %add3A_662 : i32 to index
        %get3A_668 = arith.constant 48 : index
        %get3A_669 = tpu.vector_load %get3A_666[%get3A_667, %get3A_668] {strides = array<i32>} : memref<200x128xf32, #tpu.memory_space<vmem>>, vector<1x16xf32>,
        %get3A_670 = vector.shape_cast %get3A_669 : vector<1x16xf32> to vector<16xf32>
        %swap3A_671 = arith.constant 0 : i32
        %swap3A_672 = arith.constant 0 : i32
        %swap3A_673 = tpu.memref_slice %arg8[%scan3A_552, %swap3A_671, %swap3A_672] : memref<2x104x64xf32, #tpu.memory_space<vmem>> -> memref<1x104x64xf32, #tpu.memory_space<vmem>>
        %swap3A_674 = tpu.memref_squeeze %swap3A_673 : memref<1x104x64xf32, #tpu.memory_space<vmem>> -> memref<104x64xf32, #tpu.memory_space<vmem>>
        %swap3A_675 = arith.index_cast %scan3A_597 : i32 to index
        %swap3A_676 = arith.constant 48 : index
        %swap3A_677 = tpu.vector_load %swap3A_674[%swap3A_675, %swap3A_676] {strides = array<i32>} : memref<104x64xf32, #tpu.memory_space<vmem>>, vector<1x16xf32>,
        %swap3A_678 = vector.shape_cast %swap3A_677 : vector<1x16xf32> to vector<16xf32>
        %swap3A_679 = vector.shape_cast %get3A_670 : vector<16xf32> to vector<1x16xf32>
        tpu.vector_store %swap3A_674[%swap3A_675, %swap3A_676], %swap3A_679 {strides = array<i32>} : memref<104x64xf32, #tpu.memory_space<vmem>>, vector<1x16xf32>,
        %add3A_680 = arith.addf %scan3A_601, %get3A_670 : vector<16xf32>
        %scan3A_681 = arith.constant 1 : i32
        %scan3A_682 = arith.addi %scan3A_597, %scan3A_681 : i32
        %add3A_683 = arith.constant 104 : i32
        %add3A_684 = arith.addi %add3A_683, %scan3A_682 : i32
        %get3A_685 = arith.constant 0 : i32
        %get3A_686 = arith.constant 0 : i32
        %get3A_687 = tpu.memref_slice %arg7[%scan3A_551, %get3A_685, %get3A_686] : memref<2x200x128xf32, #tpu.memory_space<vmem>> -> memref<1x200x128xf32, #tpu.memory_space<vmem>>
        %get3A_688 = tpu.memref_squeeze %get3A_687 : memref<1x200x128xf32, #tpu.memory_space<vmem>> -> memref<200x128xf32, #tpu.memory_space<vmem>>
        %get3A_689 = arith.index_cast %add3A_684 : i32 to index
        %get3A_690 = arith.constant 0 : index
        %get3A_691 = tpu.vector_load %get3A_688[%get3A_689, %get3A_690] {strides = array<i32>} : memref<200x128xf32, #tpu.memory_space<vmem>>, vector<1x16xf32>,
        %get3A_692 = vector.shape_cast %get3A_691 : vector<1x16xf32> to vector<16xf32>
        %swap3A_693 = arith.constant 0 : i32
        %swap3A_694 = arith.constant 0 : i32
        %swap3A_695 = tpu.memref_slice %arg8[%scan3A_552, %swap3A_693, %swap3A_694] : memref<2x104x64xf32, #tpu.memory_space<vmem>> -> memref<1x104x64xf32, #tpu.memory_space<vmem>>
        %swap3A_696 = tpu.memref_squeeze %swap3A_695 : memref<1x104x64xf32, #tpu.memory_space<vmem>> -> memref<104x64xf32, #tpu.memory_space<vmem>>
        %swap3A_697 = arith.index_cast %scan3A_682 : i32 to index
        %swap3A_698 = arith.constant 0 : index
        %swap3A_699 = tpu.vector_load %swap3A_696[%swap3A_697, %swap3A_698] {strides = array<i32>} : memref<104x64xf32, #tpu.memory_space<vmem>>, vector<1x16xf32>,
        %swap3A_700 = vector.shape_cast %swap3A_699 : vector<1x16xf32> to vector<16xf32>
        %swap3A_701 = vector.shape_cast %get3A_692 : vector<16xf32> to vector<1x16xf32>
        tpu.vector_store %swap3A_696[%swap3A_697, %swap3A_698], %swap3A_701 {strides = array<i32>} : memref<104x64xf32, #tpu.memory_space<vmem>>, vector<1x16xf32>,
        %add3A_702 = arith.addf %add3A_620, %get3A_692 : vector<16xf32>
        %add3A_703 = arith.constant 104 : i32
        %add3A_704 = arith.addi %add3A_703, %scan3A_682 : i32
        %get3A_705 = arith.constant 0 : i32
        %get3A_706 = arith.constant 0 : i32
        %get3A_707 = tpu.memref_slice %arg7[%scan3A_551, %get3A_705, %get3A_706] : memref<2x200x128xf32, #tpu.memory_space<vmem>> -> memref<1x200x128xf32, #tpu.memory_space<vmem>>
        %get3A_708 = tpu.memref_squeeze %get3A_707 : memref<1x200x128xf32, #tpu.memory_space<vmem>> -> memref<200x128xf32, #tpu.memory_space<vmem>>
        %get3A_709 = arith.index_cast %add3A_704 : i32 to index
        %get3A_710 = arith.constant 16 : index
        %get3A_711 = tpu.vector_load %get3A_708[%get3A_709, %get3A_710] {strides = array<i32>} : memref<200x128xf32, #tpu.memory_space<vmem>>, vector<1x16xf32>,
        %get3A_712 = vector.shape_cast %get3A_711 : vector<1x16xf32> to vector<16xf32>
        %swap3A_713 = arith.constant 0 : i32
        %swap3A_714 = arith.constant 0 : i32
        %swap3A_715 = tpu.memref_slice %arg8[%scan3A_552, %swap3A_713, %swap3A_714] : memref<2x104x64xf32, #tpu.memory_space<vmem>> -> memref<1x104x64xf32, #tpu.memory_space<vmem>>
        %swap3A_716 = tpu.memref_squeeze %swap3A_715 : memref<1x104x64xf32, #tpu.memory_space<vmem>> -> memref<104x64xf32, #tpu.memory_space<vmem>>
        %swap3A_717 = arith.index_cast %scan3A_682 : i32 to index
        %swap3A_718 = arith.constant 16 : index
        %swap3A_719 = tpu.vector_load %swap3A_716[%swap3A_717, %swap3A_718] {strides = array<i32>} : memref<104x64xf32, #tpu.memory_space<vmem>>, vector<1x16xf32>,
        %swap3A_720 = vector.shape_cast %swap3A_719 : vector<1x16xf32> to vector<16xf32>
        %swap3A_721 = vector.shape_cast %get3A_712 : vector<16xf32> to vector<1x16xf32>
        tpu.vector_store %swap3A_716[%swap3A_717, %swap3A_718], %swap3A_721 {strides = array<i32>} : memref<104x64xf32, #tpu.memory_space<vmem>>, vector<1x16xf32>,
        %add3A_722 = arith.addf %add3A_640, %get3A_712 : vector<16xf32>
        %add3A_723 = arith.constant 104 : i32
        %add3A_724 = arith.addi %add3A_723, %scan3A_682 : i32
        %get3A_725 = arith.constant 0 : i32
        %get3A_726 = arith.constant 0 : i32
        %get3A_727 = tpu.memref_slice %arg7[%scan3A_551, %get3A_725, %get3A_726] : memref<2x200x128xf32, #tpu.memory_space<vmem>> -> memref<1x200x128xf32, #tpu.memory_space<vmem>>
        %get3A_728 = tpu.memref_squeeze %get3A_727 : memref<1x200x128xf32, #tpu.memory_space<vmem>> -> memref<200x128xf32, #tpu.memory_space<vmem>>
        %get3A_729 = arith.index_cast %add3A_724 : i32 to index
        %get3A_730 = arith.constant 32 : index
        %get3A_731 = tpu.vector_load %get3A_728[%get3A_729, %get3A_730] {strides = array<i32>} : memref<200x128xf32, #tpu.memory_space<vmem>>, vector<1x16xf32>,
        %get3A_732 = vector.shape_cast %get3A_731 : vector<1x16xf32> to vector<16xf32>
        %swap3A_733 = arith.constant 0 : i32
        %swap3A_734 = arith.constant 0 : i32
        %swap3A_735 = tpu.memref_slice %arg8[%scan3A_552, %swap3A_733, %swap3A_734] : memref<2x104x64xf32, #tpu.memory_space<vmem>> -> memref<1x104x64xf32, #tpu.memory_space<vmem>>
        %swap3A_736 = tpu.memref_squeeze %swap3A_735 : memref<1x104x64xf32, #tpu.memory_space<vmem>> -> memref<104x64xf32, #tpu.memory_space<vmem>>
        %swap3A_737 = arith.index_cast %scan3A_682 : i32 to index
        %swap3A_738 = arith.constant 32 : index
        %swap3A_739 = tpu.vector_load %swap3A_736[%swap3A_737, %swap3A_738] {strides = array<i32>} : memref<104x64xf32, #tpu.memory_space<vmem>>, vector<1x16xf32>,
        %swap3A_740 = vector.shape_cast %swap3A_739 : vector<1x16xf32> to vector<16xf32>
        %swap3A_741 = vector.shape_cast %get3A_732 : vector<16xf32> to vector<1x16xf32>
        tpu.vector_store %swap3A_736[%swap3A_737, %swap3A_738], %swap3A_741 {strides = array<i32>} : memref<104x64xf32, #tpu.memory_space<vmem>>, vector<1x16xf32>,
        %add3A_742 = arith.addf %add3A_660, %get3A_732 : vector<16xf32>
        %add3A_743 = arith.constant 104 : i32
        %add3A_744 = arith.addi %add3A_743, %scan3A_682 : i32
        %get3A_745 = arith.constant 0 : i32
        %get3A_746 = arith.constant 0 : i32
        %get3A_747 = tpu.memref_slice %arg7[%scan3A_551, %get3A_745, %get3A_746] : memref<2x200x128xf32, #tpu.memory_space<vmem>> -> memref<1x200x128xf32, #tpu.memory_space<vmem>>
        %get3A_748 = tpu.memref_squeeze %get3A_747 : memref<1x200x128xf32, #tpu.memory_space<vmem>> -> memref<200x128xf32, #tpu.memory_space<vmem>>
        %get3A_749 = arith.index_cast %add3A_744 : i32 to index
        %get3A_750 = arith.constant 48 : index
        %get3A_751 = tpu.vector_load %get3A_748[%get3A_749, %get3A_750] {strides = array<i32>} : memref<200x128xf32, #tpu.memory_space<vmem>>, vector<1x16xf32>,
        %get3A_752 = vector.shape_cast %get3A_751 : vector<1x16xf32> to vector<16xf32>
        %swap3A_753 = arith.constant 0 : i32
        %swap3A_754 = arith.constant 0 : i32
        %swap3A_755 = tpu.memref_slice %arg8[%scan3A_552, %swap3A_753, %swap3A_754] : memref<2x104x64xf32, #tpu.memory_space<vmem>> -> memref<1x104x64xf32, #tpu.memory_space<vmem>>
        %swap3A_756 = tpu.memref_squeeze %swap3A_755 : memref<1x104x64xf32, #tpu.memory_space<vmem>> -> memref<104x64xf32, #tpu.memory_space<vmem>>
        %swap3A_757 = arith.index_cast %scan3A_682 : i32 to index
        %swap3A_758 = arith.constant 48 : index
        %swap3A_759 = tpu.vector_load %swap3A_756[%swap3A_757, %swap3A_758] {strides = array<i32>} : memref<104x64xf32, #tpu.memory_space<vmem>>, vector<1x16xf32>,
        %swap3A_760 = vector.shape_cast %swap3A_759 : vector<1x16xf32> to vector<16xf32>
        %swap3A_761 = vector.shape_cast %get3A_752 : vector<16xf32> to vector<1x16xf32>
        tpu.vector_store %swap3A_756[%swap3A_757, %swap3A_758], %swap3A_761 {strides = array<i32>} : memref<104x64xf32, #tpu.memory_space<vmem>>, vector<1x16xf32>,
        %add3A_762 = arith.addf %add3A_680, %get3A_752 : vector<16xf32>
        scf.yield %add3A_702, %add3A_722, %add3A_742, %add3A_762 : vector<16xf32>, vector<16xf32>, vector<16xf32>, vector<16xf32>
      }
      %scan3A_558 = arith.constant 96 : i32
      %mul3A_559 = arith.constant 200 : i32
      %mul3A_560 = arith.muli %add3A_449, %mul3A_559 : i32
      %add3A_561 = arith.addi %multiple_of3A, %mul3A_560 : i32
      %add3A_562 = arith.constant 104 : i32
      %add3A_563 = arith.addi %add3A_561, %add3A_562 : i32
      %dma_start3A_564 = arith.constant 1 : i32
      %dma_start3A_565 = arith.constant 0 : i32
      %dma_start3A_566 = arith.constant 0 : i32
      %dma_start3A_567 = tpu.memref_slice %arg8[%dma_start3A_564, %dma_start3A_565, %dma_start3A_566] : memref<2x104x64xf32, #tpu.memory_space<vmem>> -> memref<1x96x64xf32, #tpu.memory_space<vmem>>
      %dma_start3A_568 = tpu.memref_squeeze %dma_start3A_567 : memref<1x96x64xf32, #tpu.memory_space<vmem>> -> memref<96x64xf32, #tpu.memory_space<vmem>>
      %dma_start3A_569 = arith.constant 0 : i32
      %dma_start3A_570 = tpu.memref_slice %arg4[%add3A_563, %dma_start3A_569] : memref<819200x64xf32, #tpu.memory_space<hbm>> -> memref<96x64xf32, #tpu.memory_space<hbm>>
      %dma_start3A_571 = arith.constant 0 : i32
      %dma_start3A_572 = tpu.memref_slice %arg4[%add3A_563, %dma_start3A_571] : memref<819200x64xf32, #tpu.memory_space<hbm>> -> memref<96x64xf32, #tpu.memory_space<hbm>>
      %dma_start3A_573 = arith.constant 0 : i32
      %dma_start3A_574 = arith.constant 0 : i32
      %dma_start3A_575 = tpu.memref_slice %arg8[%dma_start3A_564, %dma_start3A_573, %dma_start3A_574] : memref<2x104x64xf32, #tpu.memory_space<vmem>> -> memref<1x96x64xf32, #tpu.memory_space<vmem>>
      %dma_start3A_576 = tpu.memref_squeeze %dma_start3A_575 : memref<1x96x64xf32, #tpu.memory_space<vmem>> -> memref<96x64xf32, #tpu.memory_space<vmem>>
      tpu.enqueue_dma source(%dma_start3A_576 : memref<96x64xf32, #tpu.memory_space<vmem>>) target(%dma_start3A_572 : memref<96x64xf32, #tpu.memory_space<hbm>>) target_semaphore(%arg13 : memref<!tpu.dma_semaphore, #tpu.memory_space<semaphore_mem>>)
      %swap3A_577 = arith.index_cast %add3A_449 : i32 to index
      %swap3A_578 = arith.constant 0 : index
      %swap3A_579 = tpu.vector_load %arg9[%swap3A_577, %swap3A_578] {strides = array<i32>} : memref<128x64xf32, #tpu.memory_space<vmem>>, vector<1x16xf32>,
      %swap3A_580 = vector.shape_cast %swap3A_579 : vector<1x16xf32> to vector<16xf32>
      %swap3A_581 = vector.shape_cast %scan3A_557#0 : vector<16xf32> to vector<1x16xf32>
      tpu.vector_store %arg9[%swap3A_577, %swap3A_578], %swap3A_581 {strides = array<i32>} : memref<128x64xf32, #tpu.memory_space<vmem>>, vector<1x16xf32>,
      %swap3A_582 = arith.index_cast %add3A_449 : i32 to index
      %swap3A_583 = arith.constant 16 : index
      %swap3A_584 = tpu.vector_load %arg9[%swap3A_582, %swap3A_583] {strides = array<i32>} : memref<128x64xf32, #tpu.memory_space<vmem>>, vector<1x16xf32>,
      %swap3A_585 = vector.shape_cast %swap3A_584 : vector<1x16xf32> to vector<16xf32>
      %swap3A_586 = vector.shape_cast %scan3A_557#1 : vector<16xf32> to vector<1x16xf32>
      tpu.vector_store %arg9[%swap3A_582, %swap3A_583], %swap3A_586 {strides = array<i32>} : memref<128x64xf32, #tpu.memory_space<vmem>>, vector<1x16xf32>,
      %swap3A_587 = arith.index_cast %add3A_449 : i32 to index
      %swap3A_588 = arith.constant 32 : index
      %swap3A_589 = tpu.vector_load %arg9[%swap3A_587, %swap3A_588] {strides = array<i32>} : memref<128x64xf32, #tpu.memory_space<vmem>>, vector<1x16xf32>,
      %swap3A_590 = vector.shape_cast %swap3A_589 : vector<1x16xf32> to vector<16xf32>
      %swap3A_591 = vector.shape_cast %scan3A_557#2 : vector<16xf32> to vector<1x16xf32>
      tpu.vector_store %arg9[%swap3A_587, %swap3A_588], %swap3A_591 {strides = array<i32>} : memref<128x64xf32, #tpu.memory_space<vmem>>, vector<1x16xf32>,
      %swap3A_592 = arith.index_cast %add3A_449 : i32 to index
      %swap3A_593 = arith.constant 48 : index
      %swap3A_594 = tpu.vector_load %arg9[%swap3A_592, %swap3A_593] {strides = array<i32>} : memref<128x64xf32, #tpu.memory_space<vmem>>, vector<1x16xf32>,
      %swap3A_595 = vector.shape_cast %swap3A_594 : vector<1x16xf32> to vector<16xf32>
      %swap3A_596 = vector.shape_cast %scan3A_557#3 : vector<16xf32> to vector<1x16xf32>
      tpu.vector_store %arg9[%swap3A_592, %swap3A_593], %swap3A_596 {strides = array<i32>} : memref<128x64xf32, #tpu.memory_space<vmem>>, vector<1x16xf32>,
    }
    %scan3A_137 = arith.constant 63 : i32
    %dma_wait3A_138 = arith.constant 1 : i32
    %dma_wait3A_139 = arith.constant 0 : i32
    %dma_wait3A_140 = arith.constant 0 : i32
    %dma_wait3A_141 = tpu.memref_slice %arg7[%dma_wait3A_138, %dma_wait3A_139, %dma_wait3A_140] : memref<2x200x128xf32, #tpu.memory_space<vmem>> -> memref<1x200x128xf32, #tpu.memory_space<vmem>>
    %dma_wait3A_142 = tpu.memref_squeeze %dma_wait3A_141 : memref<1x200x128xf32, #tpu.memory_space<vmem>> -> memref<200x128xf32, #tpu.memory_space<vmem>>
    %dma_wait3A_143 = arith.constant 0 : i32
    %dma_wait3A_144 = arith.constant 0 : i32
    %dma_wait3A_145 = tpu.memref_slice %arg3[%dma_wait3A_143, %dma_wait3A_144] : memref<1000000x128xf32, #tpu.memory_space<hbm>> -> memref<200x128xf32, #tpu.memory_space<hbm>>
    %dma_wait3A_146 = arith.constant 0 : i32
    %dma_wait3A_147 = arith.constant 0 : i32
    %dma_wait3A_148 = tpu.memref_slice %arg7[%dma_wait3A_138, %dma_wait3A_146, %dma_wait3A_147] : memref<2x200x128xf32, #tpu.memory_space<vmem>> -> memref<1x200x128xf32, #tpu.memory_space<vmem>>
    %dma_wait3A_149 = tpu.memref_squeeze %dma_wait3A_148 : memref<1x200x128xf32, #tpu.memory_space<vmem>> -> memref<200x128xf32, #tpu.memory_space<vmem>>
    %dma_wait3A_150 = arith.constant 0 : i32
    %dma_wait3A_151 = arith.constant 0 : i32
    %dma_wait3A_152 = tpu.memref_slice %arg3[%dma_wait3A_150, %dma_wait3A_151] : memref<1000000x128xf32, #tpu.memory_space<hbm>> -> memref<200x128xf32, #tpu.memory_space<hbm>>
    tpu.wait_dma2 semaphore(%arg11 : memref<!tpu.dma_semaphore, #tpu.memory_space<semaphore_mem>>) src(%dma_wait3A_152 : memref<200x128xf32, #tpu.memory_space<hbm>>) dst(%dma_wait3A_149 : memref<200x128xf32, #tpu.memory_space<vmem>>)
    %broadcast_in_dim3A_153 = arith.constant 0.000000e+00 : f32
    %broadcast_in_dim3A_154 = vector.broadcast %broadcast_in_dim3A_153 : f32 to vector<16xf32>
    %dma_wait3A_155 = arith.constant 0 : i32
    %dma_wait3A_156 = arith.constant 0 : i32
    %dma_wait3A_157 = arith.constant 0 : i32
    %dma_wait3A_158 = tpu.memref_slice %arg8[%dma_wait3A_155, %dma_wait3A_156, %dma_wait3A_157] : memref<2x104x64xf32, #tpu.memory_space<vmem>> -> memref<1x104x64xf32, #tpu.memory_space<vmem>>
    %dma_wait3A_159 = tpu.memref_squeeze %dma_wait3A_158 : memref<1x104x64xf32, #tpu.memory_space<vmem>> -> memref<104x64xf32, #tpu.memory_space<vmem>>
    %dma_wait3A_160 = arith.constant 0 : i32
    %dma_wait3A_161 = arith.constant 0 : i32
    %dma_wait3A_162 = tpu.memref_slice %arg4[%dma_wait3A_160, %dma_wait3A_161] : memref<819200x64xf32, #tpu.memory_space<hbm>> -> memref<104x64xf32, #tpu.memory_space<hbm>>
    %dma_wait3A_163 = arith.constant 0 : i32
    %dma_wait3A_164 = arith.constant 0 : i32
    %dma_wait3A_165 = tpu.memref_slice %arg4[%dma_wait3A_163, %dma_wait3A_164] : memref<819200x64xf32, #tpu.memory_space<hbm>> -> memref<104x64xf32, #tpu.memory_space<hbm>>
    %dma_wait3A_166 = arith.constant 0 : i32
    %dma_wait3A_167 = arith.constant 0 : i32
    %dma_wait3A_168 = tpu.memref_slice %arg8[%dma_wait3A_155, %dma_wait3A_166, %dma_wait3A_167] : memref<2x104x64xf32, #tpu.memory_space<vmem>> -> memref<1x104x64xf32, #tpu.memory_space<vmem>>
    %dma_wait3A_169 = tpu.memref_squeeze %dma_wait3A_168 : memref<1x104x64xf32, #tpu.memory_space<vmem>> -> memref<104x64xf32, #tpu.memory_space<vmem>>
    tpu.wait_dma2 semaphore(%arg12 : memref<!tpu.dma_semaphore, #tpu.memory_space<semaphore_mem>>) src(%dma_wait3A_169 : memref<104x64xf32, #tpu.memory_space<vmem>>) dst(%dma_wait3A_165 : memref<104x64xf32, #tpu.memory_space<hbm>>)
    %scan3A_170 = arith.constant 1 : i32
    %scan3A_171 = arith.constant 0 : i32
    %scan3A_172 = arith.constant 0 : i32
    %scan3A_173 = arith.constant 104 : i32
    %scan3A_174 = arith.addi %scan3A_172, %scan3A_173 : i32
    %scan3A_175 = arith.constant 2 : i32
    %scan3A_176:4 = scf.for %scan3A_292 = %scan3A_172 to %scan3A_174 step %scan3A_175 iter_args(%scan3A_293 = %broadcast_in_dim3A_154, %scan3A_294 = %broadcast_in_dim3A_154, %scan3A_295 = %broadcast_in_dim3A_154, %scan3A_296 = %broadcast_in_dim3A_154) -> (vector<16xf32>, vector<16xf32>, vector<16xf32>, vector<16xf32>)  : i32 {
      %add3A_297 = arith.constant 0 : i32
      %add3A_298 = arith.addi %add3A_297, %scan3A_292 : i32
      %get3A = arith.constant 0 : i32
      %get3A_299 = arith.constant 0 : i32
      %get3A_300 = tpu.memref_slice %arg7[%scan3A_170, %get3A, %get3A_299] : memref<2x200x128xf32, #tpu.memory_space<vmem>> -> memref<1x200x128xf32, #tpu.memory_space<vmem>>
      %get3A_301 = tpu.memref_squeeze %get3A_300 : memref<1x200x128xf32, #tpu.memory_space<vmem>> -> memref<200x128xf32, #tpu.memory_space<vmem>>
      %get3A_302 = arith.index_cast %add3A_298 : i32 to index
      %get3A_303 = arith.constant 0 : index
      %get3A_304 = tpu.vector_load %get3A_301[%get3A_302, %get3A_303] {strides = array<i32>} : memref<200x128xf32, #tpu.memory_space<vmem>>, vector<1x16xf32>,
      %get3A_305 = vector.shape_cast %get3A_304 : vector<1x16xf32> to vector<16xf32>
      %swap3A_306 = arith.constant 0 : i32
      %swap3A_307 = arith.constant 0 : i32
      %swap3A_308 = tpu.memref_slice %arg8[%scan3A_171, %swap3A_306, %swap3A_307] : memref<2x104x64xf32, #tpu.memory_space<vmem>> -> memref<1x104x64xf32, #tpu.memory_space<vmem>>
      %swap3A_309 = tpu.memref_squeeze %swap3A_308 : memref<1x104x64xf32, #tpu.memory_space<vmem>> -> memref<104x64xf32, #tpu.memory_space<vmem>>
      %swap3A_310 = arith.index_cast %scan3A_292 : i32 to index
      %swap3A_311 = arith.constant 0 : index
      %swap3A_312 = tpu.vector_load %swap3A_309[%swap3A_310, %swap3A_311] {strides = array<i32>} : memref<104x64xf32, #tpu.memory_space<vmem>>, vector<1x16xf32>,
      %swap3A_313 = vector.shape_cast %swap3A_312 : vector<1x16xf32> to vector<16xf32>
      %swap3A_314 = vector.shape_cast %get3A_305 : vector<16xf32> to vector<1x16xf32>
      tpu.vector_store %swap3A_309[%swap3A_310, %swap3A_311], %swap3A_314 {strides = array<i32>} : memref<104x64xf32, #tpu.memory_space<vmem>>, vector<1x16xf32>,
      %add3A_315 = arith.addf %scan3A_293, %get3A_305 : vector<16xf32>
      %add3A_316 = arith.constant 0 : i32
      %add3A_317 = arith.addi %add3A_316, %scan3A_292 : i32
      %get3A_318 = arith.constant 0 : i32
      %get3A_319 = arith.constant 0 : i32
      %get3A_320 = tpu.memref_slice %arg7[%scan3A_170, %get3A_318, %get3A_319] : memref<2x200x128xf32, #tpu.memory_space<vmem>> -> memref<1x200x128xf32, #tpu.memory_space<vmem>>
      %get3A_321 = tpu.memref_squeeze %get3A_320 : memref<1x200x128xf32, #tpu.memory_space<vmem>> -> memref<200x128xf32, #tpu.memory_space<vmem>>
      %get3A_322 = arith.index_cast %add3A_317 : i32 to index
      %get3A_323 = arith.constant 16 : index
      %get3A_324 = tpu.vector_load %get3A_321[%get3A_322, %get3A_323] {strides = array<i32>} : memref<200x128xf32, #tpu.memory_space<vmem>>, vector<1x16xf32>,
      %get3A_325 = vector.shape_cast %get3A_324 : vector<1x16xf32> to vector<16xf32>
      %swap3A_326 = arith.constant 0 : i32
      %swap3A_327 = arith.constant 0 : i32
      %swap3A_328 = tpu.memref_slice %arg8[%scan3A_171, %swap3A_326, %swap3A_327] : memref<2x104x64xf32, #tpu.memory_space<vmem>> -> memref<1x104x64xf32, #tpu.memory_space<vmem>>
      %swap3A_329 = tpu.memref_squeeze %swap3A_328 : memref<1x104x64xf32, #tpu.memory_space<vmem>> -> memref<104x64xf32, #tpu.memory_space<vmem>>
      %swap3A_330 = arith.index_cast %scan3A_292 : i32 to index
      %swap3A_331 = arith.constant 16 : index
      %swap3A_332 = tpu.vector_load %swap3A_329[%swap3A_330, %swap3A_331] {strides = array<i32>} : memref<104x64xf32, #tpu.memory_space<vmem>>, vector<1x16xf32>,
      %swap3A_333 = vector.shape_cast %swap3A_332 : vector<1x16xf32> to vector<16xf32>
      %swap3A_334 = vector.shape_cast %get3A_325 : vector<16xf32> to vector<1x16xf32>
      tpu.vector_store %swap3A_329[%swap3A_330, %swap3A_331], %swap3A_334 {strides = array<i32>} : memref<104x64xf32, #tpu.memory_space<vmem>>, vector<1x16xf32>,
      %add3A_335 = arith.addf %scan3A_294, %get3A_325 : vector<16xf32>
      %add3A_336 = arith.constant 0 : i32
      %add3A_337 = arith.addi %add3A_336, %scan3A_292 : i32
      %get3A_338 = arith.constant 0 : i32
      %get3A_339 = arith.constant 0 : i32
      %get3A_340 = tpu.memref_slice %arg7[%scan3A_170, %get3A_338, %get3A_339] : memref<2x200x128xf32, #tpu.memory_space<vmem>> -> memref<1x200x128xf32, #tpu.memory_space<vmem>>
      %get3A_341 = tpu.memref_squeeze %get3A_340 : memref<1x200x128xf32, #tpu.memory_space<vmem>> -> memref<200x128xf32, #tpu.memory_space<vmem>>
      %get3A_342 = arith.index_cast %add3A_337 : i32 to index
      %get3A_343 = arith.constant 32 : index
      %get3A_344 = tpu.vector_load %get3A_341[%get3A_342, %get3A_343] {strides = array<i32>} : memref<200x128xf32, #tpu.memory_space<vmem>>, vector<1x16xf32>,
      %get3A_345 = vector.shape_cast %get3A_344 : vector<1x16xf32> to vector<16xf32>
      %swap3A_346 = arith.constant 0 : i32
      %swap3A_347 = arith.constant 0 : i32
      %swap3A_348 = tpu.memref_slice %arg8[%scan3A_171, %swap3A_346, %swap3A_347] : memref<2x104x64xf32, #tpu.memory_space<vmem>> -> memref<1x104x64xf32, #tpu.memory_space<vmem>>
      %swap3A_349 = tpu.memref_squeeze %swap3A_348 : memref<1x104x64xf32, #tpu.memory_space<vmem>> -> memref<104x64xf32, #tpu.memory_space<vmem>>
      %swap3A_350 = arith.index_cast %scan3A_292 : i32 to index
      %swap3A_351 = arith.constant 32 : index
      %swap3A_352 = tpu.vector_load %swap3A_349[%swap3A_350, %swap3A_351] {strides = array<i32>} : memref<104x64xf32, #tpu.memory_space<vmem>>, vector<1x16xf32>,
      %swap3A_353 = vector.shape_cast %swap3A_352 : vector<1x16xf32> to vector<16xf32>
      %swap3A_354 = vector.shape_cast %get3A_345 : vector<16xf32> to vector<1x16xf32>
      tpu.vector_store %swap3A_349[%swap3A_350, %swap3A_351], %swap3A_354 {strides = array<i32>} : memref<104x64xf32, #tpu.memory_space<vmem>>, vector<1x16xf32>,
      %add3A_355 = arith.addf %scan3A_295, %get3A_345 : vector<16xf32>
      %add3A_356 = arith.constant 0 : i32
      %add3A_357 = arith.addi %add3A_356, %scan3A_292 : i32
      %get3A_358 = arith.constant 0 : i32
      %get3A_359 = arith.constant 0 : i32
      %get3A_360 = tpu.memref_slice %arg7[%scan3A_170, %get3A_358, %get3A_359] : memref<2x200x128xf32, #tpu.memory_space<vmem>> -> memref<1x200x128xf32, #tpu.memory_space<vmem>>
      %get3A_361 = tpu.memref_squeeze %get3A_360 : memref<1x200x128xf32, #tpu.memory_space<vmem>> -> memref<200x128xf32, #tpu.memory_space<vmem>>
      %get3A_362 = arith.index_cast %add3A_357 : i32 to index
      %get3A_363 = arith.constant 48 : index
      %get3A_364 = tpu.vector_load %get3A_361[%get3A_362, %get3A_363] {strides = array<i32>} : memref<200x128xf32, #tpu.memory_space<vmem>>, vector<1x16xf32>,
      %get3A_365 = vector.shape_cast %get3A_364 : vector<1x16xf32> to vector<16xf32>
      %swap3A_366 = arith.constant 0 : i32
      %swap3A_367 = arith.constant 0 : i32
      %swap3A_368 = tpu.memref_slice %arg8[%scan3A_171, %swap3A_366, %swap3A_367] : memref<2x104x64xf32, #tpu.memory_space<vmem>> -> memref<1x104x64xf32, #tpu.memory_space<vmem>>
      %swap3A_369 = tpu.memref_squeeze %swap3A_368 : memref<1x104x64xf32, #tpu.memory_space<vmem>> -> memref<104x64xf32, #tpu.memory_space<vmem>>
      %swap3A_370 = arith.index_cast %scan3A_292 : i32 to index
      %swap3A_371 = arith.constant 48 : index
      %swap3A_372 = tpu.vector_load %swap3A_369[%swap3A_370, %swap3A_371] {strides = array<i32>} : memref<104x64xf32, #tpu.memory_space<vmem>>, vector<1x16xf32>,
      %swap3A_373 = vector.shape_cast %swap3A_372 : vector<1x16xf32> to vector<16xf32>
      %swap3A_374 = vector.shape_cast %get3A_365 : vector<16xf32> to vector<1x16xf32>
      tpu.vector_store %swap3A_369[%swap3A_370, %swap3A_371], %swap3A_374 {strides = array<i32>} : memref<104x64xf32, #tpu.memory_space<vmem>>, vector<1x16xf32>,
      %add3A_375 = arith.addf %scan3A_296, %get3A_365 : vector<16xf32>
      %scan3A_376 = arith.constant 1 : i32
      %scan3A_377 = arith.addi %scan3A_292, %scan3A_376 : i32
      %add3A_378 = arith.constant 0 : i32
      %add3A_379 = arith.addi %add3A_378, %scan3A_377 : i32
      %get3A_380 = arith.constant 0 : i32
      %get3A_381 = arith.constant 0 : i32
      %get3A_382 = tpu.memref_slice %arg7[%scan3A_170, %get3A_380, %get3A_381] : memref<2x200x128xf32, #tpu.memory_space<vmem>> -> memref<1x200x128xf32, #tpu.memory_space<vmem>>
      %get3A_383 = tpu.memref_squeeze %get3A_382 : memref<1x200x128xf32, #tpu.memory_space<vmem>> -> memref<200x128xf32, #tpu.memory_space<vmem>>
      %get3A_384 = arith.index_cast %add3A_379 : i32 to index
      %get3A_385 = arith.constant 0 : index
      %get3A_386 = tpu.vector_load %get3A_383[%get3A_384, %get3A_385] {strides = array<i32>} : memref<200x128xf32, #tpu.memory_space<vmem>>, vector<1x16xf32>,
      %get3A_387 = vector.shape_cast %get3A_386 : vector<1x16xf32> to vector<16xf32>
      %swap3A_388 = arith.constant 0 : i32
      %swap3A_389 = arith.constant 0 : i32
      %swap3A_390 = tpu.memref_slice %arg8[%scan3A_171, %swap3A_388, %swap3A_389] : memref<2x104x64xf32, #tpu.memory_space<vmem>> -> memref<1x104x64xf32, #tpu.memory_space<vmem>>
      %swap3A_391 = tpu.memref_squeeze %swap3A_390 : memref<1x104x64xf32, #tpu.memory_space<vmem>> -> memref<104x64xf32, #tpu.memory_space<vmem>>
      %swap3A_392 = arith.index_cast %scan3A_377 : i32 to index
      %swap3A_393 = arith.constant 0 : index
      %swap3A_394 = tpu.vector_load %swap3A_391[%swap3A_392, %swap3A_393] {strides = array<i32>} : memref<104x64xf32, #tpu.memory_space<vmem>>, vector<1x16xf32>,
      %swap3A_395 = vector.shape_cast %swap3A_394 : vector<1x16xf32> to vector<16xf32>
      %swap3A_396 = vector.shape_cast %get3A_387 : vector<16xf32> to vector<1x16xf32>
      tpu.vector_store %swap3A_391[%swap3A_392, %swap3A_393], %swap3A_396 {strides = array<i32>} : memref<104x64xf32, #tpu.memory_space<vmem>>, vector<1x16xf32>,
      %add3A_397 = arith.addf %add3A_315, %get3A_387 : vector<16xf32>
      %add3A_398 = arith.constant 0 : i32
      %add3A_399 = arith.addi %add3A_398, %scan3A_377 : i32
      %get3A_400 = arith.constant 0 : i32
      %get3A_401 = arith.constant 0 : i32
      %get3A_402 = tpu.memref_slice %arg7[%scan3A_170, %get3A_400, %get3A_401] : memref<2x200x128xf32, #tpu.memory_space<vmem>> -> memref<1x200x128xf32, #tpu.memory_space<vmem>>
      %get3A_403 = tpu.memref_squeeze %get3A_402 : memref<1x200x128xf32, #tpu.memory_space<vmem>> -> memref<200x128xf32, #tpu.memory_space<vmem>>
      %get3A_404 = arith.index_cast %add3A_399 : i32 to index
      %get3A_405 = arith.constant 16 : index
      %get3A_406 = tpu.vector_load %get3A_403[%get3A_404, %get3A_405] {strides = array<i32>} : memref<200x128xf32, #tpu.memory_space<vmem>>, vector<1x16xf32>,
      %get3A_407 = vector.shape_cast %get3A_406 : vector<1x16xf32> to vector<16xf32>
      %swap3A_408 = arith.constant 0 : i32
      %swap3A_409 = arith.constant 0 : i32
      %swap3A_410 = tpu.memref_slice %arg8[%scan3A_171, %swap3A_408, %swap3A_409] : memref<2x104x64xf32, #tpu.memory_space<vmem>> -> memref<1x104x64xf32, #tpu.memory_space<vmem>>
      %swap3A_411 = tpu.memref_squeeze %swap3A_410 : memref<1x104x64xf32, #tpu.memory_space<vmem>> -> memref<104x64xf32, #tpu.memory_space<vmem>>
      %swap3A_412 = arith.index_cast %scan3A_377 : i32 to index
      %swap3A_413 = arith.constant 16 : index
      %swap3A_414 = tpu.vector_load %swap3A_411[%swap3A_412, %swap3A_413] {strides = array<i32>} : memref<104x64xf32, #tpu.memory_space<vmem>>, vector<1x16xf32>,
      %swap3A_415 = vector.shape_cast %swap3A_414 : vector<1x16xf32> to vector<16xf32>
      %swap3A_416 = vector.shape_cast %get3A_407 : vector<16xf32> to vector<1x16xf32>
      tpu.vector_store %swap3A_411[%swap3A_412, %swap3A_413], %swap3A_416 {strides = array<i32>} : memref<104x64xf32, #tpu.memory_space<vmem>>, vector<1x16xf32>,
      %add3A_417 = arith.addf %add3A_335, %get3A_407 : vector<16xf32>
      %add3A_418 = arith.constant 0 : i32
      %add3A_419 = arith.addi %add3A_418, %scan3A_377 : i32
      %get3A_420 = arith.constant 0 : i32
      %get3A_421 = arith.constant 0 : i32
      %get3A_422 = tpu.memref_slice %arg7[%scan3A_170, %get3A_420, %get3A_421] : memref<2x200x128xf32, #tpu.memory_space<vmem>> -> memref<1x200x128xf32, #tpu.memory_space<vmem>>
      %get3A_423 = tpu.memref_squeeze %get3A_422 : memref<1x200x128xf32, #tpu.memory_space<vmem>> -> memref<200x128xf32, #tpu.memory_space<vmem>>
      %get3A_424 = arith.index_cast %add3A_419 : i32 to index
      %get3A_425 = arith.constant 32 : index
      %get3A_426 = tpu.vector_load %get3A_423[%get3A_424, %get3A_425] {strides = array<i32>} : memref<200x128xf32, #tpu.memory_space<vmem>>, vector<1x16xf32>,
      %get3A_427 = vector.shape_cast %get3A_426 : vector<1x16xf32> to vector<16xf32>
      %swap3A_428 = arith.constant 0 : i32
      %swap3A_429 = arith.constant 0 : i32
      %swap3A_430 = tpu.memref_slice %arg8[%scan3A_171, %swap3A_428, %swap3A_429] : memref<2x104x64xf32, #tpu.memory_space<vmem>> -> memref<1x104x64xf32, #tpu.memory_space<vmem>>
      %swap3A_431 = tpu.memref_squeeze %swap3A_430 : memref<1x104x64xf32, #tpu.memory_space<vmem>> -> memref<104x64xf32, #tpu.memory_space<vmem>>
      %swap3A_432 = arith.index_cast %scan3A_377 : i32 to index
      %swap3A_433 = arith.constant 32 : index
      %swap3A_434 = tpu.vector_load %swap3A_431[%swap3A_432, %swap3A_433] {strides = array<i32>} : memref<104x64xf32, #tpu.memory_space<vmem>>, vector<1x16xf32>,
      %swap3A_435 = vector.shape_cast %swap3A_434 : vector<1x16xf32> to vector<16xf32>
      %swap3A_436 = vector.shape_cast %get3A_427 : vector<16xf32> to vector<1x16xf32>
      tpu.vector_store %swap3A_431[%swap3A_432, %swap3A_433], %swap3A_436 {strides = array<i32>} : memref<104x64xf32, #tpu.memory_space<vmem>>, vector<1x16xf32>,
      %add3A_437 = arith.addf %add3A_355, %get3A_427 : vector<16xf32>
      %add3A_438 = arith.constant 0 : i32
      %add3A_439 = arith.addi %add3A_438, %scan3A_377 : i32
      %get3A_440 = arith.constant 0 : i32
      %get3A_441 = arith.constant 0 : i32
      %get3A_442 = tpu.memref_slice %arg7[%scan3A_170, %get3A_440, %get3A_441] : memref<2x200x128xf32, #tpu.memory_space<vmem>> -> memref<1x200x128xf32, #tpu.memory_space<vmem>>
      %get3A_443 = tpu.memref_squeeze %get3A_442 : memref<1x200x128xf32, #tpu.memory_space<vmem>> -> memref<200x128xf32, #tpu.memory_space<vmem>>
      %get3A_444 = arith.index_cast %add3A_439 : i32 to index
      %get3A_445 = arith.constant 48 : index
      %get3A_446 = tpu.vector_load %get3A_443[%get3A_444, %get3A_445] {strides = array<i32>} : memref<200x128xf32, #tpu.memory_space<vmem>>, vector<1x16xf32>,
      %get3A_447 = vector.shape_cast %get3A_446 : vector<1x16xf32> to vector<16xf32>
      %swap3A_448 = arith.constant 0 : i32
      %swap3A_449 = arith.constant 0 : i32
      %swap3A_450 = tpu.memref_slice %arg8[%scan3A_171, %swap3A_448, %swap3A_449] : memref<2x104x64xf32, #tpu.memory_space<vmem>> -> memref<1x104x64xf32, #tpu.memory_space<vmem>>
      %swap3A_451 = tpu.memref_squeeze %swap3A_450 : memref<1x104x64xf32, #tpu.memory_space<vmem>> -> memref<104x64xf32, #tpu.memory_space<vmem>>
      %swap3A_452 = arith.index_cast %scan3A_377 : i32 to index
      %swap3A_453 = arith.constant 48 : index
      %swap3A_454 = tpu.vector_load %swap3A_451[%swap3A_452, %swap3A_453] {strides = array<i32>} : memref<104x64xf32, #tpu.memory_space<vmem>>, vector<1x16xf32>,
      %swap3A_455 = vector.shape_cast %swap3A_454 : vector<1x16xf32> to vector<16xf32>
      %swap3A_456 = vector.shape_cast %get3A_447 : vector<16xf32> to vector<1x16xf32>
      tpu.vector_store %swap3A_451[%swap3A_452, %swap3A_453], %swap3A_456 {strides = array<i32>} : memref<104x64xf32, #tpu.memory_space<vmem>>, vector<1x16xf32>,
      %add3A_457 = arith.addf %add3A_375, %get3A_447 : vector<16xf32>
      scf.yield %add3A_397, %add3A_417, %add3A_437, %add3A_457 : vector<16xf32>, vector<16xf32>, vector<16xf32>, vector<16xf32>
    }
    %scan3A_177 = arith.constant 104 : i32
    %add3A_178 = arith.constant 25400 : i32
    %add3A_179 = arith.addi %multiple_of3A, %add3A_178 : i32
    %add3A_180 = arith.constant 0 : i32
    %add3A_181 = arith.addi %add3A_179, %add3A_180 : i32
    %dma_start3A_182 = arith.constant 0 : i32
    %dma_start3A_183 = arith.constant 0 : i32
    %dma_start3A_184 = arith.constant 0 : i32
    %dma_start3A_185 = tpu.memref_slice %arg8[%dma_start3A_182, %dma_start3A_183, %dma_start3A_184] : memref<2x104x64xf32, #tpu.memory_space<vmem>> -> memref<1x104x64xf32, #tpu.memory_space<vmem>>
    %dma_start3A_186 = tpu.memref_squeeze %dma_start3A_185 : memref<1x104x64xf32, #tpu.memory_space<vmem>> -> memref<104x64xf32, #tpu.memory_space<vmem>>
    %dma_start3A_187 = arith.constant 0 : i32
    %dma_start3A_188 = tpu.memref_slice %arg4[%add3A_181, %dma_start3A_187] : memref<819200x64xf32, #tpu.memory_space<hbm>> -> memref<104x64xf32, #tpu.memory_space<hbm>>
    %dma_start3A_189 = arith.constant 0 : i32
    %dma_start3A_190 = tpu.memref_slice %arg4[%add3A_181, %dma_start3A_189] : memref<819200x64xf32, #tpu.memory_space<hbm>> -> memref<104x64xf32, #tpu.memory_space<hbm>>
    %dma_start3A_191 = arith.constant 0 : i32
    %dma_start3A_192 = arith.constant 0 : i32
    %dma_start3A_193 = tpu.memref_slice %arg8[%dma_start3A_182, %dma_start3A_191, %dma_start3A_192] : memref<2x104x64xf32, #tpu.memory_space<vmem>> -> memref<1x104x64xf32, #tpu.memory_space<vmem>>
    %dma_start3A_194 = tpu.memref_squeeze %dma_start3A_193 : memref<1x104x64xf32, #tpu.memory_space<vmem>> -> memref<104x64xf32, #tpu.memory_space<vmem>>
    tpu.enqueue_dma source(%dma_start3A_194 : memref<104x64xf32, #tpu.memory_space<vmem>>) target(%dma_start3A_190 : memref<104x64xf32, #tpu.memory_space<hbm>>) target_semaphore(%arg12 : memref<!tpu.dma_semaphore, #tpu.memory_space<semaphore_mem>>)
    %dma_wait3A_195 = arith.constant 1 : i32
    %dma_wait3A_196 = arith.constant 0 : i32
    %dma_wait3A_197 = arith.constant 0 : i32
    %dma_wait3A_198 = tpu.memref_slice %arg8[%dma_wait3A_195, %dma_wait3A_196, %dma_wait3A_197] : memref<2x104x64xf32, #tpu.memory_space<vmem>> -> memref<1x96x64xf32, #tpu.memory_space<vmem>>
    %dma_wait3A_199 = tpu.memref_squeeze %dma_wait3A_198 : memref<1x96x64xf32, #tpu.memory_space<vmem>> -> memref<96x64xf32, #tpu.memory_space<vmem>>
    %dma_wait3A_200 = arith.constant 0 : i32
    %dma_wait3A_201 = arith.constant 0 : i32
    %dma_wait3A_202 = tpu.memref_slice %arg4[%dma_wait3A_200, %dma_wait3A_201] : memref<819200x64xf32, #tpu.memory_space<hbm>> -> memref<96x64xf32, #tpu.memory_space<hbm>>
    %dma_wait3A_203 = arith.constant 0 : i32
    %dma_wait3A_204 = arith.constant 0 : i32
    %dma_wait3A_205 = tpu.memref_slice %arg4[%dma_wait3A_203, %dma_wait3A_204] : memref<819200x64xf32, #tpu.memory_space<hbm>> -> memref<96x64xf32, #tpu.memory_space<hbm>>
    %dma_wait3A_206 = arith.constant 0 : i32
    %dma_wait3A_207 = arith.constant 0 : i32
    %dma_wait3A_208 = tpu.memref_slice %arg8[%dma_wait3A_195, %dma_wait3A_206, %dma_wait3A_207] : memref<2x104x64xf32, #tpu.memory_space<vmem>> -> memref<1x96x64xf32, #tpu.memory_space<vmem>>
    %dma_wait3A_209 = tpu.memref_squeeze %dma_wait3A_208 : memref<1x96x64xf32, #tpu.memory_space<vmem>> -> memref<96x64xf32, #tpu.memory_space<vmem>>
    tpu.wait_dma2 semaphore(%arg13 : memref<!tpu.dma_semaphore, #tpu.memory_space<semaphore_mem>>) src(%dma_wait3A_209 : memref<96x64xf32, #tpu.memory_space<vmem>>) dst(%dma_wait3A_205 : memref<96x64xf32, #tpu.memory_space<hbm>>)
    %scan3A_210 = arith.constant 1 : i32
    %scan3A_211 = arith.constant 1 : i32
    %scan3A_212 = arith.constant 0 : i32
    %scan3A_213 = arith.constant 96 : i32
    %scan3A_214 = arith.addi %scan3A_212, %scan3A_213 : i32
    %scan3A_215 = arith.constant 2 : i32
    %scan3A_216:4 = scf.for %scan3A_292 = %scan3A_212 to %scan3A_214 step %scan3A_215 iter_args(%scan3A_293 = %scan3A_176#0, %scan3A_294 = %scan3A_176#1, %scan3A_295 = %scan3A_176#2, %scan3A_296 = %scan3A_176#3) -> (vector<16xf32>, vector<16xf32>, vector<16xf32>, vector<16xf32>)  : i32 {
      %add3A_297 = arith.constant 104 : i32
      %add3A_298 = arith.addi %add3A_297, %scan3A_292 : i32
      %get3A = arith.constant 0 : i32
      %get3A_299 = arith.constant 0 : i32
      %get3A_300 = tpu.memref_slice %arg7[%scan3A_210, %get3A, %get3A_299] : memref<2x200x128xf32, #tpu.memory_space<vmem>> -> memref<1x200x128xf32, #tpu.memory_space<vmem>>
      %get3A_301 = tpu.memref_squeeze %get3A_300 : memref<1x200x128xf32, #tpu.memory_space<vmem>> -> memref<200x128xf32, #tpu.memory_space<vmem>>
      %get3A_302 = arith.index_cast %add3A_298 : i32 to index
      %get3A_303 = arith.constant 0 : index
      %get3A_304 = tpu.vector_load %get3A_301[%get3A_302, %get3A_303] {strides = array<i32>} : memref<200x128xf32, #tpu.memory_space<vmem>>, vector<1x16xf32>,
      %get3A_305 = vector.shape_cast %get3A_304 : vector<1x16xf32> to vector<16xf32>
      %swap3A_306 = arith.constant 0 : i32
      %swap3A_307 = arith.constant 0 : i32
      %swap3A_308 = tpu.memref_slice %arg8[%scan3A_211, %swap3A_306, %swap3A_307] : memref<2x104x64xf32, #tpu.memory_space<vmem>> -> memref<1x104x64xf32, #tpu.memory_space<vmem>>
      %swap3A_309 = tpu.memref_squeeze %swap3A_308 : memref<1x104x64xf32, #tpu.memory_space<vmem>> -> memref<104x64xf32, #tpu.memory_space<vmem>>
      %swap3A_310 = arith.index_cast %scan3A_292 : i32 to index
      %swap3A_311 = arith.constant 0 : index
      %swap3A_312 = tpu.vector_load %swap3A_309[%swap3A_310, %swap3A_311] {strides = array<i32>} : memref<104x64xf32, #tpu.memory_space<vmem>>, vector<1x16xf32>,
      %swap3A_313 = vector.shape_cast %swap3A_312 : vector<1x16xf32> to vector<16xf32>
      %swap3A_314 = vector.shape_cast %get3A_305 : vector<16xf32> to vector<1x16xf32>
      tpu.vector_store %swap3A_309[%swap3A_310, %swap3A_311], %swap3A_314 {strides = array<i32>} : memref<104x64xf32, #tpu.memory_space<vmem>>, vector<1x16xf32>,
      %add3A_315 = arith.addf %scan3A_293, %get3A_305 : vector<16xf32>
      %add3A_316 = arith.constant 104 : i32
      %add3A_317 = arith.addi %add3A_316, %scan3A_292 : i32
      %get3A_318 = arith.constant 0 : i32
      %get3A_319 = arith.constant 0 : i32
      %get3A_320 = tpu.memref_slice %arg7[%scan3A_210, %get3A_318, %get3A_319] : memref<2x200x128xf32, #tpu.memory_space<vmem>> -> memref<1x200x128xf32, #tpu.memory_space<vmem>>
      %get3A_321 = tpu.memref_squeeze %get3A_320 : memref<1x200x128xf32, #tpu.memory_space<vmem>> -> memref<200x128xf32, #tpu.memory_space<vmem>>
      %get3A_322 = arith.index_cast %add3A_317 : i32 to index
      %get3A_323 = arith.constant 16 : index
      %get3A_324 = tpu.vector_load %get3A_321[%get3A_322, %get3A_323] {strides = array<i32>} : memref<200x128xf32, #tpu.memory_space<vmem>>, vector<1x16xf32>,
      %get3A_325 = vector.shape_cast %get3A_324 : vector<1x16xf32> to vector<16xf32>
      %swap3A_326 = arith.constant 0 : i32
      %swap3A_327 = arith.constant 0 : i32
      %swap3A_328 = tpu.memref_slice %arg8[%scan3A_211, %swap3A_326, %swap3A_327] : memref<2x104x64xf32, #tpu.memory_space<vmem>> -> memref<1x104x64xf32, #tpu.memory_space<vmem>>
      %swap3A_329 = tpu.memref_squeeze %swap3A_328 : memref<1x104x64xf32, #tpu.memory_space<vmem>> -> memref<104x64xf32, #tpu.memory_space<vmem>>
      %swap3A_330 = arith.index_cast %scan3A_292 : i32 to index
      %swap3A_331 = arith.constant 16 : index
      %swap3A_332 = tpu.vector_load %swap3A_329[%swap3A_330, %swap3A_331] {strides = array<i32>} : memref<104x64xf32, #tpu.memory_space<vmem>>, vector<1x16xf32>,
      %swap3A_333 = vector.shape_cast %swap3A_332 : vector<1x16xf32> to vector<16xf32>
      %swap3A_334 = vector.shape_cast %get3A_325 : vector<16xf32> to vector<1x16xf32>
      tpu.vector_store %swap3A_329[%swap3A_330, %swap3A_331], %swap3A_334 {strides = array<i32>} : memref<104x64xf32, #tpu.memory_space<vmem>>, vector<1x16xf32>,
      %add3A_335 = arith.addf %scan3A_294, %get3A_325 : vector<16xf32>
      %add3A_336 = arith.constant 104 : i32
      %add3A_337 = arith.addi %add3A_336, %scan3A_292 : i32
      %get3A_338 = arith.constant 0 : i32
      %get3A_339 = arith.constant 0 : i32
      %get3A_340 = tpu.memref_slice %arg7[%scan3A_210, %get3A_338, %get3A_339] : memref<2x200x128xf32, #tpu.memory_space<vmem>> -> memref<1x200x128xf32, #tpu.memory_space<vmem>>
      %get3A_341 = tpu.memref_squeeze %get3A_340 : memref<1x200x128xf32, #tpu.memory_space<vmem>> -> memref<200x128xf32, #tpu.memory_space<vmem>>
      %get3A_342 = arith.index_cast %add3A_337 : i32 to index
      %get3A_343 = arith.constant 32 : index
      %get3A_344 = tpu.vector_load %get3A_341[%get3A_342, %get3A_343] {strides = array<i32>} : memref<200x128xf32, #tpu.memory_space<vmem>>, vector<1x16xf32>,
      %get3A_345 = vector.shape_cast %get3A_344 : vector<1x16xf32> to vector<16xf32>
      %swap3A_346 = arith.constant 0 : i32
      %swap3A_347 = arith.constant 0 : i32
      %swap3A_348 = tpu.memref_slice %arg8[%scan3A_211, %swap3A_346, %swap3A_347] : memref<2x104x64xf32, #tpu.memory_space<vmem>> -> memref<1x104x64xf32, #tpu.memory_space<vmem>>
      %swap3A_349 = tpu.memref_squeeze %swap3A_348 : memref<1x104x64xf32, #tpu.memory_space<vmem>> -> memref<104x64xf32, #tpu.memory_space<vmem>>
      %swap3A_350 = arith.index_cast %scan3A_292 : i32 to index
      %swap3A_351 = arith.constant 32 : index
      %swap3A_352 = tpu.vector_load %swap3A_349[%swap3A_350, %swap3A_351] {strides = array<i32>} : memref<104x64xf32, #tpu.memory_space<vmem>>, vector<1x16xf32>,
      %swap3A_353 = vector.shape_cast %swap3A_352 : vector<1x16xf32> to vector<16xf32>
      %swap3A_354 = vector.shape_cast %get3A_345 : vector<16xf32> to vector<1x16xf32>
      tpu.vector_store %swap3A_349[%swap3A_350, %swap3A_351], %swap3A_354 {strides = array<i32>} : memref<104x64xf32, #tpu.memory_space<vmem>>, vector<1x16xf32>,
      %add3A_355 = arith.addf %scan3A_295, %get3A_345 : vector<16xf32>
      %add3A_356 = arith.constant 104 : i32
      %add3A_357 = arith.addi %add3A_356, %scan3A_292 : i32
      %get3A_358 = arith.constant 0 : i32
      %get3A_359 = arith.constant 0 : i32
      %get3A_360 = tpu.memref_slice %arg7[%scan3A_210, %get3A_358, %get3A_359] : memref<2x200x128xf32, #tpu.memory_space<vmem>> -> memref<1x200x128xf32, #tpu.memory_space<vmem>>
      %get3A_361 = tpu.memref_squeeze %get3A_360 : memref<1x200x128xf32, #tpu.memory_space<vmem>> -> memref<200x128xf32, #tpu.memory_space<vmem>>
      %get3A_362 = arith.index_cast %add3A_357 : i32 to index
      %get3A_363 = arith.constant 48 : index
      %get3A_364 = tpu.vector_load %get3A_361[%get3A_362, %get3A_363] {strides = array<i32>} : memref<200x128xf32, #tpu.memory_space<vmem>>, vector<1x16xf32>,
      %get3A_365 = vector.shape_cast %get3A_364 : vector<1x16xf32> to vector<16xf32>
      %swap3A_366 = arith.constant 0 : i32
      %swap3A_367 = arith.constant 0 : i32
      %swap3A_368 = tpu.memref_slice %arg8[%scan3A_211, %swap3A_366, %swap3A_367] : memref<2x104x64xf32, #tpu.memory_space<vmem>> -> memref<1x104x64xf32, #tpu.memory_space<vmem>>
      %swap3A_369 = tpu.memref_squeeze %swap3A_368 : memref<1x104x64xf32, #tpu.memory_space<vmem>> -> memref<104x64xf32, #tpu.memory_space<vmem>>
      %swap3A_370 = arith.index_cast %scan3A_292 : i32 to index
      %swap3A_371 = arith.constant 48 : index
      %swap3A_372 = tpu.vector_load %swap3A_369[%swap3A_370, %swap3A_371] {strides = array<i32>} : memref<104x64xf32, #tpu.memory_space<vmem>>, vector<1x16xf32>,
      %swap3A_373 = vector.shape_cast %swap3A_372 : vector<1x16xf32> to vector<16xf32>
      %swap3A_374 = vector.shape_cast %get3A_365 : vector<16xf32> to vector<1x16xf32>
      tpu.vector_store %swap3A_369[%swap3A_370, %swap3A_371], %swap3A_374 {strides = array<i32>} : memref<104x64xf32, #tpu.memory_space<vmem>>, vector<1x16xf32>,
      %add3A_375 = arith.addf %scan3A_296, %get3A_365 : vector<16xf32>
      %scan3A_376 = arith.constant 1 : i32
      %scan3A_377 = arith.addi %scan3A_292, %scan3A_376 : i32
      %add3A_378 = arith.constant 104 : i32
      %add3A_379 = arith.addi %add3A_378, %scan3A_377 : i32
      %get3A_380 = arith.constant 0 : i32
      %get3A_381 = arith.constant 0 : i32
      %get3A_382 = tpu.memref_slice %arg7[%scan3A_210, %get3A_380, %get3A_381] : memref<2x200x128xf32, #tpu.memory_space<vmem>> -> memref<1x200x128xf32, #tpu.memory_space<vmem>>
      %get3A_383 = tpu.memref_squeeze %get3A_382 : memref<1x200x128xf32, #tpu.memory_space<vmem>> -> memref<200x128xf32, #tpu.memory_space<vmem>>
      %get3A_384 = arith.index_cast %add3A_379 : i32 to index
      %get3A_385 = arith.constant 0 : index
      %get3A_386 = tpu.vector_load %get3A_383[%get3A_384, %get3A_385] {strides = array<i32>} : memref<200x128xf32, #tpu.memory_space<vmem>>, vector<1x16xf32>,
      %get3A_387 = vector.shape_cast %get3A_386 : vector<1x16xf32> to vector<16xf32>
      %swap3A_388 = arith.constant 0 : i32
      %swap3A_389 = arith.constant 0 : i32
      %swap3A_390 = tpu.memref_slice %arg8[%scan3A_211, %swap3A_388, %swap3A_389] : memref<2x104x64xf32, #tpu.memory_space<vmem>> -> memref<1x104x64xf32, #tpu.memory_space<vmem>>
      %swap3A_391 = tpu.memref_squeeze %swap3A_390 : memref<1x104x64xf32, #tpu.memory_space<vmem>> -> memref<104x64xf32, #tpu.memory_space<vmem>>
      %swap3A_392 = arith.index_cast %scan3A_377 : i32 to index
      %swap3A_393 = arith.constant 0 : index
      %swap3A_394 = tpu.vector_load %swap3A_391[%swap3A_392, %swap3A_393] {strides = array<i32>} : memref<104x64xf32, #tpu.memory_space<vmem>>, vector<1x16xf32>,
      %swap3A_395 = vector.shape_cast %swap3A_394 : vector<1x16xf32> to vector<16xf32>
      %swap3A_396 = vector.shape_cast %get3A_387 : vector<16xf32> to vector<1x16xf32>
      tpu.vector_store %swap3A_391[%swap3A_392, %swap3A_393], %swap3A_396 {strides = array<i32>} : memref<104x64xf32, #tpu.memory_space<vmem>>, vector<1x16xf32>,
      %add3A_397 = arith.addf %add3A_315, %get3A_387 : vector<16xf32>
      %add3A_398 = arith.constant 104 : i32
      %add3A_399 = arith.addi %add3A_398, %scan3A_377 : i32
      %get3A_400 = arith.constant 0 : i32
      %get3A_401 = arith.constant 0 : i32
      %get3A_402 = tpu.memref_slice %arg7[%scan3A_210, %get3A_400, %get3A_401] : memref<2x200x128xf32, #tpu.memory_space<vmem>> -> memref<1x200x128xf32, #tpu.memory_space<vmem>>
      %get3A_403 = tpu.memref_squeeze %get3A_402 : memref<1x200x128xf32, #tpu.memory_space<vmem>> -> memref<200x128xf32, #tpu.memory_space<vmem>>
      %get3A_404 = arith.index_cast %add3A_399 : i32 to index
      %get3A_405 = arith.constant 16 : index
      %get3A_406 = tpu.vector_load %get3A_403[%get3A_404, %get3A_405] {strides = array<i32>} : memref<200x128xf32, #tpu.memory_space<vmem>>, vector<1x16xf32>,
      %get3A_407 = vector.shape_cast %get3A_406 : vector<1x16xf32> to vector<16xf32>
      %swap3A_408 = arith.constant 0 : i32
      %swap3A_409 = arith.constant 0 : i32
      %swap3A_410 = tpu.memref_slice %arg8[%scan3A_211, %swap3A_408, %swap3A_409] : memref<2x104x64xf32, #tpu.memory_space<vmem>> -> memref<1x104x64xf32, #tpu.memory_space<vmem>>
      %swap3A_411 = tpu.memref_squeeze %swap3A_410 : memref<1x104x64xf32, #tpu.memory_space<vmem>> -> memref<104x64xf32, #tpu.memory_space<vmem>>
      %swap3A_412 = arith.index_cast %scan3A_377 : i32 to index
      %swap3A_413 = arith.constant 16 : index
      %swap3A_414 = tpu.vector_load %swap3A_411[%swap3A_412, %swap3A_413] {strides = array<i32>} : memref<104x64xf32, #tpu.memory_space<vmem>>, vector<1x16xf32>,
      %swap3A_415 = vector.shape_cast %swap3A_414 : vector<1x16xf32> to vector<16xf32>
      %swap3A_416 = vector.shape_cast %get3A_407 : vector<16xf32> to vector<1x16xf32>
      tpu.vector_store %swap3A_411[%swap3A_412, %swap3A_413], %swap3A_416 {strides = array<i32>} : memref<104x64xf32, #tpu.memory_space<vmem>>, vector<1x16xf32>,
      %add3A_417 = arith.addf %add3A_335, %get3A_407 : vector<16xf32>
      %add3A_418 = arith.constant 104 : i32
      %add3A_419 = arith.addi %add3A_418, %scan3A_377 : i32
      %get3A_420 = arith.constant 0 : i32
      %get3A_421 = arith.constant 0 : i32
      %get3A_422 = tpu.memref_slice %arg7[%scan3A_210, %get3A_420, %get3A_421] : memref<2x200x128xf32, #tpu.memory_space<vmem>> -> memref<1x200x128xf32, #tpu.memory_space<vmem>>
      %get3A_423 = tpu.memref_squeeze %get3A_422 : memref<1x200x128xf32, #tpu.memory_space<vmem>> -> memref<200x128xf32, #tpu.memory_space<vmem>>
      %get3A_424 = arith.index_cast %add3A_419 : i32 to index
      %get3A_425 = arith.constant 32 : index
      %get3A_426 = tpu.vector_load %get3A_423[%get3A_424, %get3A_425] {strides = array<i32>} : memref<200x128xf32, #tpu.memory_space<vmem>>, vector<1x16xf32>,
      %get3A_427 = vector.shape_cast %get3A_426 : vector<1x16xf32> to vector<16xf32>
      %swap3A_428 = arith.constant 0 : i32
      %swap3A_429 = arith.constant 0 : i32
      %swap3A_430 = tpu.memref_slice %arg8[%scan3A_211, %swap3A_428, %swap3A_429] : memref<2x104x64xf32, #tpu.memory_space<vmem>> -> memref<1x104x64xf32, #tpu.memory_space<vmem>>
      %swap3A_431 = tpu.memref_squeeze %swap3A_430 : memref<1x104x64xf32, #tpu.memory_space<vmem>> -> memref<104x64xf32, #tpu.memory_space<vmem>>
      %swap3A_432 = arith.index_cast %scan3A_377 : i32 to index
      %swap3A_433 = arith.constant 32 : index
      %swap3A_434 = tpu.vector_load %swap3A_431[%swap3A_432, %swap3A_433] {strides = array<i32>} : memref<104x64xf32, #tpu.memory_space<vmem>>, vector<1x16xf32>,
      %swap3A_435 = vector.shape_cast %swap3A_434 : vector<1x16xf32> to vector<16xf32>
      %swap3A_436 = vector.shape_cast %get3A_427 : vector<16xf32> to vector<1x16xf32>
      tpu.vector_store %swap3A_431[%swap3A_432, %swap3A_433], %swap3A_436 {strides = array<i32>} : memref<104x64xf32, #tpu.memory_space<vmem>>, vector<1x16xf32>,
      %add3A_437 = arith.addf %add3A_355, %get3A_427 : vector<16xf32>
      %add3A_438 = arith.constant 104 : i32
      %add3A_439 = arith.addi %add3A_438, %scan3A_377 : i32
      %get3A_440 = arith.constant 0 : i32
      %get3A_441 = arith.constant 0 : i32
      %get3A_442 = tpu.memref_slice %arg7[%scan3A_210, %get3A_440, %get3A_441] : memref<2x200x128xf32, #tpu.memory_space<vmem>> -> memref<1x200x128xf32, #tpu.memory_space<vmem>>
      %get3A_443 = tpu.memref_squeeze %get3A_442 : memref<1x200x128xf32, #tpu.memory_space<vmem>> -> memref<200x128xf32, #tpu.memory_space<vmem>>
      %get3A_444 = arith.index_cast %add3A_439 : i32 to index
      %get3A_445 = arith.constant 48 : index
      %get3A_446 = tpu.vector_load %get3A_443[%get3A_444, %get3A_445] {strides = array<i32>} : memref<200x128xf32, #tpu.memory_space<vmem>>, vector<1x16xf32>,
      %get3A_447 = vector.shape_cast %get3A_446 : vector<1x16xf32> to vector<16xf32>
      %swap3A_448 = arith.constant 0 : i32
      %swap3A_449 = arith.constant 0 : i32
      %swap3A_450 = tpu.memref_slice %arg8[%scan3A_211, %swap3A_448, %swap3A_449] : memref<2x104x64xf32, #tpu.memory_space<vmem>> -> memref<1x104x64xf32, #tpu.memory_space<vmem>>
      %swap3A_451 = tpu.memref_squeeze %swap3A_450 : memref<1x104x64xf32, #tpu.memory_space<vmem>> -> memref<104x64xf32, #tpu.memory_space<vmem>>
      %swap3A_452 = arith.index_cast %scan3A_377 : i32 to index
      %swap3A_453 = arith.constant 48 : index
      %swap3A_454 = tpu.vector_load %swap3A_451[%swap3A_452, %swap3A_453] {strides = array<i32>} : memref<104x64xf32, #tpu.memory_space<vmem>>, vector<1x16xf32>,
      %swap3A_455 = vector.shape_cast %swap3A_454 : vector<1x16xf32> to vector<16xf32>
      %swap3A_456 = vector.shape_cast %get3A_447 : vector<16xf32> to vector<1x16xf32>
      tpu.vector_store %swap3A_451[%swap3A_452, %swap3A_453], %swap3A_456 {strides = array<i32>} : memref<104x64xf32, #tpu.memory_space<vmem>>, vector<1x16xf32>,
      %add3A_457 = arith.addf %add3A_375, %get3A_447 : vector<16xf32>
      scf.yield %add3A_397, %add3A_417, %add3A_437, %add3A_457 : vector<16xf32>, vector<16xf32>, vector<16xf32>, vector<16xf32>
    }
    %scan3A_217 = arith.constant 96 : i32
    %add3A_218 = arith.constant 25400 : i32
    %add3A_219 = arith.addi %multiple_of3A, %add3A_218 : i32
    %add3A_220 = arith.constant 104 : i32
    %add3A_221 = arith.addi %add3A_219, %add3A_220 : i32
    %dma_start3A_222 = arith.constant 1 : i32
    %dma_start3A_223 = arith.constant 0 : i32
    %dma_start3A_224 = arith.constant 0 : i32
    %dma_start3A_225 = tpu.memref_slice %arg8[%dma_start3A_222, %dma_start3A_223, %dma_start3A_224] : memref<2x104x64xf32, #tpu.memory_space<vmem>> -> memref<1x96x64xf32, #tpu.memory_space<vmem>>
    %dma_start3A_226 = tpu.memref_squeeze %dma_start3A_225 : memref<1x96x64xf32, #tpu.memory_space<vmem>> -> memref<96x64xf32, #tpu.memory_space<vmem>>
    %dma_start3A_227 = arith.constant 0 : i32
    %dma_start3A_228 = tpu.memref_slice %arg4[%add3A_221, %dma_start3A_227] : memref<819200x64xf32, #tpu.memory_space<hbm>> -> memref<96x64xf32, #tpu.memory_space<hbm>>
    %dma_start3A_229 = arith.constant 0 : i32
    %dma_start3A_230 = tpu.memref_slice %arg4[%add3A_221, %dma_start3A_229] : memref<819200x64xf32, #tpu.memory_space<hbm>> -> memref<96x64xf32, #tpu.memory_space<hbm>>
    %dma_start3A_231 = arith.constant 0 : i32
    %dma_start3A_232 = arith.constant 0 : i32
    %dma_start3A_233 = tpu.memref_slice %arg8[%dma_start3A_222, %dma_start3A_231, %dma_start3A_232] : memref<2x104x64xf32, #tpu.memory_space<vmem>> -> memref<1x96x64xf32, #tpu.memory_space<vmem>>
    %dma_start3A_234 = tpu.memref_squeeze %dma_start3A_233 : memref<1x96x64xf32, #tpu.memory_space<vmem>> -> memref<96x64xf32, #tpu.memory_space<vmem>>
    tpu.enqueue_dma source(%dma_start3A_234 : memref<96x64xf32, #tpu.memory_space<vmem>>) target(%dma_start3A_230 : memref<96x64xf32, #tpu.memory_space<hbm>>) target_semaphore(%arg13 : memref<!tpu.dma_semaphore, #tpu.memory_space<semaphore_mem>>)
    %swap3A_235 = arith.constant 127 : i32
    %swap3A_236 = arith.index_cast %swap3A_235 : i32 to index
    %swap3A_237 = arith.constant 0 : index
    %swap3A_238 = tpu.vector_load %arg9[%swap3A_236, %swap3A_237] {strides = array<i32>} : memref<128x64xf32, #tpu.memory_space<vmem>>, vector<1x16xf32>,
    %swap3A_239 = vector.shape_cast %swap3A_238 : vector<1x16xf32> to vector<16xf32>
    %swap3A_240 = vector.shape_cast %scan3A_216#0 : vector<16xf32> to vector<1x16xf32>
    tpu.vector_store %arg9[%swap3A_236, %swap3A_237], %swap3A_240 {strides = array<i32>} : memref<128x64xf32, #tpu.memory_space<vmem>>, vector<1x16xf32>,
    %swap3A_241 = arith.constant 127 : i32
    %swap3A_242 = arith.index_cast %swap3A_241 : i32 to index
    %swap3A_243 = arith.constant 16 : index
    %swap3A_244 = tpu.vector_load %arg9[%swap3A_242, %swap3A_243] {strides = array<i32>} : memref<128x64xf32, #tpu.memory_space<vmem>>, vector<1x16xf32>,
    %swap3A_245 = vector.shape_cast %swap3A_244 : vector<1x16xf32> to vector<16xf32>
    %swap3A_246 = vector.shape_cast %scan3A_216#1 : vector<16xf32> to vector<1x16xf32>
    tpu.vector_store %arg9[%swap3A_242, %swap3A_243], %swap3A_246 {strides = array<i32>} : memref<128x64xf32, #tpu.memory_space<vmem>>, vector<1x16xf32>,
    %swap3A_247 = arith.constant 127 : i32
    %swap3A_248 = arith.index_cast %swap3A_247 : i32 to index
    %swap3A_249 = arith.constant 32 : index
    %swap3A_250 = tpu.vector_load %arg9[%swap3A_248, %swap3A_249] {strides = array<i32>} : memref<128x64xf32, #tpu.memory_space<vmem>>, vector<1x16xf32>,
    %swap3A_251 = vector.shape_cast %swap3A_250 : vector<1x16xf32> to vector<16xf32>
    %swap3A_252 = vector.shape_cast %scan3A_216#2 : vector<16xf32> to vector<1x16xf32>
    tpu.vector_store %arg9[%swap3A_248, %swap3A_249], %swap3A_252 {strides = array<i32>} : memref<128x64xf32, #tpu.memory_space<vmem>>, vector<1x16xf32>,
    %swap3A_253 = arith.constant 127 : i32
    %swap3A_254 = arith.index_cast %swap3A_253 : i32 to index
    %swap3A_255 = arith.constant 48 : index
    %swap3A_256 = tpu.vector_load %arg9[%swap3A_254, %swap3A_255] {strides = array<i32>} : memref<128x64xf32, #tpu.memory_space<vmem>>, vector<1x16xf32>,
    %swap3A_257 = vector.shape_cast %swap3A_256 : vector<1x16xf32> to vector<16xf32>
    %swap3A_258 = vector.shape_cast %scan3A_216#3 : vector<16xf32> to vector<1x16xf32>
    tpu.vector_store %arg9[%swap3A_254, %swap3A_255], %swap3A_258 {strides = array<i32>} : memref<128x64xf32, #tpu.memory_space<vmem>>, vector<1x16xf32>,
    %dma_wait3A_259 = arith.constant 0 : i32
    %dma_wait3A_260 = arith.constant 0 : i32
    %dma_wait3A_261 = arith.constant 0 : i32
    %dma_wait3A_262 = tpu.memref_slice %arg8[%dma_wait3A_259, %dma_wait3A_260, %dma_wait3A_261] : memref<2x104x64xf32, #tpu.memory_space<vmem>> -> memref<1x104x64xf32, #tpu.memory_space<vmem>>
    %dma_wait3A_263 = tpu.memref_squeeze %dma_wait3A_262 : memref<1x104x64xf32, #tpu.memory_space<vmem>> -> memref<104x64xf32, #tpu.memory_space<vmem>>
    %dma_wait3A_264 = arith.constant 0 : i32
    %dma_wait3A_265 = arith.constant 0 : i32
    %dma_wait3A_266 = tpu.memref_slice %arg4[%dma_wait3A_264, %dma_wait3A_265] : memref<819200x64xf32, #tpu.memory_space<hbm>> -> memref<104x64xf32, #tpu.memory_space<hbm>>
    %dma_wait3A_267 = arith.constant 0 : i32
    %dma_wait3A_268 = arith.constant 0 : i32
    %dma_wait3A_269 = tpu.memref_slice %arg4[%dma_wait3A_267, %dma_wait3A_268] : memref<819200x64xf32, #tpu.memory_space<hbm>> -> memref<104x64xf32, #tpu.memory_space<hbm>>
    %dma_wait3A_270 = arith.constant 0 : i32
    %dma_wait3A_271 = arith.constant 0 : i32
    %dma_wait3A_272 = tpu.memref_slice %arg8[%dma_wait3A_259, %dma_wait3A_270, %dma_wait3A_271] : memref<2x104x64xf32, #tpu.memory_space<vmem>> -> memref<1x104x64xf32, #tpu.memory_space<vmem>>
    %dma_wait3A_273 = tpu.memref_squeeze %dma_wait3A_272 : memref<1x104x64xf32, #tpu.memory_space<vmem>> -> memref<104x64xf32, #tpu.memory_space<vmem>>
    tpu.wait_dma2 semaphore(%arg12 : memref<!tpu.dma_semaphore, #tpu.memory_space<semaphore_mem>>) src(%dma_wait3A_273 : memref<104x64xf32, #tpu.memory_space<vmem>>) dst(%dma_wait3A_269 : memref<104x64xf32, #tpu.memory_space<hbm>>)
    %dma_wait3A_274 = arith.constant 1 : i32
    %dma_wait3A_275 = arith.constant 0 : i32
    %dma_wait3A_276 = arith.constant 0 : i32
    %dma_wait3A_277 = tpu.memref_slice %arg8[%dma_wait3A_274, %dma_wait3A_275, %dma_wait3A_276] : memref<2x104x64xf32, #tpu.memory_space<vmem>> -> memref<1x96x64xf32, #tpu.memory_space<vmem>>
    %dma_wait3A_278 = tpu.memref_squeeze %dma_wait3A_277 : memref<1x96x64xf32, #tpu.memory_space<vmem>> -> memref<96x64xf32, #tpu.memory_space<vmem>>
    %dma_wait3A_279 = arith.constant 0 : i32
    %dma_wait3A_280 = arith.constant 0 : i32
    %dma_wait3A_281 = tpu.memref_slice %arg4[%dma_wait3A_279, %dma_wait3A_280] : memref<819200x64xf32, #tpu.memory_space<hbm>> -> memref<96x64xf32, #tpu.memory_space<hbm>>
    %dma_wait3A_282 = arith.constant 0 : i32
    %dma_wait3A_283 = arith.constant 0 : i32
    %dma_wait3A_284 = tpu.memref_slice %arg4[%dma_wait3A_282, %dma_wait3A_283] : memref<819200x64xf32, #tpu.memory_space<hbm>> -> memref<96x64xf32, #tpu.memory_space<hbm>>
    %dma_wait3A_285 = arith.constant 0 : i32
    %dma_wait3A_286 = arith.constant 0 : i32
    %dma_wait3A_287 = tpu.memref_slice %arg8[%dma_wait3A_274, %dma_wait3A_285, %dma_wait3A_286] : memref<2x104x64xf32, #tpu.memory_space<vmem>> -> memref<1x96x64xf32, #tpu.memory_space<vmem>>
    %dma_wait3A_288 = tpu.memref_squeeze %dma_wait3A_287 : memref<1x96x64xf32, #tpu.memory_space<vmem>> -> memref<96x64xf32, #tpu.memory_space<vmem>>
    tpu.wait_dma2 semaphore(%arg13 : memref<!tpu.dma_semaphore, #tpu.memory_space<semaphore_mem>>) src(%dma_wait3A_288 : memref<96x64xf32, #tpu.memory_space<vmem>>) dst(%dma_wait3A_284 : memref<96x64xf32, #tpu.memory_space<hbm>>)
    %mul3A_289 = arith.constant 128 : i32
    %mul3A_290 = arith.muli %add3A, %mul3A_289 : i32
    %multiple_of3A_291 = tpu.assume_multiple %mul3A_290, 8 : i32
    "tpu.region"() ({
      %run_scoped3A = tpu.sem_alloc : memref<!tpu.dma_semaphore, #tpu.memory_space<semaphore_mem>>
      %dma_start3A_292 = arith.constant 0 : i32
      %dma_start3A_293 = tpu.memref_slice %arg5[%multiple_of3A_291, %dma_start3A_292] : memref<4096x64xf32, #tpu.memory_space<hbm>> -> memref<128x64xf32, #tpu.memory_space<hbm>>
      %dma_start3A_294 = arith.constant 0 : i32
      %dma_start3A_295 = tpu.memref_slice %arg5[%multiple_of3A_291, %dma_start3A_294] : memref<4096x64xf32, #tpu.memory_space<hbm>> -> memref<128x64xf32, #tpu.memory_space<hbm>>
      tpu.enqueue_dma source(%arg9 : memref<128x64xf32, #tpu.memory_space<vmem>>) target(%dma_start3A_295 : memref<128x64xf32, #tpu.memory_space<hbm>>) target_semaphore(%run_scoped3A : memref<!tpu.dma_semaphore, #tpu.memory_space<semaphore_mem>>)
      %dma_wait3A_296 = arith.constant 0 : i32
      %dma_wait3A_297 = tpu.memref_slice %arg5[%multiple_of3A_291, %dma_wait3A_296] : memref<4096x64xf32, #tpu.memory_space<hbm>> -> memref<128x64xf32, #tpu.memory_space<hbm>>
      %dma_wait3A_298 = arith.constant 0 : i32
      %dma_wait3A_299 = tpu.memref_slice %arg5[%multiple_of3A_291, %dma_wait3A_298] : memref<4096x64xf32, #tpu.memory_space<hbm>> -> memref<128x64xf32, #tpu.memory_space<hbm>>
      tpu.wait_dma2 semaphore(%run_scoped3A : memref<!tpu.dma_semaphore, #tpu.memory_space<semaphore_mem>>) src(%arg9 : memref<128x64xf32, #tpu.memory_space<vmem>>) dst(%dma_wait3A_299 : memref<128x64xf32, #tpu.memory_space<hbm>>)
      tpu.yield
    }) : () -> ()
    return
  }
}

module attributes {stable_mosaic.version = 14 : i64} {
  func.func @_proj_body(%arg0: memref<4096x64xf32, #tpu.memory_space<vmem>>, %arg1: memref<64x64xf32, #tpu.memory_space<vmem>>, %arg2: memref<1x64xf32, #tpu.memory_space<vmem>>, %arg3: memref<4096x64xf32, #tpu.memory_space<vmem>>) attributes {dimension_semantics = [], scalar_prefetch = 0 : i64, scratch_operands = 0 : i64, tpu.core_type = #tpu.core_type<tc>} {
    %get3A = arith.constant 0 : index
    %get3A_0 = arith.constant 0 : index
    %get3A_1 = vector.load %arg0[%get3A, %get3A_0] : memref<4096x64xf32, #tpu.memory_space<vmem>>, vector<4096x64xf32>
    %mul3A = arith.constant 5.000000e-03 : f32
    %mul3A_2 = vector.broadcast %mul3A : f32 to vector<4096x64xf32>
    %mul3A_3 = arith.mulf %get3A_1, %mul3A_2 : vector<4096x64xf32>
    %get3A_4 = arith.constant 0 : index
    %get3A_5 = arith.constant 0 : index
    %get3A_6 = vector.load %arg1[%get3A_4, %get3A_5] : memref<64x64xf32, #tpu.memory_space<vmem>>, vector<64x64xf32>
    %dot_general3A = arith.constant dense<0.000000e+00> : vector<4096x64xf32>
    %dot_general3A_7 = tpu.matmul %mul3A_3, %get3A_6, %dot_general3A {dimension_numbers = #tpu.dot_dimension_numbers<[1], [1], [0], [0], [0, 0, 1, 0], [], []>, transpose_lhs_hint = false} : vector<4096x64xf32>, vector<64x64xf32>, vector<4096x64xf32> -> vector<4096x64xf32>
    %get3A_8 = arith.constant 0 : index
    %get3A_9 = arith.constant 0 : index
    %get3A_10 = vector.load %arg2[%get3A_8, %get3A_9] : memref<1x64xf32, #tpu.memory_space<vmem>>, vector<1x64xf32>
    %add3A = vector.broadcast %get3A_10 : vector<1x64xf32> to vector<4096x64xf32>
    %add3A_11 = arith.addf %dot_general3A_7, %add3A : vector<4096x64xf32>
    %swap3A = arith.constant 0 : index
    %swap3A_12 = arith.constant 0 : index
    %swap3A_13 = vector.load %arg3[%swap3A, %swap3A_12] : memref<4096x64xf32, #tpu.memory_space<vmem>>, vector<4096x64xf32>
    tpu.vector_store %arg3[%swap3A, %swap3A_12], %add3A_11 {strides = array<i32>} : memref<4096x64xf32, #tpu.memory_space<vmem>>, vector<4096x64xf32>,
    return
  }
}

module attributes {stable_mosaic.version = 14 : i64} {
  func.func @_prep_body(%arg0: i32, %arg1: memref<64x8192xf32, #tpu.memory_space<vmem>>, %arg2: memref<8192x128xf32, #tpu.memory_space<vmem>>) attributes {dimension_semantics = [#tpu.dimension_semantics<arbitrary>], iteration_bounds = array<i64: 123>, scalar_prefetch = 0 : i64, scratch_operands = 0 : i64, tpu.core_type = #tpu.core_type<tc>, window_params = [{transform_indices = @transform_0, window_bounds = array<i64: 64, 8192>}, {transform_indices = @transform_1, window_bounds = array<i64: 8192, 128>}]} {
    %get3A = arith.constant 0 : index
    %get3A_0 = arith.constant 0 : index
    %get3A_1 = vector.load %arg1[%get3A, %get3A_0] : memref<64x8192xf32, #tpu.memory_space<vmem>>, vector<64x8192xf32>
    %transpose3A = tpu.transpose %get3A_1, [1, 0] : vector<64x8192xf32> -> vector<8192x64xf32>
    %swap3A = arith.constant 0 : index
    %swap3A_2 = arith.constant 0 : index
    %swap3A_3 = vector.load %arg2[%swap3A, %swap3A_2] : memref<8192x128xf32, #tpu.memory_space<vmem>>, vector<8192x64xf32>
    tpu.vector_store %arg2[%swap3A, %swap3A_2], %transpose3A {strides = array<i32>} : memref<8192x128xf32, #tpu.memory_space<vmem>>, vector<8192x64xf32>,
    return
  }
  func.func @transform_0(%arg0: i32) -> (i32, i32) {
    %c0_i32 = arith.constant 0 : i32
    %c0_i32_0 = arith.constant 0 : i32
    return %c0_i32, %arg0 : i32, i32
  }
  func.func @transform_1(%arg0: i32) -> (i32, i32) {
    %c0_i32 = arith.constant 0 : i32
    %c0_i32_0 = arith.constant 0 : i32
    return %arg0, %c0_i32 : i32, i32
  }
}

</mosaic_0001>

<sc_bundles>
// kernel: kernel.5.cloned.1.call-start
scs
__scs_entry_jumppad:
0x0: {  	(pc) =	sbr.rel $0x88, $3  }
0x1: {  	(tag) =	ssettag $0x0;
	lr =	simm.s32 $0x1  }
0x2: {  	[smem:$0x3F9D] =	sst lr;
	_ =	strace $0xD0000000  }
0x3: {  	_ = 	snop  }
0x4: {  	_ = 	snop  }
0x5: {  	_ = 	snop  }
0x6: {  	_ = 	snop  }
0x7: {  	_ = 	snop  }
__scs_overlays_trampoline_lowered:
0x8: {  	[smem:$0x3FAC] =	sst s0  }
0x9: {  	[smem:$0x3FAD] =	sst s1  }
0xa: {  	[smem:$0x3FAE] =	sst s2  }
0xb: {  	[smem:$0x3FAF] =	sst s3  }
0xc: {  	[smem:$0x3FB0] =	sst s4  }
0xd: {  	[smem:$0x3FB1] =	sst s5  }
0xe: {  	[smem:$0x3FB2] =	sst s6  }
0xf: {  	[smem:$0x3FB3] =	sst s7  }
0x10: {  	[smem:$0x3FB4] =	sst s8  }
0x11: {  	[smem:$0x3FB5] =	sst s9;
	s0 =	simm.s32 @!p0 $0x0  }
0x12: {  	s1 =	sld [smem:$0x3F9B];
	s0 =	simm.s32 @p0 $0x1  }
0x13: {  	[smem:$0x3FB6] =	sst s0;
	s0 =	simm.s32 @!p1 $0x0  }
0x14: {  	s2 =	sld [smem:$0x3F9A];
	s0 =	simm.s32 @p1 $0x1  }
0x15: {  	[smem:$0x3FB7] =	sst s0;
	s0 =	simm.s32 @!p2 $0x0  }
0x16: {  	s3 =	sld [smem:$0x3FDB];
	s0 =	simm.s32 @p2 $0x1  }
0x17: {  	s4 =	simm.s32 $0x1BF5;
	[smem:$0x3FB9] =	sst s0  }
0x18: {  	s0 =	sld [smem:$0x3F9C];
	_ =	swait.ge [sflag:s4], $0x0  }
0x19: {  	s7 =	sld [smem:$0x3F9D]  }
0x1a: {  	s8 =	sadd.s32 $0xFFFFE003, lr  }
0x1b: {  	s9 =	sadd.s32 $0xFFFFFEF7, lr;
	s5 =	simm.s32 $0xFFFFFFFF;
	p2 =	slt.u32 s8, $0xFFFFF086  }
0x1c: {  	p1 =	slt.u32 s9, $0xF7A;
	s5 =	simm.s32 @!p2 $0x0  }
0x1d: {  	s5 =	simm.s32 @p1 $0x1;
	p0 =	seq.s32 s7, s2  }
0x1e: {  	s7 =	smul.u32 @!p0 $0xF7A, s2;
	p2 =	seq.s32 @!p0 s5, $0x0  }
0x1f: {  	s9 =	smul.u32 $0xF7A, s1;
	s8 =	simm.s32 @!p0 $0x1BF5;
	p2 =	por !p2, p0  }
0x20: {  	[sflag:s8] =	ssyncset.s32 @!p0 $0xFFFFF086;
	s6 =	sadd.s32 @!p0 s3, s7;
	s7 =	simm.s32 @!p0 $0x108  }
0x21: {  	s3 =	sadd.s32 s3, s9;
	s6 =	sadd.s32 @!p0 $0x88, s6;
	s7 =	simm.s32 @p2 $0x1082  }
0x22: {  	[simem:s7], [sflag:s8] =	dma.local @!p0 [hbm:s6], $0xF7A  }
0x23: {  	s9 =	sor.u32 $0xD0000000, s2;
	s6 =	simm.s32 $0x108;
	_ =	swait.ge @!p0 [sflag:s8], $0x0  }
0x24: {  	s3 =	sadd.s32 $0x88, s3;
	s6 =	simm.s32 @!p1 $0x1082;
	[sflag:s4] =	ssyncset.s32 $0xFFFFF086  }
0x25: {  	[simem:s6], [sflag:s4] =	dma.local [hbm:s3], $0xF7A  }
0x26: {  	[smem:$0x3F9D] =	sst s1;
	(tag) =	ssettag s2;
	_ =	strace s9  }
0x27: {  	s1 =	sld [smem:$0x3FAD]  }
0x28: {  	s2 =	sld [smem:$0x3FAE]  }
0x29: {  	s4 =	sld [smem:$0x3FB0]  }
0x2a: {  	p0 =	seq.s32 s5, $0x0;
	s5 =	sld [smem:$0x3FB1]  }
0x2b: {  	s6 =	sld [smem:$0x3FB2]  }
0x2c: {  	s7 =	sld [smem:$0x3FB3]  }
0x2d: {  	s3 =	simm.s32 $0x108;
	s8 =	sld [smem:$0x3FB4]  }
0x2e: {  	s3 =	simm.s32 @!p0 $0x1082;
	s9 =	sld [smem:$0x3FB5]  }
0x2f: {  	lr =	sadd.s32 s0, s3;
	s0 =	sld [smem:$0x3FAC]  }
0x30: {  	s3 =	sld [smem:$0x3FAF]  }
0x31: {  	[smem:$0x3FB8] =	sst s10  }
0x32: {  	s10 =	sld [smem:$0x3FB6];
	_ =	sdelay $0x3  }
0x33: {  	p0 =	seq.s32 s10, $0x1;
	s10 =	sld [smem:$0x3FB8];
	_ =	sdelay $0x3  }
0x34: {  	[smem:$0x3FB8] =	sst s10  }
0x35: {  	s10 =	sld [smem:$0x3FB7];
	_ =	sdelay $0x3  }
0x36: {  	p1 =	seq.s32 s10, $0x1;
	s10 =	sld [smem:$0x3FB8];
	_ =	sdelay $0x3  }
0x37: {  	[smem:$0x3FB8] =	sst s10  }
0x38: {  	s10 =	sld [smem:$0x3FB9]  }
0x39: {  	_ = 	snop;
	(pc) =	sbr.ind lr, $3  }
0x3a: {  	_ = 	snop  }
0x3b: {  	_ = 	snop  }
0x3c: {  	p2 =	seq.s32 s10, $0x1;
	s10 =	sld [smem:$0x3FB8]  }
0x3d: {  	_ =	shalt  }
0x3e: {  	_ =	shalt  }
0x3f: {  	_ =	shalt  }
0x40: {  	_ =	shalt  }
0x41: {  	_ =	shalt  }
0x42: {  	_ =	shalt  }
0x43: {  	_ =	shalt  }
0x44: {  	_ =	shalt  }
0x45: {  	_ =	shalt  }
0x46: {  	_ =	shalt  }
0x47: {  	_ =	shalt  }
0x48: {  	_ =	shalt  }
0x49: {  	_ =	shalt  }
0x4a: {  	_ =	shalt  }
0x4b: {  	_ =	shalt  }
0x4c: {  	_ =	shalt  }
0x4d: {  	_ =	shalt  }
0x4e: {  	_ =	shalt  }
0x4f: {  	_ =	shalt  }
0x50: {  	_ =	shalt  }
0x51: {  	_ =	shalt  }
0x52: {  	_ =	shalt  }
0x53: {  	_ =	shalt  }
0x54: {  	_ =	shalt  }
0x55: {  	_ =	shalt  }
0x56: {  	_ =	shalt  }
0x57: {  	_ =	shalt  }
0x58: {  	_ =	shalt  }
0x59: {  	_ =	shalt  }
0x5a: {  	_ =	shalt  }
0x5b: {  	_ =	shalt  }
0x5c: {  	_ =	shalt  }
0x5d: {  	_ =	shalt  }
0x5e: {  	_ =	shalt  }
0x5f: {  	_ =	shalt  }
0x60: {  	_ =	shalt  }
0x61: {  	_ =	shalt  }
0x62: {  	_ =	shalt  }
0x63: {  	_ =	shalt  }
0x64: {  	_ =	shalt  }
0x65: {  	_ =	shalt  }
0x66: {  	_ =	shalt  }
0x67: {  	_ =	shalt  }
0x68: {  	_ =	shalt  }
0x69: {  	_ =	shalt  }
0x6a: {  	_ =	shalt  }
0x6b: {  	_ =	shalt  }
0x6c: {  	_ =	shalt  }
0x6d: {  	_ =	shalt  }
0x6e: {  	_ =	shalt  }
0x6f: {  	_ =	shalt  }
0x70: {  	_ =	shalt  }
0x71: {  	_ =	shalt  }
0x72: {  	_ =	shalt  }
0x73: {  	_ =	shalt  }
0x74: {  	_ =	shalt  }
0x75: {  	_ =	shalt  }
0x76: {  	_ =	shalt  }
0x77: {  	_ =	shalt  }
0x78: {  	_ =	shalt  }
0x79: {  	_ =	shalt  }
0x7a: {  	_ =	shalt  }
0x7b: {  	_ =	shalt  }
0x7c: {  	_ =	shalt  }
0x7d: {  	_ =	shalt  }
0x7e: {  	_ =	shalt  }
0x7f: {  	_ =	shalt  }
0x80: {  	_ =	shalt  }
0x81: {  	_ =	shalt  }
0x82: {  	_ =	shalt  }
0x83: {  	_ =	shalt  }
0x84: {  	_ =	shalt  }
0x85: {  	_ =	shalt  }
0x86: {  	_ =	shalt  }
0x87: {  	_ =	shalt  }
.Lfunc_end0:
.L_simem_size_0:
called_computation.1_lowered:
.L_overlay_start_0:
0x88: {  	s2 =	sld [smem:$0x3FD9]  }
0x89: {  	s3 =	sld [smem:$0x3FFE];
	_ =	sdelay $0x1  }
0x8a: {  	s1 =	srdreg.scid  }
0x8b: {  	s0 =	sand.u32 $0x1, s1  }
0x8c: {  	s14 =	sshll.u32 s0, $0xA;
	s2 =	sadd.s32 s3, s2  }
0x8d: {  	s2 =	sadd.s32 s2, s14  }
0x8e: {  	[smem:$0x3FC4] =	sst s2  }
0x8f: {  	_ = 	snop  }
0x90: {  	s2 =	sld [smem:$0x3FD0];
	_ =	sdelay $0x2  }
0x91: {  	s15 =	simm.s32 $0xA;
	s4 =	simm.s32 $0x10  }
0x92: {  	[smem:s4], [sflag:s15] =	dma.local [hbm:s2], $0x1  }
0x93: {  	_ =	swait.eq [sflag:s15], $0x1  }
0x94: {  	[sflag:s15] =	ssyncset.done $0x0  }
0x95: {  	[sflag:s15] =	ssyncadd.s32 $0xFFFFFFFF  }
0x96: {  	s16 =	sld [smem:$0x10];
	(tm) =	ssettm $0x1  }
0x97: {  	s17 =	sld [smem:$0x3FFB];
	_ =	sdelay $0x3  }
0x98: {  	_ =	strace s17  }
0x99: {  	s3 =	sld [smem:$0x3FFC];
	_ =	sdelay $0x3  }
0x9a: {  	_ =	strace s3  }
0x9b: {  	s3 =	sld [smem:$0x3FFD];
	_ =	sdelay $0x3  }
0x9c: {  	_ =	strace s3  }
0x9d: {  	_ =	strace $0x8FFFFFFF  }
0x9e: {  	s18 =	sld [smem:$0x3FDB];
	_ =	sdelay $0x1  }
0x9f: {  	s19 =	simm.s32 $_scs_section_size  }
0xa0: {  	s5 =	simm.s32 $_size__tile_overlayer_lowered;
	s6 =	simm.s32 $_tile_overlayer_lowered  }
0xa1: {  	s22 =	simm.s32 $0x1BFF;
	s21 =	sshll.u32 s6, $0x1;
	s3 =	sadd.s32 s19, s18  }
0xa2: {  	s7 =	simm.s32 $0x0;
	s20 =	sshll.u32 s5, $0x1;
	s5 =	sadd.s32 s21, s3  }
0xa3: {  	[timem:s7], [sflag:s22] =	dma.local [hbm:s5], s20  }
0xa4: {  	_ =	swait.ge [sflag:s22], s20  }
0xa5: {  	s4 =	ssub.s32 $0x0, s20;
	[sflag:s22] =	ssyncset.done $0x0  }
0xa6: {  	[sflag:s22] =	ssyncadd.s32 s4;
	_ =	sdelay $0x1  }
0xa7: {  	s23 =	simm.s32 $0x1B8B  }
0xa8: {  	_ =	swait.ge [sflag:s23], $0x1  }
0xa9: {  	[sflag:s23] =	ssyncset.done $0x0  }
0xaa: {  	s25 =	simm.s32 $0x1B8E;
	s24 =	sld [smem:$0x3FFE];
	[sflag:s23] =	ssyncadd.s32 $0xFFFFFFFF  }
0xab: {  	s26 =	simm.s32 $execute0_lowered;
	[smem:$0x3FD2] =	sst s25  }
0xac: {  	s5 =	sshll.u32 s26, $0x1;
	_ =	strace $0x80000046;
	[dreg:$0x1] =	wrdreg $0xFFFFFFFF  }
0xad: {  	s28 =	simm.s32 $_size_execute0_lowered;
	s3 =	sadd.s32 s3, s5;
	[dreg:$0x0] =	wrdreg $0x0  }
0xae: {  	s5 =	sshll.u32 s28, $0x1;
	[dreg:$0x2] =	wrdreg s3  }
0xaf: {  	[dreg:$0x3] =	wrdreg s5  }
0xb0: {  	[dreg:$0x4] =	wrdreg $0xC0  }
0xb1: {  	_ =	task [dreg:s7], $0x5FFFF  }
0xb2: {  	[dreg:$0x1] =	wrdreg $0xFFFFFFFF  }
0xb3: {  	[dreg:$0x0] =	wrdreg $0x60  }
0xb4: {  	[dreg:$0x2] =	wrdreg s16  }
0xb5: {  	[dreg:$0x3] =	wrdreg s24  }
0xb6: {  	[dreg:$0x4] =	wrdreg $0x9  }
0xb7: {  	_ =	task.clear_ibuf [dreg:s7], $0x5FFFF;
	_ =	strace $0x90000046  }
0xb8: {  	s29 =	simm.s32 $0x9;
	_ =	strace $0x80000048  }
0xb9: {  	_ =	swait.ge [sflag:s29], $0x1  }
0xba: {  	[sflag:s29] =	ssyncadd.s32 $0xFFFFFFFF  }
0xbb: {  	_ =	strace $0x90000048  }
0xbc: {  	_ =	sfence  }
0xbd: {  	s30 =	sld [smem:$0x0];
	_ =	sdelay $0x2  }
0xbe: {  	s31 =	sshll.u32 s1, $0xD;
	s1 =	sshrl.u32 s1, $0x2  }
0xbf: {  	s3 =	sand.u32 $0x4000, s31;
	s1 =	sadd.s32 s1, s30  }
0xc0: {  	s0 =	sor.u32 s3, s0;
	s1 =	sshll.u32 s1, $0x11  }
0xc1: {  	s0 =	sor.u32 s1, s0  }
0xc2: {  	s0 =	sadd.s32 $0x8F2B, s0  }
0xc3: {  	[sflag:s0] =	ssyncadd.remote.s32 $0x1  }
0xc4: {  	_ =	sfence.sel $0xFFFF  }
0xc5: {  	[dreg:$0x0] =	wrdreg $0xFFFFFFFF;
	(pc) =	sbr.abs _section_cstart, $3  }
0xc6: {  	[dreg:$0x1] =	wrdreg $0xFFFFFFFF  }
0xc7: {  	_ =	task.clear_ibuf [dreg:s7], $0x2FFFF;
	_ =	strace $0x9FFFFFFF  }
0xc8: {  	(tm) =	ssettm $0x7FFFFFFF  }
0xc9: {  	_ =	shalt  }
tec
execute0_lowered:
.L_overlay_start_1:
0x0: {  	(tag) =	ssettag $0x1  }
0x1: {  	s0 =	rddreg [dreg:$0x0]  }
0x2: {  	s1 =	rddreg [dreg:$0x1];
	s2 =	simm.s32 $0x0;
	s3 =	srdreg.scid  }
0x3: {  	s4 =	stileid.u32;
	s14 =	simm.s32 $0x5;
	s15 =	simm.s32 $0x68  }
0x4: {  	s16 =	simm.s32 $0x6400;
	s17 =	simm.s32 $0x60;
	s18 =	simm.s32 $0x9800  }
0x5: {  	s19 =	simm.s32 $0x1;
	s21 =	simm.s32 $0xC800;
	s28 =	simm.s32 $0x3  }
0x6: {  	s29 =	simm.s32 $0x4;
	s5 =	sand.u32 $0x1, s3;
	s6 =	sshll.u32 s4, $0x1  }
0x7: {  	s31 =	simm.s32 $0x0;
	[smem:$0x7FF] =	sst s2;
	s6 =	sor.u32 s5, s6  }
0x8: {  	s4 =	sadd.s32 $0xF53600, s1;
	s8 =	ssub.s32 $0x2, s5;
	s5 =	smul.u32 $0x6400, s6  }
0x9: {  	s3 =	sadd.s32 $0x1200, s1;
	_ =	strace $0x80000047;
	s10 =	smul.u32 $0x320000, s6  }
0xa: {  	s7 =	sshll.u32 s6, $0xB;
	s22 =	sshrl.u32 s8, $0x1;
	s6 =	smul.u32 $0x64000, s6  }
0xb: {  	s9 =	sadd.s32 s7, s1;
	s8 =	ssub.s32 s8, s22;
	s7 =	sadd.s32 $0xF53C80, s1  }
0xc: {  	s23 =	sshrl.u32 s5, $0x3;
	s24 =	sshrl.u32 s10, $0x3;
	s25 =	sadd.s32 s4, s6  }
0xd: {  	s26 =	sadd.s32 s6, s7;
	s12 =	sadd.s32 $0xF43600, s9;
	[dreg:$0x4] =	wrdreg s25  }
0xe: {  	s13 =	smax.u32 s8, $0x1;
	s0 =	sadd.s32 s0, s23;
	[dreg:$0x5] =	wrdreg s26  }
0xf: {  	s23 =	simm.s32 $0xFC00;
	[dreg:$0x3] =	wrdreg s0;
	s0 =	sadd.s32 s4, s24  }
0x10: {  	s25 =	simm.s32 $0x16000;
	s26 =	simm.s32 $0x2;
	s30 =	sadd.s32 $0x63380, s0  }
0x11: {  	s24 =	simm.s32 $0x12C00;
	s11 =	sadd.s32 $0x63A00, s0;
	[dreg:$0x6] =	wrdreg s30  }
.LBB2_1:
0x12: {  	s0 =	rddreg [dreg:$0x3]  }
0x13: {  	[tilespmem:s2], [sflag:$0x5] =	stream.linear.gather [hbm4b:s0+s2], $0x6400, $0x38;
	[tilespmem:$0x1D400] =	vst v63  }
0x14: {  	_ =	swait.ge [sflag:s14], $0x6400  }
0x15: {  	[sflag:s14] =	ssyncset.done $0x0  }
0x16: {  	[sflag:s14] =	ssyncadd.s32 $0xFFFF9C00  }
0x17: {  	[tilespmem:s16], [sflag:$0x1] =	stream.indirect.gather [hbm4b:s3+s15], $0x80, s2, s15, $0xb8;
	[tilespmem:$0x1D400] =	vst v63  }
0x18: {  	_ = 	snop  }
0x19: {  	[tilespmem:s18], [sflag:$0x1] =	stream.indirect.gather [hbm4b:s3+s17], $0x80, s15, s17, $0xb8;
	[tilespmem:$0x1D400] =	vst v63  }
0x1a: {  	_ =	swait.ge [sflag:s19], $0x6400  }
0x1b: {  	[sflag:s19] =	ssyncset.done $0x0  }
0x1c: {  	s22 =	simm.s32 $0xC8;
	[sflag:s19] =	ssyncadd.s32 $0xFFFF9C00  }
0x1d: {  	[tilespmem:s21], [sflag:$0x2] =	stream.indirect.gather [hbm4b:s3+s15], $0x80, s22, s15, $0xb8;
	[tilespmem:$0x1D400] =	vst v63  }
0x1e: {  	s30 =	simm.s32 $0x130;
	s1 =	simm.s32 $0x6480  }
0x1f: {  	[tilespmem:s23], [sflag:$0x2] =	stream.indirect.gather [hbm4b:s3+s17], $0x80, s30, s17, $0xb8;
	[tilespmem:$0x1D400] =	vst v63  }
0x20: {  	v0 =	vld [tilespmem:s1+$0xFFFFFF80];
	_ =	sdelay $0x3  }
0x21: {  	s0 =	simm.s32 $0x12C80  }
0x22: {  	[tilespmem:s0+$0xFFFFFF80] =	vst v0  }
0x23: {  	v1 =	vld [tilespmem:s1+$0xFFFFFF90];
	_ =	sdelay $0x4  }
0x24: {  	[tilespmem:s0+$0xFFFFFF90] =	vst v1  }
0x25: {  	v2 =	vld [tilespmem:s1+$0xFFFFFFA0];
	_ =	sdelay $0x4  }
0x26: {  	[tilespmem:s0+$0xFFFFFFA0] =	vst v2  }
0x27: {  	v3 =	vld [tilespmem:s1+$0xFFFFFFB0];
	_ =	sdelay $0x4  }
0x28: {  	[tilespmem:s0+$0xFFFFFFB0] =	vst v3  }
0x29: {  	v4 =	vld [tilespmem:s1+$0x0];
	_ =	sdelay $0x4  }
0x2a: {  	[tilespmem:s0+$0x0] =	vst v4  }
0x2b: {  	v5 =	vld [tilespmem:s1+$0x10];
	_ =	sdelay $0x4  }
0x2c: {  	[tilespmem:s0+$0x10] =	vst v5  }
0x2d: {  	v6 =	vld [tilespmem:s1+$0x20];
	_ =	sdelay $0x4  }
0x2e: {  	[tilespmem:s0+$0x20] =	vst v6  }
0x2f: {  	v7 =	vld [tilespmem:s1+$0x30]  }
0x30: {  	v8 =	vimm.f32 $0.0e+00  }
0x31: {  	v0 =	vadd.f32 v0, v8;
	v1 =	vadd.f32 v1, v8  }
0x32: {  	v2 =	vadd.f32 v2, v8;
	v3 =	vadd.f32 v3, v8  }
0x33: {  	v0 =	vadd.f32 v4, v0;
	v1 =	vadd.f32 v5, v1  }
0x34: {  	s20 =	simm.s32 $0x6580;
	v2 =	vadd.f32 v6, v2;
	s1 =	simm.s32 $0x0;
	[tilespmem:s0+$0x30] =	vst v7;
	v3 =	vadd.f32 v7, v3  }
.LBB2_2:
0x35: {  	v4 =	vld [tilespmem:s20+$0xFFFFFF80];
	s1 =	sadd.s32 $0x2, s1  }
0x36: {  	p0 =	slt.u32 s1, $0x66;
	_ =	sdelay $0x2  }
0x37: {  	s0 =	sadd.s32 $0x100, s0  }
0x38: {  	[tilespmem:s0+$0xFFFFFF80] =	vst v4;
	v0 =	vadd.f32 v4, v0  }
0x39: {  	v4 =	vld [tilespmem:s20+$0xFFFFFF90];
	_ =	sdelay $0x4  }
0x3a: {  	[tilespmem:s0+$0xFFFFFF90] =	vst v4;
	v1 =	vadd.f32 v4, v1  }
0x3b: {  	v4 =	vld [tilespmem:s20+$0xFFFFFFA0];
	_ =	sdelay $0x4  }
0x3c: {  	[tilespmem:s0+$0xFFFFFFA0] =	vst v4;
	v2 =	vadd.f32 v4, v2  }
0x3d: {  	v4 =	vld [tilespmem:s20+$0xFFFFFFB0];
	_ =	sdelay $0x4  }
0x3e: {  	[tilespmem:s0+$0xFFFFFFB0] =	vst v4;
	v3 =	vadd.f32 v4, v3  }
0x3f: {  	v4 =	vld [tilespmem:s20+$0x0];
	_ =	sdelay $0x4  }
0x40: {  	[tilespmem:s0+$0x0] =	vst v4;
	v0 =	vadd.f32 v4, v0  }
0x41: {  	v4 =	vld [tilespmem:s20+$0x10];
	_ =	sdelay $0x4  }
0x42: {  	[tilespmem:s0+$0x10] =	vst v4;
	v1 =	vadd.f32 v4, v1  }
0x43: {  	v4 =	vld [tilespmem:s20+$0x20];
	_ =	sdelay $0x4  }
0x44: {  	[tilespmem:s0+$0x20] =	vst v4;
	v2 =	vadd.f32 v4, v2  }
0x45: {  	v4 =	vld [tilespmem:s20+$0x30]  }
.Ltmp0:
0x46: {  	(pc) =	sbr.rel @p0 .LBB2_2-.Ltmp0, $2  }
0x47: {  	_ =	sdelay $0x2  }
0x48: {  	s20 =	sadd.s32 $0x100, s20;
	[tilespmem:s0+$0x30] =	vst v4;
	v3 =	vadd.f32 v4, v3  }
0x49: {  	s0 =	rddreg [dreg:$0x4];
	s1 =	simm.s32 $0x98B0  }
0x4a: {  	[hbm4b:s0+s2] =	stream.linear.scatter [tilespmem:s24], [sflag:$0x3], $0x3400, $0x38;
	[tilespmem:$0x1D400] =	vst v63  }
0x4b: {  	v4 =	vld [tilespmem:s1+$0xFFFFFF50];
	_ =	sdelay $0x3  }
0x4c: {  	s0 =	simm.s32 $0x160B0  }
0x4d: {  	[tilespmem:s0+$0xFFFFFF50] =	vst v4  }
0x4e: {  	v5 =	vld [tilespmem:s1+$0xFFFFFF60];
	_ =	sdelay $0x4  }
0x4f: {  	[tilespmem:s0+$0xFFFFFF60] =	vst v5  }
0x50: {  	v6 =	vld [tilespmem:s1+$0xFFFFFF70];
	_ =	sdelay $0x4  }
0x51: {  	[tilespmem:s0+$0xFFFFFF70] =	vst v6  }
0x52: {  	v7 =	vld [tilespmem:s1+$0xFFFFFF80];
	_ =	sdelay $0x4  }
0x53: {  	[tilespmem:s0+$0xFFFFFF80] =	vst v7  }
0x54: {  	v8 =	vld [tilespmem:s1+$0xFFFFFFD0];
	_ =	sdelay $0x4  }
0x55: {  	[tilespmem:s0+$0xFFFFFFD0] =	vst v8  }
0x56: {  	v9 =	vld [tilespmem:s1+$0xFFFFFFE0];
	_ =	sdelay $0x4  }
0x57: {  	[tilespmem:s0+$0xFFFFFFE0] =	vst v9  }
0x58: {  	v10 =	vld [tilespmem:s1+$0xFFFFFFF0];
	_ =	sdelay $0x4  }
0x59: {  	[tilespmem:s0+$0xFFFFFFF0] =	vst v10  }
0x5a: {  	v11 =	vld [tilespmem:s1+$0x0];
	_ =	sdelay $0x1  }
0x5b: {  	v0 =	vadd.f32 v4, v0;
	v1 =	vadd.f32 v5, v1  }
0x5c: {  	v2 =	vadd.f32 v6, v2;
	v3 =	vadd.f32 v7, v3  }
0x5d: {  	v0 =	vadd.f32 v8, v0;
	v1 =	vadd.f32 v9, v1  }
0x5e: {  	s20 =	simm.s32 $0x99B0;
	v2 =	vadd.f32 v10, v2;
	s1 =	simm.s32 $0x0;
	[tilespmem:s0+$0x0] =	vst v11;
	v3 =	vadd.f32 v11, v3  }
.LBB2_4:
0x5f: {  	v4 =	vld [tilespmem:s20+$0xFFFFFF50];
	s1 =	sadd.s32 $0x2, s1  }
0x60: {  	p0 =	slt.u32 s1, $0x5E;
	_ =	sdelay $0x2  }
0x61: {  	s0 =	sadd.s32 $0x100, s0  }
0x62: {  	[tilespmem:s0+$0xFFFFFF50] =	vst v4;
	v0 =	vadd.f32 v4, v0  }
0x63: {  	v4 =	vld [tilespmem:s20+$0xFFFFFF60];
	_ =	sdelay $0x4  }
0x64: {  	[tilespmem:s0+$0xFFFFFF60] =	vst v4;
	v1 =	vadd.f32 v4, v1  }
0x65: {  	v4 =	vld [tilespmem:s20+$0xFFFFFF70];
	_ =	sdelay $0x4  }
0x66: {  	[tilespmem:s0+$0xFFFFFF70] =	vst v4;
	v2 =	vadd.f32 v4, v2  }
0x67: {  	v4 =	vld [tilespmem:s20+$0xFFFFFF80];
	_ =	sdelay $0x4  }
0x68: {  	[tilespmem:s0+$0xFFFFFF80] =	vst v4;
	v3 =	vadd.f32 v4, v3  }
0x69: {  	v4 =	vld [tilespmem:s20+$0xFFFFFFD0];
	_ =	sdelay $0x4  }
0x6a: {  	[tilespmem:s0+$0xFFFFFFD0] =	vst v4;
	v0 =	vadd.f32 v4, v0  }
0x6b: {  	v4 =	vld [tilespmem:s20+$0xFFFFFFE0];
	_ =	sdelay $0x4  }
0x6c: {  	[tilespmem:s0+$0xFFFFFFE0] =	vst v4;
	v1 =	vadd.f32 v4, v1  }
0x6d: {  	v4 =	vld [tilespmem:s20+$0xFFFFFFF0];
	_ =	sdelay $0x4  }
0x6e: {  	[tilespmem:s0+$0xFFFFFFF0] =	vst v4;
	v2 =	vadd.f32 v4, v2  }
0x6f: {  	v4 =	vld [tilespmem:s20+$0x0]  }
.Ltmp1:
0x70: {  	(pc) =	sbr.rel @p0 .LBB2_4-.Ltmp1, $2  }
0x71: {  	_ =	sdelay $0x2  }
0x72: {  	s20 =	sadd.s32 $0x100, s20;
	[tilespmem:s0+$0x0] =	vst v4;
	v3 =	vadd.f32 v4, v3  }
0x73: {  	s0 =	simm.s32 $0x0;
	s1 =	rddreg [dreg:$0x5]  }
0x74: {  	[hbm4b:s1+s0] =	stream.linear.scatter [tilespmem:s25], [sflag:$0x4], $0x3000, $0x38;
	[tilespmem:$0x1D400] =	vst v63  }
0x75: {  	[tilespmem:$0x19400] =	vst v0  }
0x76: {  	[tilespmem:$0x19410] =	vst v1  }
0x77: {  	[tilespmem:$0x19420] =	vst v2  }
0x78: {  	[tilespmem:$0x19430] =	vst v3  }
.LBB2_6:
0x79: {  	s6 =	sshll.u32 s0, $0x1  }
0x7a: {  	_ =	swait.ge [sflag:s26], $0x6400;
	s1 =	sadd.s32 $0x2, s6  }
0x7b: {  	[sflag:s26] =	ssyncset.done $0x0;
	s20 =	smul.u32 $0xC8, s1  }
0x7c: {  	[sflag:s26] =	ssyncadd.s32 $0xFFFF9C00  }
0x7d: {  	[tilespmem:s16], [sflag:$0x1] =	stream.indirect.gather [hbm4b:s3+s15], $0x80, s20, s15, $0xb8;
	[tilespmem:$0x1D400] =	vst v63  }
0x7e: {  	s8 =	sadd.s32 $0x68, s20  }
0x7f: {  	[tilespmem:s18], [sflag:$0x1] =	stream.indirect.gather [hbm4b:s3+s17], $0x80, s8, s17, $0xb8;
	[tilespmem:$0x1D400] =	vst v63  }
0x80: {  	_ =	swait.ge [sflag:s28], $0x3400  }
0x81: {  	[sflag:s28] =	ssyncset.done $0x0  }
0x82: {  	s30 =	simm.s32 $0x0;
	[sflag:s28] =	ssyncadd.s32 $0xFFFFCC00  }
0x83: {  	v1 =	vld [tilespmem:s30+$0xC880]  }
0x84: {  	v4 =	vld [tilespmem:s30+$0xC890]  }
0x85: {  	v0 =	vld [tilespmem:s30+$0xC800]  }
0x86: {  	v2 =	vld [tilespmem:s30+$0xC810]  }
0x87: {  	v3 =	vld [tilespmem:s30+$0xC820]  }
0x88: {  	v7 =	vimm.f32 $0.0e+00;
	v6 =	vld [tilespmem:s30+$0xC830];
	[tilespmem:s30+$0x12C80] =	vst v1  }
0x89: {  	s22 =	simm.s32 $0x0;
	v10 =	vimm.f32 $0.0e+00;
	v11 =	vimm.f32 $0.0e+00;
	v12 =	vimm.f32 $0.0e+00;
	s8 =	simm.s32 $0x400;
	v5 =	vld [tilespmem:s30+$0xC8A0];
	[tilespmem:s30+$0x12C90] =	vst v4  }
.LBB2_7:
0x8a: {  	s9 =	sshra.s32 s8, $0x2;
	[tilespmem:s30+$0x12C00] =	vst v0;
	v8 =	vld [tilespmem:s30+$0xC8B0]  }
0x8b: {  	s22 =	sadd.s32 $0x2, s22;
	v9 =	vld [tilespmem:s9+$0xC880];
	[tilespmem:s30+$0x12C10] =	vst v2  }
0x8c: {  	v7 =	vadd.f32 v0, v7;
	v10 =	vadd.f32 v2, v10;
	p0 =	slt.u32 s22, $0x66;
	v13 =	vld [tilespmem:s9+$0xC890];
	[tilespmem:s30+$0x12C20] =	vst v3  }
.Ltmp2:
0x8d: {  	v11 =	vadd.f32 v3, v11;
	v0 =	vld [tilespmem:s9+$0xC800];
	[tilespmem:s30+$0x12C30] =	vst v6;
	v6 =	vadd.f32 v6, v12;
	(pc) =	sbr.rel @p0 .LBB2_7-.Ltmp2, $4  }
0x8e: {  	v7 =	vadd.f32 v1, v7;
	v10 =	vadd.f32 v4, v10;
	v2 =	vld [tilespmem:s9+$0xC810];
	[tilespmem:s30+$0x12CA0] =	vst v5  }
0x8f: {  	v11 =	vadd.f32 v5, v11;
	v3 =	vld [tilespmem:s9+$0xC820];
	[tilespmem:s30+$0x12CB0] =	vst v8;
	v12 =	vadd.f32 v8, v6;
	s30 =	smov.u32 s9  }
0x90: {  	v6 =	vld [tilespmem:s30+$0xC830];
	[tilespmem:s30+$0x12C80] =	vst v9;
	v1 =	vmov v9  }
0x91: {  	s8 =	sadd.s32 $0x400, s8;
	[tilespmem:s30+$0x12C90] =	vst v13;
	v5 =	vld [tilespmem:s30+$0xC8A0];
	v4 =	vmov v13  }
0x92: {  	[tilespmem:s30+$0x12C00] =	vst v0;
	v16 =	vld [tilespmem:s30+$0xC8B0];
	s22 =	sor.u32 $0x1, s6  }
0x93: {  	[tilespmem:s30+$0x12C10] =	vst v2;
	s6 =	smul.u32 $0xC8, s22  }
0x94: {  	[tilespmem:s30+$0x12C20] =	vst v3  }
0x95: {  	[tilespmem:s30+$0x12C30] =	vst v6;
	s6 =	sadd.s32 s5, s6  }
0x96: {  	[tilespmem:s30+$0x12CA0] =	vst v5;
	s6 =	sshll.u32 s6, $0x4  }
0x97: {  	s9 =	simm.s32 $0x0;
	[tilespmem:s30+$0x12CB0] =	vst v16;
	s8 =	sadd.s32 s4, s6  }
0x98: {  	[hbm4b:s8+s9] =	stream.linear.scatter [tilespmem:s24], [sflag:$0x3], $0x3400, $0x38;
	[tilespmem:$0x1D400] =	vst v63  }
0x99: {  	_ =	swait.ge [sflag:s29], $0x3000  }
0x9a: {  	[sflag:s29] =	ssyncset.done $0x0  }
0x9b: {  	s30 =	simm.s32 $0x0;
	[sflag:s29] =	ssyncadd.s32 $0xFFFFD000  }
0x9c: {  	v9 =	vld [tilespmem:s30+$0xFC80]  }
0x9d: {  	v15 =	vld [tilespmem:s30+$0xFC90]  }
0x9e: {  	v8 =	vld [tilespmem:s30+$0xFC00]  }
0x9f: {  	v7 =	vadd.f32 v0, v7;
	v2 =	vadd.f32 v2, v10;
	v13 =	vld [tilespmem:s30+$0xFC10]  }
0xa0: {  	v10 =	vadd.f32 v3, v11;
	v11 =	vadd.f32 v6, v12;
	v14 =	vld [tilespmem:s30+$0xFC20]  }
0xa1: {  	v6 =	vadd.f32 v1, v7;
	v3 =	vadd.f32 v4, v2;
	v0 =	vld [tilespmem:s30+$0xFC30];
	[tilespmem:s30+$0x16080] =	vst v9  }
0xa2: {  	v4 =	vadd.f32 v5, v10;
	v2 =	vadd.f32 v16, v11;
	s8 =	simm.s32 $0x0;
	s9 =	simm.s32 $0x400;
	v1 =	vld [tilespmem:s30+$0xFCA0];
	[tilespmem:s30+$0x16090] =	vst v15  }
.LBB2_9:
0xa3: {  	s10 =	sshra.s32 s9, $0x2;
	[tilespmem:s30+$0x16000] =	vst v8;
	v5 =	vld [tilespmem:s30+$0xFCB0]  }
0xa4: {  	s8 =	sadd.s32 $0x2, s8;
	v7 =	vld [tilespmem:s10+$0xFC80];
	[tilespmem:s30+$0x16010] =	vst v13  }
0xa5: {  	v6 =	vadd.f32 v8, v6;
	v3 =	vadd.f32 v13, v3;
	p0 =	slt.u32 s8, $0x5E;
	v10 =	vld [tilespmem:s10+$0xFC90];
	[tilespmem:s30+$0x16020] =	vst v14  }
.Ltmp3:
0xa6: {  	v4 =	vadd.f32 v14, v4;
	v8 =	vld [tilespmem:s10+$0xFC00];
	[tilespmem:s30+$0x16030] =	vst v0;
	v0 =	vadd.f32 v0, v2;
	(pc) =	sbr.rel @p0 .LBB2_9-.Ltmp3, $4  }
0xa7: {  	v6 =	vadd.f32 v9, v6;
	v3 =	vadd.f32 v15, v3;
	v13 =	vld [tilespmem:s10+$0xFC10];
	[tilespmem:s30+$0x160A0] =	vst v1  }
0xa8: {  	v4 =	vadd.f32 v1, v4;
	v14 =	vld [tilespmem:s10+$0xFC20];
	[tilespmem:s30+$0x160B0] =	vst v5;
	v2 =	vadd.f32 v5, v0;
	s30 =	smov.u32 s10  }
0xa9: {  	v0 =	vld [tilespmem:s30+$0xFC30];
	[tilespmem:s30+$0x16080] =	vst v7;
	v9 =	vmov v7  }
0xaa: {  	s9 =	sadd.s32 $0x400, s9;
	[tilespmem:s30+$0x16090] =	vst v10;
	v1 =	vld [tilespmem:s30+$0xFCA0];
	v15 =	vmov v10  }
0xab: {  	[tilespmem:s30+$0x16000] =	vst v8;
	v5 =	vld [tilespmem:s30+$0xFCB0]  }
0xac: {  	[tilespmem:s30+$0x16010] =	vst v13  }
0xad: {  	[tilespmem:s30+$0x16020] =	vst v14  }
0xae: {  	[tilespmem:s30+$0x16030] =	vst v0  }
0xaf: {  	v6 =	vadd.f32 v8, v6;
	[tilespmem:s30+$0x160A0] =	vst v1  }
0xb0: {  	s6 =	sadd.s32 s6, s7;
	s8 =	sshll.u32 s22, $0x7;
	v3 =	vadd.f32 v13, v3;
	[tilespmem:s30+$0x160B0] =	vst v5  }
0xb1: {  	v4 =	vadd.f32 v14, v4;
	v6 =	vadd.f32 v9, v6;
	[hbm4b:s6+s2] =	stream.linear.scatter [tilespmem:s25], [sflag:$0x4], $0x3000, $0x38;
	[tilespmem:$0x1D400] =	vst v63  }
0xb2: {  	v0 =	vadd.f32 v0, v2;
	v2 =	vadd.f32 v15, v3;
	s6 =	sand.u32 $0x3FFFFF80, s8  }
0xb3: {  	v1 =	vadd.f32 v1, v4;
	[tilespmem:s6+$0x19400] =	vst v6  }
0xb4: {  	v0 =	vadd.f32 v5, v0;
	[tilespmem:s6+$0x19410] =	vst v2  }
0xb5: {  	[tilespmem:s6+$0x19420] =	vst v1  }
0xb6: {  	s9 =	smul.u32 $0x640, s0;
	[tilespmem:s6+$0x19430] =	vst v0  }
0xb7: {  	_ =	swait.ge [sflag:s19], $0x6400  }
0xb8: {  	s6 =	sshra.s32 s9, $0x2;
	[sflag:s19] =	ssyncset.done $0x0  }
0xb9: {  	s8 =	sadd.s32 $0x258, s6;
	[sflag:s19] =	ssyncadd.s32 $0xFFFF9C00  }
0xba: {  	[tilespmem:s21], [sflag:$0x2] =	stream.indirect.gather [hbm4b:s3+s15], $0x80, s8, s15, $0xb8;
	[tilespmem:$0x1D400] =	vst v63  }
0xbb: {  	s6 =	sadd.s32 $0x2C0, s6  }
0xbc: {  	[tilespmem:s23], [sflag:$0x2] =	stream.indirect.gather [hbm4b:s3+s17], $0x80, s6, s17, $0xb8;
	[tilespmem:$0x1D400] =	vst v63  }
0xbd: {  	_ =	swait.ge [sflag:s28], $0x3400  }
0xbe: {  	[sflag:s28] =	ssyncset.done $0x0  }
0xbf: {  	s10 =	simm.s32 $0x6480;
	[sflag:s28] =	ssyncadd.s32 $0xFFFFCC00  }
0xc0: {  	v0 =	vld [tilespmem:s10+$0xFFFFFF80];
	_ =	sdelay $0x3  }
0xc1: {  	s22 =	simm.s32 $0x12C80  }
0xc2: {  	[tilespmem:s22+$0xFFFFFF80] =	vst v0  }
0xc3: {  	v1 =	vld [tilespmem:s10+$0xFFFFFF90];
	_ =	sdelay $0x4  }
0xc4: {  	[tilespmem:s22+$0xFFFFFF90] =	vst v1  }
0xc5: {  	v2 =	vld [tilespmem:s10+$0xFFFFFFA0];
	_ =	sdelay $0x4  }
0xc6: {  	[tilespmem:s22+$0xFFFFFFA0] =	vst v2  }
0xc7: {  	v3 =	vld [tilespmem:s10+$0xFFFFFFB0];
	_ =	sdelay $0x4  }
0xc8: {  	[tilespmem:s22+$0xFFFFFFB0] =	vst v3  }
0xc9: {  	v4 =	vld [tilespmem:s10+$0x0];
	_ =	sdelay $0x4  }
0xca: {  	[tilespmem:s22+$0x0] =	vst v4  }
0xcb: {  	v5 =	vld [tilespmem:s10+$0x10];
	_ =	sdelay $0x4  }
0xcc: {  	[tilespmem:s22+$0x10] =	vst v5  }
0xcd: {  	v62 =	vld [tilespmem:s10+$0x20];
	_ =	sdelay $0x4  }
0xce: {  	[tilespmem:s22+$0x20] =	vst v62  }
0xcf: {  	v7 =	vld [tilespmem:s10+$0x30]  }
0xd0: {  	v63 =	vimm.f32 $0.0e+00  }
0xd1: {  	v0 =	vadd.f32 v0, v63;
	v1 =	vadd.f32 v1, v63  }
0xd2: {  	v2 =	vadd.f32 v2, v63;
	v3 =	vadd.f32 v3, v63  }
0xd3: {  	v0 =	vadd.f32 v4, v0;
	v1 =	vadd.f32 v5, v1  }
0xd4: {  	s30 =	simm.s32 $0x0;
	s6 =	simm.s32 $0x6580;
	v2 =	vadd.f32 v62, v2;
	[tilespmem:s22+$0x30] =	vst v7;
	v3 =	vadd.f32 v7, v3  }
.LBB2_11:
0xd5: {  	v4 =	vld [tilespmem:s6+$0xFFFFFF80];
	s30 =	sadd.s32 $0x2, s30  }
0xd6: {  	p0 =	slt.u32 s30, $0x66;
	_ =	sdelay $0x2  }
0xd7: {  	s22 =	sadd.s32 $0x100, s22  }
0xd8: {  	[tilespmem:s22+$0xFFFFFF80] =	vst v4;
	v0 =	vadd.f32 v4, v0  }
0xd9: {  	v4 =	vld [tilespmem:s6+$0xFFFFFF90];
	_ =	sdelay $0x4  }
0xda: {  	[tilespmem:s22+$0xFFFFFF90] =	vst v4;
	v1 =	vadd.f32 v4, v1  }
0xdb: {  	v4 =	vld [tilespmem:s6+$0xFFFFFFA0];
	_ =	sdelay $0x4  }
0xdc: {  	[tilespmem:s22+$0xFFFFFFA0] =	vst v4;
	v2 =	vadd.f32 v4, v2  }
0xdd: {  	v4 =	vld [tilespmem:s6+$0xFFFFFFB0];
	_ =	sdelay $0x4  }
0xde: {  	[tilespmem:s22+$0xFFFFFFB0] =	vst v4;
	v3 =	vadd.f32 v4, v3  }
0xdf: {  	v4 =	vld [tilespmem:s6+$0x0];
	_ =	sdelay $0x4  }
0xe0: {  	[tilespmem:s22+$0x0] =	vst v4;
	v0 =	vadd.f32 v4, v0  }
0xe1: {  	v4 =	vld [tilespmem:s6+$0x10];
	_ =	sdelay $0x4  }
0xe2: {  	[tilespmem:s22+$0x10] =	vst v4;
	v1 =	vadd.f32 v4, v1  }
0xe3: {  	v4 =	vld [tilespmem:s6+$0x20];
	_ =	sdelay $0x4  }
0xe4: {  	[tilespmem:s22+$0x20] =	vst v4;
	v2 =	vadd.f32 v4, v2  }
0xe5: {  	v4 =	vld [tilespmem:s6+$0x30]  }
.Ltmp4:
0xe6: {  	(pc) =	sbr.rel @p0 .LBB2_11-.Ltmp4, $2  }
0xe7: {  	_ =	sdelay $0x2  }
0xe8: {  	s6 =	sadd.s32 $0x100, s6;
	[tilespmem:s22+$0x30] =	vst v4;
	v3 =	vadd.f32 v4, v3  }
0xe9: {  	s6 =	sadd.s32 s5, s20  }
0xea: {  	s20 =	sshll.u32 s6, $0x4  }
0xeb: {  	s6 =	sadd.s32 s4, s20  }
0xec: {  	[hbm4b:s6+s2] =	stream.linear.scatter [tilespmem:s24], [sflag:$0x3], $0x3400, $0x38;
	[tilespmem:$0x1D400] =	vst v63  }
0xed: {  	_ =	swait.ge [sflag:s29], $0x3000  }
0xee: {  	[sflag:s29] =	ssyncset.done $0x0  }
0xef: {  	s10 =	simm.s32 $0x98B0;
	[sflag:s29] =	ssyncadd.s32 $0xFFFFD000  }
0xf0: {  	v4 =	vld [tilespmem:s10+$0xFFFFFF50];
	_ =	sdelay $0x3  }
0xf1: {  	s22 =	simm.s32 $0x160B0  }
0xf2: {  	[tilespmem:s22+$0xFFFFFF50] =	vst v4  }
0xf3: {  	v5 =	vld [tilespmem:s10+$0xFFFFFF60];
	_ =	sdelay $0x4  }
0xf4: {  	[tilespmem:s22+$0xFFFFFF60] =	vst v5  }
0xf5: {  	v6 =	vld [tilespmem:s10+$0xFFFFFF70];
	_ =	sdelay $0x4  }
0xf6: {  	[tilespmem:s22+$0xFFFFFF70] =	vst v6  }
0xf7: {  	v7 =	vld [tilespmem:s10+$0xFFFFFF80];
	_ =	sdelay $0x4  }
0xf8: {  	[tilespmem:s22+$0xFFFFFF80] =	vst v7  }
0xf9: {  	v8 =	vld [tilespmem:s10+$0xFFFFFFD0];
	_ =	sdelay $0x4  }
0xfa: {  	[tilespmem:s22+$0xFFFFFFD0] =	vst v8  }
0xfb: {  	v9 =	vld [tilespmem:s10+$0xFFFFFFE0];
	_ =	sdelay $0x4  }
0xfc: {  	[tilespmem:s22+$0xFFFFFFE0] =	vst v9  }
0xfd: {  	v10 =	vld [tilespmem:s10+$0xFFFFFFF0];
	_ =	sdelay $0x4  }
0xfe: {  	[tilespmem:s22+$0xFFFFFFF0] =	vst v10  }
0xff: {  	v11 =	vld [tilespmem:s10+$0x0];
	_ =	sdelay $0x1  }
0x100: {  	v0 =	vadd.f32 v4, v0;
	v4 =	vadd.f32 v5, v1  }
0x101: {  	v5 =	vadd.f32 v6, v2;
	v3 =	vadd.f32 v7, v3  }
0x102: {  	v1 =	vadd.f32 v8, v0;
	v2 =	vadd.f32 v9, v4  }
0x103: {  	s30 =	simm.s32 $0x0;
	s6 =	simm.s32 $0x99B0;
	v0 =	vadd.f32 v10, v5;
	[tilespmem:s22+$0x0] =	vst v11;
	v3 =	vadd.f32 v11, v3  }
.LBB2_13:
0x104: {  	v4 =	vld [tilespmem:s6+$0xFFFFFF50];
	s30 =	sadd.s32 $0x2, s30  }
0x105: {  	p0 =	slt.u32 s30, $0x5E;
	_ =	sdelay $0x2  }
0x106: {  	s22 =	sadd.s32 $0x100, s22  }
0x107: {  	[tilespmem:s22+$0xFFFFFF50] =	vst v4;
	v1 =	vadd.f32 v4, v1  }
0x108: {  	v4 =	vld [tilespmem:s6+$0xFFFFFF60];
	_ =	sdelay $0x4  }
0x109: {  	[tilespmem:s22+$0xFFFFFF60] =	vst v4;
	v2 =	vadd.f32 v4, v2  }
0x10a: {  	v4 =	vld [tilespmem:s6+$0xFFFFFF70];
	_ =	sdelay $0x4  }
0x10b: {  	[tilespmem:s22+$0xFFFFFF70] =	vst v4;
	v0 =	vadd.f32 v4, v0  }
0x10c: {  	v4 =	vld [tilespmem:s6+$0xFFFFFF80];
	_ =	sdelay $0x4  }
0x10d: {  	[tilespmem:s22+$0xFFFFFF80] =	vst v4;
	v3 =	vadd.f32 v4, v3  }
0x10e: {  	v4 =	vld [tilespmem:s6+$0xFFFFFFD0];
	_ =	sdelay $0x4  }
0x10f: {  	[tilespmem:s22+$0xFFFFFFD0] =	vst v4;
	v1 =	vadd.f32 v4, v1  }
0x110: {  	v4 =	vld [tilespmem:s6+$0xFFFFFFE0];
	_ =	sdelay $0x4  }
0x111: {  	[tilespmem:s22+$0xFFFFFFE0] =	vst v4;
	v2 =	vadd.f32 v4, v2  }
0x112: {  	v4 =	vld [tilespmem:s6+$0xFFFFFFF0];
	_ =	sdelay $0x4  }
0x113: {  	[tilespmem:s22+$0xFFFFFFF0] =	vst v4;
	v0 =	vadd.f32 v4, v0  }
0x114: {  	v4 =	vld [tilespmem:s6+$0x0]  }
.Ltmp5:
0x115: {  	(pc) =	sbr.rel @p0 .LBB2_13-.Ltmp5, $2  }
0x116: {  	_ =	sdelay $0x2  }
0x117: {  	s6 =	sadd.s32 $0x100, s6;
	[tilespmem:s22+$0x0] =	vst v4;
	v3 =	vadd.f32 v4, v3  }
0x118: {  	s6 =	sadd.s32 s20, s7;
	s0 =	sadd.s32 $0x1, s0  }
0x119: {  	[hbm4b:s6+s2] =	stream.linear.scatter [tilespmem:s25], [sflag:$0x4], $0x3000, $0x38;
	[tilespmem:$0x1D400] =	vst v63  }
0x11a: {  	s1 =	sshll.u32 s1, $0x7;
	p0 =	sne.s32 s0, $0x3F  }
.Ltmp6:
0x11b: {  	s1 =	sand.u32 $0x3FFFFF80, s1;
	(pc) =	sbr.rel @p0 .LBB2_6-.Ltmp6, $4  }
0x11c: {  	[tilespmem:s1+$0x19400] =	vst v1  }
0x11d: {  	[tilespmem:s1+$0x19410] =	vst v2  }
0x11e: {  	[tilespmem:s1+$0x19420] =	vst v0  }
0x11f: {  	[tilespmem:s1+$0x19430] =	vst v3  }
0x120: {  	_ =	swait.ge [sflag:s26], $0x6400  }
0x121: {  	[sflag:s26] =	ssyncset.done $0x0  }
0x122: {  	[sflag:s26] =	ssyncadd.s32 $0xFFFF9C00  }
0x123: {  	_ =	swait.ge [sflag:s28], $0x3400  }
0x124: {  	[sflag:s28] =	ssyncset.done $0x0  }
0x125: {  	s0 =	simm.s32 $0x0;
	[sflag:s28] =	ssyncadd.s32 $0xFFFFCC00  }
0x126: {  	v1 =	vld [tilespmem:s0+$0xC880]  }
0x127: {  	v4 =	vld [tilespmem:s0+$0xC890]  }
0x128: {  	v0 =	vld [tilespmem:s0+$0xC800]  }
0x129: {  	v2 =	vld [tilespmem:s0+$0xC810]  }
0x12a: {  	v3 =	vld [tilespmem:s0+$0xC820]  }
0x12b: {  	v8 =	vimm.f32 $0.0e+00;
	v6 =	vld [tilespmem:s0+$0xC830];
	[tilespmem:s0+$0x12C80] =	vst v1  }
0x12c: {  	s1 =	simm.s32 $0x0;
	s6 =	simm.s32 $0x400;
	v13 =	vimm.f32 $0.0e+00;
	v14 =	vimm.f32 $0.0e+00;
	v15 =	vimm.f32 $0.0e+00;
	v5 =	vld [tilespmem:s0+$0xC8A0];
	[tilespmem:s0+$0x12C90] =	vst v4  }
.LBB2_16:
0x12d: {  	s8 =	sshra.s32 s6, $0x2;
	[tilespmem:s0+$0x12C00] =	vst v0;
	v7 =	vld [tilespmem:s0+$0xC8B0]  }
0x12e: {  	s1 =	sadd.s32 $0x2, s1;
	v9 =	vld [tilespmem:s8+$0xC880];
	[tilespmem:s0+$0x12C10] =	vst v2  }
0x12f: {  	v8 =	vadd.f32 v0, v8;
	v11 =	vadd.f32 v2, v13;
	p0 =	slt.u32 s1, $0x66;
	v10 =	vld [tilespmem:s8+$0xC890];
	[tilespmem:s0+$0x12C20] =	vst v3  }
.Ltmp7:
0x130: {  	v12 =	vadd.f32 v3, v14;
	v0 =	vld [tilespmem:s8+$0xC800];
	[tilespmem:s0+$0x12C30] =	vst v6;
	v6 =	vadd.f32 v6, v15;
	(pc) =	sbr.rel @p0 .LBB2_16-.Ltmp7, $4  }
0x131: {  	v8 =	vadd.f32 v1, v8;
	v13 =	vadd.f32 v4, v11;
	v2 =	vld [tilespmem:s8+$0xC810];
	[tilespmem:s0+$0x12CA0] =	vst v5  }
0x132: {  	v14 =	vadd.f32 v5, v12;
	v3 =	vld [tilespmem:s8+$0xC820];
	[tilespmem:s0+$0x12CB0] =	vst v7;
	v15 =	vadd.f32 v7, v6;
	s0 =	smov.u32 s8  }
0x133: {  	v6 =	vld [tilespmem:s0+$0xC830];
	[tilespmem:s0+$0x12C80] =	vst v9;
	v1 =	vmov v9  }
0x134: {  	s6 =	sadd.s32 $0x400, s6;
	[tilespmem:s0+$0x12C90] =	vst v10;
	v5 =	vld [tilespmem:s0+$0xC8A0];
	v4 =	vmov v10  }
0x135: {  	[tilespmem:s0+$0x12C00] =	vst v0;
	v16 =	vld [tilespmem:s0+$0xC8B0]  }
0x136: {  	[tilespmem:s0+$0x12C10] =	vst v2  }
0x137: {  	[tilespmem:s0+$0x12C20] =	vst v3  }
0x138: {  	[tilespmem:s0+$0x12C30] =	vst v6  }
0x139: {  	[tilespmem:s0+$0x12CA0] =	vst v5  }
0x13a: {  	s30 =	simm.s32 $0x0;
	s1 =	rddreg [dreg:$0x6];
	[tilespmem:s0+$0x12CB0] =	vst v16  }
0x13b: {  	[hbm4b:s1+s30] =	stream.linear.scatter [tilespmem:s24], [sflag:$0x3], $0x3400, $0x38;
	[tilespmem:$0x1D400] =	vst v63  }
0x13c: {  	_ =	swait.ge [sflag:s29], $0x3000  }
0x13d: {  	[sflag:s29] =	ssyncset.done $0x0  }
0x13e: {  	s0 =	simm.s32 $0x0;
	[sflag:s29] =	ssyncadd.s32 $0xFFFFD000  }
0x13f: {  	v9 =	vld [tilespmem:s0+$0xFC80]  }
0x140: {  	v12 =	vld [tilespmem:s0+$0xFC90]  }
0x141: {  	v7 =	vld [tilespmem:s0+$0xFC00]  }
0x142: {  	v8 =	vadd.f32 v0, v8;
	v2 =	vadd.f32 v2, v13;
	v10 =	vld [tilespmem:s0+$0xFC10]  }
0x143: {  	v13 =	vadd.f32 v3, v14;
	v14 =	vadd.f32 v6, v15;
	v11 =	vld [tilespmem:s0+$0xFC20]  }
0x144: {  	v6 =	vadd.f32 v1, v8;
	v3 =	vadd.f32 v4, v2;
	v0 =	vld [tilespmem:s0+$0xFC30];
	[tilespmem:s0+$0x16080] =	vst v9  }
0x145: {  	s6 =	simm.s32 $0x400;
	v4 =	vadd.f32 v5, v13;
	v2 =	vadd.f32 v16, v14;
	s1 =	simm.s32 $0x0;
	v1 =	vld [tilespmem:s0+$0xFCA0];
	[tilespmem:s0+$0x16090] =	vst v12  }
.LBB2_18:
0x146: {  	s8 =	sshra.s32 s6, $0x2;
	[tilespmem:s0+$0x16000] =	vst v7;
	v5 =	vld [tilespmem:s0+$0xFCB0]  }
0x147: {  	s1 =	sadd.s32 $0x2, s1;
	v8 =	vld [tilespmem:s8+$0xFC80];
	[tilespmem:s0+$0x16010] =	vst v10  }
0x148: {  	v6 =	vadd.f32 v7, v6;
	v3 =	vadd.f32 v10, v3;
	p0 =	slt.u32 s1, $0x5E;
	v13 =	vld [tilespmem:s8+$0xFC90];
	[tilespmem:s0+$0x16020] =	vst v11  }
.Ltmp8:
0x149: {  	v4 =	vadd.f32 v11, v4;
	v7 =	vld [tilespmem:s8+$0xFC00];
	[tilespmem:s0+$0x16030] =	vst v0;
	v0 =	vadd.f32 v0, v2;
	(pc) =	sbr.rel @p0 .LBB2_18-.Ltmp8, $4  }
0x14a: {  	v6 =	vadd.f32 v9, v6;
	v3 =	vadd.f32 v12, v3;
	v10 =	vld [tilespmem:s8+$0xFC10];
	[tilespmem:s0+$0x160A0] =	vst v1  }
0x14b: {  	v4 =	vadd.f32 v1, v4;
	v11 =	vld [tilespmem:s8+$0xFC20];
	[tilespmem:s0+$0x160B0] =	vst v5;
	v2 =	vadd.f32 v5, v0;
	s0 =	smov.u32 s8  }
0x14c: {  	v0 =	vld [tilespmem:s0+$0xFC30];
	[tilespmem:s0+$0x16080] =	vst v8;
	v9 =	vmov v8  }
0x14d: {  	s6 =	sadd.s32 $0x400, s6;
	[tilespmem:s0+$0x16090] =	vst v13;
	v1 =	vld [tilespmem:s0+$0xFCA0];
	v12 =	vmov v13  }
0x14e: {  	[tilespmem:s0+$0x16000] =	vst v7;
	v5 =	vld [tilespmem:s0+$0xFCB0]  }
0x14f: {  	[tilespmem:s0+$0x16010] =	vst v10  }
0x150: {  	[tilespmem:s0+$0x16020] =	vst v11  }
0x151: {  	v6 =	vadd.f32 v7, v6;
	[tilespmem:s0+$0x16030] =	vst v0  }
0x152: {  	v3 =	vadd.f32 v10, v3;
	[tilespmem:s0+$0x160A0] =	vst v1  }
0x153: {  	v4 =	vadd.f32 v11, v4;
	v6 =	vadd.f32 v9, v6;
	[tilespmem:s0+$0x160B0] =	vst v5  }
0x154: {  	v61 =	vadd.f32 v0, v2;
	v62 =	vadd.f32 v12, v3;
	[hbm4b:s11+s2] =	stream.linear.scatter [tilespmem:s25], [sflag:$0x4], $0x3000, $0x38;
	[tilespmem:$0x1D400] =	vst v63  }
0x155: {  	v63 =	vadd.f32 v1, v4;
	[tilespmem:$0x1D380] =	vst v6  }
0x156: {  	v0 =	vadd.f32 v5, v61;
	[tilespmem:$0x1D390] =	vst v62  }
0x157: {  	[tilespmem:$0x1D3A0] =	vst v63  }
0x158: {  	[tilespmem:$0x1D3B0] =	vst v0  }
0x159: {  	_ =	swait.ge [sflag:s28], $0x3400  }
0x15a: {  	[sflag:s28] =	ssyncset.done $0x0  }
0x15b: {  	[sflag:s28] =	ssyncadd.s32 $0xFFFFCC00  }
0x15c: {  	s31 =	sadd.s32 $0x1, s31;
	_ =	swait.ge [sflag:s29], $0x3000  }
0x15d: {  	p0 =	sne.s32 s31, s13;
	[sflag:s29] =	ssyncset.done $0x0  }
.Ltmp9:
0x15e: {  	s30 =	simm.s32 $0x19400;
	[sflag:s29] =	ssyncadd.s32 $0xFFFFD000;
	(pc) =	sbr.rel @p0 .LBB2_1-.Ltmp9, $4  }
0x15f: {  	[hbm4b:s12+s2] =	stream.linear.scatter [tilespmem:s30], [sflag:$0x5], $0x4000, $0x38;
	[tilespmem:$0x1D400] =	vst v63  }
0x160: {  	_ =	swait.ge [sflag:s14], $0x4000  }
0x161: {  	[sflag:s14] =	ssyncset.done $0x0  }
0x162: {  	[sflag:s14] =	ssyncadd.s32 $0xFFFFC000  }
0x163: {  	_ =	sfence.sel $0x180000  }
0x164: {  	[bflag:$0x0] =	sbarrier.arrive $0xFFFF  }
0x165: {  	_ =	strace $0x90000047  }
0x166: {  	s0 =	stileid.u32;
	[bflag:$0x2] =	sbarrier.arrive $0xFFFF  }
0x167: {  	p0 =	sne.s32 s0, $0x0;
	s0 =	rddreg [dreg:$0x2]  }
0x168: {  	s0 =	sadd.s32 @!p0 $0x100000, s0  }
0x169: {  	[sflag:s0] =	ssyncadd.tile.s32 @!p0 $0x1;
	_ =	shalt  }
.Lfunc_end2:
_tile_overlayer_lowered:
.L_overlay_start_2:
0x16a: {  	(tag) =	ssettag $0x2  }
0x16b: {  	s0 =	rddreg [dreg:$0x0];
	s2 =	stileid.u32  }
0x16c: {  	s1 =	rddreg [dreg:$0x1];
	p0 =	sne.s32 s2, $0x0  }
0x16d: {  	s3 =	rddreg [dreg:$0x2];
	[bflag:$0x3] =	sbarrier.arrive $0xFFFF;
	s2 =	simm.s32 @!p0 $0x1C05  }
0x16e: {  	[timem:s3], [sflag:s2] =	dma.local @!p0 [hbm:s0], s1  }
0x16f: {  	s0 =	simm.s32 @!p0 $0x5  }
0x170: {  	_ =	swait.ge @!p0 [sflag:s0], s1  }
0x171: {  	s1 =	ssub.s32 @!p0 $0x0, s1;
	[sflag:s0] =	ssyncset.done @!p0 $0x0  }
0x172: {  	[sflag:s0] =	ssyncadd.s32 @!p0 s1  }
0x173: {  	[bflag:$0x3] =	sbarrier.arrive $0xFFFF  }
0x174: {  	_ =	shalt  }

// kernel: sparse-core-data-format-call.cloned.1.call-start
scs
called_computation_lowered:
.L_overlay_start_0:
0x0: {  	s2 =	sld [smem:$0x3FD9]  }
0x1: {  	s3 =	sld [smem:$0x3FFE];
	_ =	sdelay $0x1  }
0x2: {  	s1 =	srdreg.scid  }
0x3: {  	s0 =	sand.u32 $0x1, s1  }
0x4: {  	s15 =	sshll.u32 s0, $0xA;
	s2 =	sadd.s32 s3, s2  }
0x5: {  	s2 =	sadd.s32 s2, s15  }
0x6: {  	[smem:$0x3FC4] =	sst s2  }
0x7: {  	_ = 	snop  }
0x8: {  	s2 =	sld [smem:$0x3FD0];
	_ =	sdelay $0x2  }
0x9: {  	s16 =	simm.s32 $0xA;
	s4 =	simm.s32 $0x10  }
0xa: {  	[smem:s4], [sflag:s16] =	dma.local [hbm:s2], $0x1  }
0xb: {  	_ =	swait.eq [sflag:s16], $0x1  }
0xc: {  	[sflag:s16] =	ssyncset.done $0x0  }
0xd: {  	[sflag:s16] =	ssyncadd.s32 $0xFFFFFFFF  }
0xe: {  	s17 =	sld [smem:$0x10];
	(tm) =	ssettm $0x1  }
0xf: {  	s18 =	sld [smem:$0x3FFB];
	_ =	sdelay $0x3  }
0x10: {  	_ =	strace s18  }
0x11: {  	s3 =	sld [smem:$0x3FFC];
	_ =	sdelay $0x3  }
0x12: {  	_ =	strace s3  }
0x13: {  	s3 =	sld [smem:$0x3FFD];
	_ =	sdelay $0x3  }
0x14: {  	_ =	strace s3  }
0x15: {  	_ =	strace $0x8FFFFFFF  }
0x16: {  	s19 =	sld [smem:$0x3FDB];
	_ =	sdelay $0x1  }
0x17: {  	s20 =	simm.s32 $_scs_section_size  }
0x18: {  	s5 =	simm.s32 $_size__tile_overlayer_lowered;
	s6 =	simm.s32 $_tile_overlayer_lowered  }
0x19: {  	s23 =	simm.s32 $0x1BFF;
	s22 =	sshll.u32 s6, $0x1;
	s3 =	sadd.s32 s20, s19  }
0x1a: {  	s7 =	simm.s32 $0x0;
	s21 =	sshll.u32 s5, $0x1;
	s5 =	sadd.s32 s22, s3  }
0x1b: {  	[timem:s7], [sflag:s23] =	dma.local [hbm:s5], s21  }
0x1c: {  	_ =	swait.ge [sflag:s23], s21  }
0x1d: {  	s4 =	ssub.s32 $0x0, s21;
	[sflag:s23] =	ssyncset.done $0x0  }
0x1e: {  	[sflag:s23] =	ssyncadd.s32 s4;
	_ =	sdelay $0x1  }
0x1f: {  	s24 =	simm.s32 $0x1B8B  }
0x20: {  	_ =	swait.ge [sflag:s24], $0x1  }
0x21: {  	[sflag:s24] =	ssyncset.done $0x0  }
0x22: {  	s26 =	simm.s32 $0x1B8E;
	s25 =	sld [smem:$0x3FFE];
	[sflag:s24] =	ssyncadd.s32 $0xFFFFFFFF  }
0x23: {  	s27 =	simm.s32 $execute0_lowered;
	[smem:$0x3FD2] =	sst s26  }
0x24: {  	s5 =	sshll.u32 s27, $0x1;
	_ =	strace $0x80000049;
	[dreg:$0x1] =	wrdreg $0xFFFFFFFF  }
0x25: {  	s28 =	simm.s32 $_size_execute0_lowered;
	s3 =	sadd.s32 s3, s5;
	[dreg:$0x0] =	wrdreg $0x0  }
0x26: {  	s5 =	sshll.u32 s28, $0x1;
	[dreg:$0x2] =	wrdreg s3  }
0x27: {  	[dreg:$0x3] =	wrdreg s5  }
0x28: {  	[dreg:$0x4] =	wrdreg $0xC0  }
0x29: {  	_ =	task [dreg:s7], $0x5FFFF  }
0x2a: {  	[dreg:$0x1] =	wrdreg $0xFFFFFFFF  }
0x2b: {  	[dreg:$0x0] =	wrdreg $0x60  }
0x2c: {  	[dreg:$0x2] =	wrdreg s25  }
0x2d: {  	[dreg:$0x3] =	wrdreg s17  }
0x2e: {  	[dreg:$0x4] =	wrdreg $0x9  }
0x2f: {  	_ =	task.clear_ibuf [dreg:s7], $0x5FFFF;
	_ =	strace $0x90000049  }
0x30: {  	s29 =	simm.s32 $0x9;
	_ =	strace $0x8000004B  }
0x31: {  	_ =	swait.ge [sflag:s29], $0x1  }
0x32: {  	[sflag:s29] =	ssyncadd.s32 $0xFFFFFFFF  }
0x33: {  	_ =	strace $0x9000004B  }
0x34: {  	_ =	sfence  }
0x35: {  	s30 =	sld [smem:$0x0];
	_ =	sdelay $0x2  }
0x36: {  	s31 =	sshll.u32 s1, $0xD;
	s1 =	sshrl.u32 s1, $0x2  }
0x37: {  	s3 =	sand.u32 $0x4000, s31;
	s1 =	sadd.s32 s1, s30  }
0x38: {  	s0 =	sor.u32 s3, s0;
	s1 =	sshll.u32 s1, $0x11  }
0x39: {  	s0 =	sor.u32 s1, s0  }
0x3a: {  	s0 =	sadd.s32 $0x8F2B, s0  }
0x3b: {  	[sflag:s0] =	ssyncadd.remote.s32 $0x1  }
0x3c: {  	_ =	sfence.sel $0xFFFF  }
0x3d: {  	[dreg:$0x0] =	wrdreg $0xFFFFFFFF;
	(pc) =	sbr.abs _section_cstart, $3  }
0x3e: {  	[dreg:$0x1] =	wrdreg $0xFFFFFFFF  }
0x3f: {  	_ =	task.clear_ibuf [dreg:s7], $0x2FFFF;
	_ =	strace $0x9FFFFFFF  }
0x40: {  	(tm) =	ssettm $0x7FFFFFFF  }
0x41: {  	_ =	shalt  }
tec
execute0_lowered:
.L_overlay_start_1:
0x0: {  	(tag) =	ssettag $0x1  }
0x1: {  	s0 =	srdreg.scid  }
0x2: {  	s1 =	sshll.u32 s0, $0x4  }
0x3: {  	s0 =	stileid.u32;
	s1 =	sand.u32 $0x10, s1  }
0x4: {  	s1 =	sor.u32 s0, s1  }
0x5: {  	s6 =	rddreg [dreg:$0x0];
	s4 =	simm.s32 $0x1;
	s2 =	sshll.u32 s1, $0x7  }
0x6: {  	s7 =	simm.s32 $0x2;
	s12 =	simm.s32 $0x0;
	s1 =	ssub.s32 $0x1000, s2  }
0x7: {  	s8 =	simm.s32 $0x8000;
	s13 =	simm.s32 $0x0;
	s3 =	sand.u32 $0xF80, s1  }
0x8: {  	s9 =	simm.s32 $0x0;
	s5 =	sshrl.u32 s1, $0xC;
	p0 =	sne.s32 s3, $0x0  }
.Ltmp0:
0x9: {  	s1 =	rddreg [dreg:$0x2];
	s4 =	simm.s32 @!p0 $0x0;
	(pc) =	sbr.rel .LBB1_1-.Ltmp0, $4  }
0xa: {  	s11 =	simm.s32 $0x0;
	s3 =	rddreg [dreg:$0x1];
	s5 =	sadd.s32 s4, s5  }
0xb: {  	_ =	strace $0x8000004A;
	s4 =	simm.s32 $0x1;
	s5 =	smul.u32 $0xC8, s5  }
0xc: {  	s6 =	sadd.s32 $0xF53600, s6;
	s10 =	smov.u32 s2;
	[sflag:s4] =	ssyncpa.u1 $0x0  }
0xd: {  	p0 =	por $0x0, $0x0;
	[sflag:s7] =	ssyncpa.u1 $0x0;
	s7 =	sor.u32 $0x1, s5  }
.LBB1_4:
0xe: {  	s16 =	sshll.u32 s13, $0x3;
	s17 =	sand.u32 $0x78, s13  }
0xf: {  	s30 =	sand.u32 $0x7E00, s13;
	s12 =	sshll.u32 s12, $0xF;
	s16 =	sand.u32 $0xC00, s16  }
0x10: {  	[tilespmem:s15+$0x810 ss:$0x81] =	vst.msk $0xffff, v2;
	s31 =	sand.u32 $0x7, s13;
	s16 =	sor.u32 s17, s16;
	s17 =	sadd.s32 s3, s30  }
0x11: {  	[tilespmem:s15+$0x1020 ss:$0x81] =	vst.msk $0xffff, v0;
	s13 =	sshll.u32 s31, $0x12;
	s12 =	sadd.s32 s12, s17;
	s16 =	sshrl.u32 s16, $0x3  }
0x12: {  	[tilespmem:s15+$0x0 ss:$0x81] =	vst.msk $0xffff, v1;
	s13 =	sor.u32 $0x400, s13;
	s12 =	sadd.s32 s16, s12  }
0x13: {  	[hbm4b:s12+s13] =	stream.strided.scatter [tilespmem:s14], [sflag:$0x2], $0x2000, s8, s13, $0x20;
	[tilespmem:$0x8080] =	vst v63  }
.LBB1_5:
0x14: {  	s14 =	sadd.s32 $0x1, s9  }
0x15: {  	s12 =	sadd.s32 $0x1000, s10;
	s16 =	smov.u32 s10;
	p2 =	sgt.s32 s14, $0xC7  }
0x16: {  	s16 =	smov.u32 @p2 s12  }
0x17: {  	s14 =	simm.s32 @p2 $0x0;
	p2 =	sgt.s32 s16, $0xFFF  }
0x18: {  	s16 =	smov.u32 @p2 s2;
	p2 =	sne.s32 s11, s7  }
.Ltmp1:
0x19: {  	p1 =	slt.u32 s11, $0x2;
	(pc) =	sbr.rel @!p2 .LBB1_6-.Ltmp1, $4  }
0x1a: {  	s15 =	simm.s32 @!p1 $0x2  }
0x1b: {  	s13 =	smov.u32 s10;
	p0 =	por !p0, !p0;
	_ =	swait.ge @!p1 [sflag:s15], $0x2000  }
0x1c: {  	s12 =	smov.u32 s9;
	[sflag:s15] =	ssyncset.done @!p1 $0x0;
	s9 =	smov.u32 s14  }
0x1d: {  	s11 =	sadd.s32 $0x1, s11;
	[sflag:s15] =	ssyncadd.s32 @!p1 $0xFFFFE000;
	s10 =	smov.u32 s16  }
.LBB1_1:
0x1e: {  	p1 =	sge.u32 s11, s5  }
0x1f: {  	s14 =	sand.u32 @!p1 $0x1FFFFFF, s9  }
0x20: {  	s15 =	smulhi.u32 @!p1 $0x147AE15, s14;
	_ =	sdelay $0x1  }
0x21: {  	s15 =	smul.u32 @!p1 $0xC8, s15  }
0x22: {  	s16 =	sxor.u32 @!p1 $0xFFFFFFFF, s11;
	s17 =	smul.u32 @!p1 $0xC80, s10  }
0x23: {  	s31 =	sadd.s32 $0xFFFFFFFF, s11;
	s16 =	sshll.u32 @!p1 s16, $0xD;
	s14 =	ssub.s32 @!p1 s14, s15  }
0x24: {  	s15 =	sand.u32 @!p1 $0x2000, s16;
	s16 =	sadd.s32 @!p1 s6, s17;
	s14 =	sshll.u32 @!p1 s14, $0x4  }
0x25: {  	s17 =	simm.s32 @!p1 $0x6400;
	s14 =	sadd.s32 @!p1 s14, s16;
	s16 =	simm.s32 @!p1 $0x40  }
0x26: {  	[tilespmem:s15], [sflag:$0x1] =	stream.strided.gather @!p1 [hbm4b:s14+s16], $0x2000, s17, s16, $0x38;
	[tilespmem:$0x8080] =	vst v63  }
0x27: {  	p1 =	sge.u32 s31, s5  }
.Ltmp2:
0x28: {  	_ = 	snop;
	(pc) =	sbr.rel @p1 .LBB1_5-.Ltmp2, $1  }
0x29: {  	_ =	sdelay $0x3  }
0x2a: {  	s14 =	simm.s32 $0x1  }
0x2b: {  	_ =	swait.ge [sflag:s4], $0x2000;
	s14 =	simm.s32 @!p0 $0x0  }
0x2c: {  	[sflag:s4] =	ssyncset.done $0x0;
	s15 =	sshll.u32 s14, $0xD  }
0x2d: {  	[sflag:s4] =	ssyncadd.s32 $0xFFFFE000;
	s18 =	sor.u32 $0x20, s15  }
0x2e: {  	s14 =	smul.u32 $0x8100, s14;
	v3 =	vld [tilespmem:s18+$0x10]  }
0x2f: {  	s30 =	sand.u32 $0x1, s11;
	v2 =	vld [tilespmem:s18+$0xFFFFFFF0]  }
0x30: {  	s15 =	smul.u32 $0x8100, s30;
	s14 =	sshrl.u32 s14, $0x2;
	v0 =	vld [tilespmem:s18+$0x0]  }
0x31: {  	v1 =	vld [tilespmem:s18+$0xFFFFFFE0];
	s16 =	sor.u32 $0x4000, s14  }
0x32: {  	s31 =	sshrl.u32 s15, $0x2;
	s15 =	sadd.s32 $0x0, s16  }
0x33: {  	s17 =	simm.s32 $0x4;
	s18 =	sadd.s32 $0x40, s18;
	s14 =	sor.u32 $0x4000, s31;
	[tilespmem:s15+$0x1830 ss:$0x81] =	vst.msk $0xffff, v3  }
.LBB1_3:
0x34: {  	v3 =	vld [tilespmem:s18+$0x10];
	p1 =	sne.s32 s17, $0x1FC;
	[tilespmem:s15+$0x810 ss:$0x81] =	vst.msk $0xffff, v2;
	s19 =	smov.u32 s17;
	s17 =	sadd.s32 $0x4, s17  }
.Ltmp3:
0x35: {  	v2 =	vld [tilespmem:s18+$0xFFFFFFF0];
	[tilespmem:s15+$0x1020 ss:$0x81] =	vst.msk $0xffff, v0;
	(pc) =	sbr.rel @p1 .LBB1_3-.Ltmp3, $4  }
0x36: {  	v0 =	vld [tilespmem:s18+$0x0];
	[tilespmem:s15+$0x0 ss:$0x81] =	vst.msk $0xffff, v1  }
0x37: {  	s15 =	sshra.s32 s19, $0x2;
	v1 =	vld [tilespmem:s18+$0xFFFFFFE0]  }
0x38: {  	s15 =	sadd.s32 s15, s16  }
0x39: {  	s18 =	sadd.s32 $0x40, s18;
	[tilespmem:s15+$0x1830 ss:$0x81] =	vst.msk $0xffff, v3  }
.Ltmp4:
0x3a: {  	_ = 	snop;
	(pc) =	sbr.rel .LBB1_4-.Ltmp4, $1  }
0x3b: {  	_ =	sdelay $0x3  }
.LBB1_6:
0x3c: {  	_ =	sfence.sel $0x180000  }
0x3d: {  	s2 =	simm.s32 $0x1;
	[bflag:$0x0] =	sbarrier.arrive $0xFFFF  }
0x3e: {  	s31 =	simm.s32 $0x2;
	[sflag:s2] =	ssyncpa.u1 $0x1  }
0x3f: {  	[sflag:s31] =	ssyncpa.u1 $0x1  }
0x40: {  	p0 =	sne.s32 s0, $0x0;
	_ =	strace $0x9000004A  }
0x41: {  	s0 =	sadd.s32 @!p0 $0x100000, s1;
	[bflag:$0x2] =	sbarrier.arrive $0xFFFF  }
0x42: {  	[sflag:s0] =	ssyncadd.tile.s32 @!p0 $0x1;
	_ =	shalt  }
.Lfunc_end1:
_tile_overlayer_lowered:
.L_overlay_start_2:
0x43: {  	(tag) =	ssettag $0x2  }
0x44: {  	s0 =	rddreg [dreg:$0x0];
	s2 =	stileid.u32  }
0x45: {  	s1 =	rddreg [dreg:$0x1];
	p0 =	sne.s32 s2, $0x0  }
0x46: {  	s3 =	rddreg [dreg:$0x2];
	[bflag:$0x3] =	sbarrier.arrive $0xFFFF;
	s2 =	simm.s32 @!p0 $0x1C01  }
0x47: {  	[timem:s3], [sflag:s2] =	dma.local @!p0 [hbm:s0], s1  }
0x48: {  	s0 =	simm.s32 @!p0 $0x1  }
0x49: {  	_ =	swait.ge @!p0 [sflag:s0], s1  }
0x4a: {  	s1 =	ssub.s32 @!p0 $0x0, s1;
	[sflag:s0] =	ssyncset.done @!p0 $0x0  }
0x4b: {  	[sflag:s0] =	ssyncadd.s32 @!p0 s1  }
0x4c: {  	[bflag:$0x3] =	sbarrier.arrive $0xFFFF  }
0x4d: {  	_ =	shalt  }

</sc_bundles>
